<compile_context>
chip_gen: v7x
topology: tpu7x:2x2x1
jax: 0.10.2.dev20260603
libtpu: 0.0.44.dev20260713+nightly
codegen_flags: <defaults>
</compile_context>

<pallas_src>
import functools

import jax
import jax.numpy as jnp
from jax import lax
from jax.experimental import pallas as pl
from jax.experimental.pallas import tpu as pltpu
from jax.experimental.pallas import tpu_sc as plsc

B = 4096
EMB = 64
NUM_PERIOD = 7
NT = 10001
NG = 1000
NJ = 7000
NI = 1000000
GEN = 8
PLEN = 50

OFF_TA = 0
OFF_TB = NT
OFF_G = 2 * NT
OFF_J = 2 * NT + NG
OFF_W2 = ((OFF_J + NJ + 15) // 16) * 16
OFF_BT = OFF_W2 + EMB
OFF_BS = OFF_BT + 16
OFF_BP = OFF_BS + 16
P_TOTAL = OFF_BP + 16

NC, NS = 2, 16
NW = NC * NS
BW = B // NW
LANES = 16
LINE = 128


def _proj_body(et_ref, eg_ref, ej_ref, wt_ref, ws_ref, wp_ref,
               pta_ref, ptb_ref, pg_ref, pj_ref):
    wa = wt_ref[:, 0:EMB] + wt_ref[:, 3 * EMB:4 * EMB]
    wb = wt_ref[:, 2 * EMB:3 * EMB] - wt_ref[:, 0:EMB]
    wab = jnp.concatenate([wa, wb], axis=0)
    pt = jnp.dot(wab, et_ref[:, :], **_DOT)
    pta_ref[:] = pt[0]
    ptb_ref[:] = pt[1]
    pg_ref[:] = jnp.dot(ws_ref[:, :], eg_ref[:, :], **_DOT)[0]
    pj_ref[:] = jnp.dot(wp_ref[:, :], ej_ref[:, :], **_DOT)[0]


ITEM_BLK = 32768
_DOT = dict(precision=jax.lax.Precision.HIGHEST,
            preferred_element_type=jnp.float32)


def _proj_item_body(et_ref, w2_ref, p_ref):
    p_ref[:] = jnp.dot(w2_ref[:, :], et_ref[:, :], **_DOT)[0]


def _project_item(embed_item_t, w2row):
    return pl.pallas_call(
        _proj_item_body,
        grid=((NI + ITEM_BLK - 1) // ITEM_BLK,),
        in_specs=[
            pl.BlockSpec((EMB, ITEM_BLK), lambda i: (0, i)),
            pl.BlockSpec((1, EMB), lambda i: (0, 0)),
        ],
        out_specs=pl.BlockSpec((ITEM_BLK,), lambda i: (i,)),
        out_shape=jax.ShapeDtypeStruct((NI,), jnp.float32),
    )(embed_item_t, w2row)


def _project(embed_time_t, embed_genre_t, embed_joint_t,
             w_time, w_side, w_periodic):
    return pl.pallas_call(
        _proj_body,
        out_shape=[
            jax.ShapeDtypeStruct((NT,), jnp.float32),
            jax.ShapeDtypeStruct((NT,), jnp.float32),
            jax.ShapeDtypeStruct((NG,), jnp.float32),
            jax.ShapeDtypeStruct((NJ,), jnp.float32),
        ],
    )(embed_time_t, embed_genre_t, embed_joint_t, w_time, w_side, w_periodic)


@functools.partial(
    pl.kernel,
    out_type=(
        jax.ShapeDtypeStruct((B,), jnp.float32),
        jax.ShapeDtypeStruct((B,), jnp.float32),
        jax.ShapeDtypeStruct((B,), jnp.float32),
        jax.ShapeDtypeStruct((B,), jnp.float32),
    ),
    mesh=plsc.VectorSubcoreMesh(core_axis_name="c", subcore_axis_name="s"),
    compiler_params=pltpu.CompilerParams(
        needs_layout_passes=False, use_tc_tiling_on_sc=True),
    scratch_types=[
        pltpu.VMEM((BW,), jnp.int32),
        pltpu.VMEM((BW,), jnp.int32),
        pltpu.VMEM((BW,), jnp.int32),
        pltpu.VMEM((BW * GEN,), jnp.int32),
        pltpu.VMEM((BW * PLEN,), jnp.float32),
        pltpu.VMEM((BW,), jnp.float32),
        pltpu.VMEM((P_TOTAL,), jnp.float32),
        pltpu.VMEM((BW,), jnp.float32),
        pltpu.VMEM((BW,), jnp.float32),
        pltpu.VMEM((BW,), jnp.float32),
        pltpu.VMEM((BW,), jnp.float32),
        pltpu.SemaphoreType.DMA,
    ],
)
def _sc_kernel(item_h, tr_h, t_h, genre_h, pop_h, pitem_h, pall_h,
               pop_o, time_o, side_o, per_o,
               item_v, tr_v, t_v, genre_v, pop_v, sitem_v, pall_v,
               pop_b, time_b, side_b, per_b, sem):
    wid = lax.axis_index("s") * NC + lax.axis_index("c")
    base = wid * BW

    pltpu.sync_copy(item_h.at[pl.ds(base, BW)], item_v)
    pltpu.sync_copy(tr_h.at[pl.ds(base, BW)], tr_v)
    pltpu.sync_copy(t_h.at[pl.ds(base, BW)], t_v)
    pltpu.sync_copy(genre_h.at[pl.ds(base * GEN, BW * GEN)], genre_v)
    pltpu.sync_copy(pop_h.at[pl.ds(base * PLEN, BW * PLEN)], pop_v)
    pltpu.sync_copy(pall_h, pall_v)

    lanes = lax.iota(jnp.int32, 16)
    zero16 = jnp.zeros((16,), jnp.float32)
    bt = pall_v[pl.ds(OFF_BT, 16)]
    bs = pall_v[pl.ds(OFF_BS, 16)]
    bp = pall_v[pl.ds(OFF_BP, 16)]

    pltpu.async_copy(pitem_h.at[item_v], sitem_v, sem).wait()

    for g in range(BW // LANES):
        off = g * LANES
        sl = pl.ds(off, LANES)
        rowv = lanes + off
        s_item = sitem_v[sl]

        tr16 = tr_v[sl]
        t16 = t_v[sl]
        s_tre = plsc.load_gather(pall_v, [tr16 + OFF_TA])
        s_te = plsc.load_gather(pall_v, [t16 + OFF_TB])
        tmod = lax.rem(t16, NUM_PERIOD)

        sg = zero16
        sj = zero16
        gbase = rowv * GEN
        for j in range(GEN):
            gv = plsc.load_gather(genre_v, [gbase + j])
            sg = sg + plsc.load_gather(pall_v, [gv + OFF_G])
            jid = (gv * NUM_PERIOD + tmod) * jnp.minimum(gv, 1)
            sj = sj + plsc.load_gather(pall_v, [jid + OFF_J])

        popc = plsc.load_gather(pop_v, [rowv * PLEN])

        pop_b[sl] = popc
        time_b[sl] = jnp.maximum(s_tre + s_te + s_item + bt, 0.0)
        side_b[sl] = jnp.maximum(sg * (1.0 / GEN) + bs, 0.0)
        per_b[sl] = jnp.maximum(sj * (1.0 / GEN) + bp, 0.0)

    pltpu.sync_copy(pop_b, pop_o.at[pl.ds(base, BW)])
    pltpu.sync_copy(time_b, time_o.at[pl.ds(base, BW)])
    pltpu.sync_copy(side_b, side_o.at[pl.ds(base, BW)])
    pltpu.sync_copy(per_b, per_o.at[pl.ds(base, BW)])


def kernel(item, time_release, item_genre, item_director, item_actor, time,
           pop_history, pop_gt, valid_pop_len,
           embed_item, embed_time, embed_genre, embed_joint,
           w_periodic, b_periodic, w_time, b_time, w_side, b_side, attn_w):
    pta, ptb, pg, pj = _project(embed_time.T, embed_genre.T, embed_joint.T,
                                w_time, w_side, w_periodic)
    pitem = _project_item(embed_item.T, w_time[:, EMB:2 * EMB])
    pall = jnp.concatenate([
        pta, ptb, pg, pj,
        jnp.zeros((OFF_W2 - OFF_J - NJ,), jnp.float32),
        w_time[0, EMB:2 * EMB],
        jnp.full((16,), b_time[0], jnp.float32),
        jnp.full((16,), b_side[0], jnp.float32),
        jnp.full((16,), b_periodic[0], jnp.float32),
    ])
    pop_o, time_o, side_o, per_o = _sc_kernel(
        item, time_release, time,
        item_genre.reshape(-1), pop_history.reshape(-1),
        pitem, pall)
    w1 = attn_w[1]
    out = time_o * w1 / w1
    return (pop_o[:, None], time_o[:, None], side_o[:, None], per_o[:, None], out)

# --- scband reference (transcript-rebuilt; emitter-appended) ---
"""Pipeline reference for scband-pop-predict-80487687127452 (READ-ONLY COPY).

The authoritative reference and input builder live on the scoring server;
editing this copy changes nothing except your own understanding.
"""

import jax, jax.numpy as jnp
import numpy as np

B = 4096
EMB = 64
NUM_ITEM = 1000000
MAX_TIME = 10000
NUM_GENRE = 1000
NUM_PERIOD = 7
G = 8
A = 5
L = 50
BETA = 0.9


def setup_inputs(seed: int = 0):
    key = jax.random.key(seed)
    ks = jax.random.split(key, 20)
    inp = {}
    inp["item"] = jax.random.randint(ks[0], (B,), 0, NUM_ITEM, dtype=jnp.int32)
    inp["time_release"] = jax.random.randint(ks[1], (B,), 0, MAX_TIME + 1, dtype=jnp.int32)
    inp["item_genre"] = jax.random.randint(ks[2], (B, G), 0, NUM_GENRE, dtype=jnp.int32)
    inp["item_director"] = jax.random.randint(ks[3], (B,), 0, 1, dtype=jnp.int32)
    inp["item_actor"] = jax.random.randint(ks[4], (B, A), 0, 1, dtype=jnp.int32)
    inp["time"] = jax.random.randint(ks[5], (B,), 0, MAX_TIME + 1, dtype=jnp.int32)
    inp["pop_history"] = jax.random.uniform(ks[6], (B, L), dtype=jnp.float32)
    inp["pop_gt"] = jax.random.uniform(ks[7], (B,), dtype=jnp.float32)
    inp["valid_pop_len"] = jnp.ones((B,), dtype=jnp.int32)
    inp["embed_item"] = jax.random.normal(ks[8], (NUM_ITEM, EMB), dtype=jnp.float32)
    inp["embed_time"] = jax.random.normal(ks[9], (MAX_TIME + 1, EMB), dtype=jnp.float32)
    inp["embed_genre"] = jax.random.normal(ks[10], (NUM_GENRE, EMB), dtype=jnp.float32).at[0].set(0.0)
    inp["embed_joint"] = jax.random.normal(ks[11], (NUM_PERIOD * NUM_GENRE, EMB), dtype=jnp.float32).at[0].set(0.0)
    inp["w_periodic"] = jax.random.normal(ks[12], (1, EMB), dtype=jnp.float32) * 0.1
    inp["b_periodic"] = jnp.zeros((1,), dtype=jnp.float32)
    inp["w_time"] = jax.random.normal(ks[13], (1, 4 * EMB), dtype=jnp.float32) * 0.1
    inp["b_time"] = jnp.zeros((1,), dtype=jnp.float32)
    inp["w_side"] = jax.random.normal(ks[14], (1, EMB), dtype=jnp.float32) * 0.1
    inp["b_side"] = jnp.zeros((1,), dtype=jnp.float32)
    inp["attn_w"] = jnp.array([0.25, 0.25, 0.25, 0.25], dtype=jnp.float32)
    return inp


def _ema(pop_history, valid_pop_len, beta):
    # valid_pop_len == 1 for every row (as produced by setup_inputs), so the
    # original per-row python EMA loop reduces exactly to taking the first
    # element of each row: ema_all[i] = pop_history[i, 0].
    return pop_history[:, 0]


def reference(item, time_release, item_genre, item_director, item_actor, time,
              pop_history, pop_gt, valid_pop_len,
              embed_item, embed_time, embed_genre, embed_joint,
              w_periodic, b_periodic, w_time, b_time, w_side, b_side, attn_w):
    item_embed = jnp.take(embed_item, item, axis=0)
    time_release_embed = jnp.take(embed_time, time_release, axis=0)
    genre_embed = jnp.take(embed_genre, item_genre, axis=0)
    time_embed = jnp.take(embed_time, time, axis=0)
    # ModulePopHistory (LSTM is unused by the original forward; only EMA runs)
    pop_history_output = _ema(pop_history, valid_pop_len, BETA)[:, None]
    # ModuleTime
    temporal_dis = time_release_embed - time_embed
    joint = jnp.concatenate([temporal_dis, item_embed, time_embed, time_release_embed], axis=1)
    time_output = jax.nn.relu(joint @ w_time.T + b_time)
    # ModulePeriodic
    period_time = jnp.broadcast_to((time % NUM_PERIOD)[:, None], item_genre.shape)
    period_pad = jnp.minimum(item_genre, 1)
    joint_id = (item_genre * NUM_PERIOD + period_time) * period_pad
    joint_embed = jnp.take(embed_joint, joint_id, axis=0).mean(axis=1)
    periodic_output = jax.nn.relu(joint_embed @ w_periodic.T + b_periodic)
    # ModuleSideInfo (is_douban = False -> only genre branch)
    sideinfo_output = jax.nn.relu(genre_embed.mean(axis=1) @ w_side.T + b_side)
    pred_all = jnp.concatenate([pop_history_output, time_output, sideinfo_output, periodic_output], axis=1)
    # forward mutates attention weights: indices 0, 2, 3 are zeroed
    w = attn_w.at[0].set(0.0).at[2].set(0.0).at[3].set(0.0)
    output = pred_all @ w / jnp.sum(w)
    return (pop_history_output, time_output, sideinfo_output, periodic_output, output)

if __name__ == "__main__":
    import jax
    _d = setup_inputs()
    print(jax.jit(kernel)(*tuple(_d.values())))

</pallas_src>

<mosaic_0001>
#map = affine_map<(d0, d1) -> (0)>
module attributes {stable_mosaic.version = 14 : i64} {
  func.func @_sc_kernel(%arg0: i32, %arg1: i32, %arg2: memref<4096xi32, #tpu.memory_space<hbm>>, %arg3: memref<4096xi32, #tpu.memory_space<hbm>>, %arg4: memref<4096xi32, #tpu.memory_space<hbm>>, %arg5: memref<32768xi32, #tpu.memory_space<hbm>>, %arg6: memref<204800xf32, #tpu.memory_space<hbm>>, %arg7: memref<1000000xf32, #tpu.memory_space<hbm>>, %arg8: memref<28128xf32, #tpu.memory_space<hbm>>, %arg9: memref<4096xf32, #tpu.memory_space<hbm>>, %arg10: memref<4096xf32, #tpu.memory_space<hbm>>, %arg11: memref<4096xf32, #tpu.memory_space<hbm>>, %arg12: memref<4096xf32, #tpu.memory_space<hbm>>, %arg13: memref<128xi32, #tpu.memory_space<vmem>>, %arg14: memref<128xi32, #tpu.memory_space<vmem>>, %arg15: memref<128xi32, #tpu.memory_space<vmem>>, %arg16: memref<1024xi32, #tpu.memory_space<vmem>>, %arg17: memref<6400xf32, #tpu.memory_space<vmem>>, %arg18: memref<128xf32, #tpu.memory_space<vmem>>, %arg19: memref<28128xf32, #tpu.memory_space<vmem>>, %arg20: memref<128xf32, #tpu.memory_space<vmem>>, %arg21: memref<128xf32, #tpu.memory_space<vmem>>, %arg22: memref<128xf32, #tpu.memory_space<vmem>>, %arg23: memref<128xf32, #tpu.memory_space<vmem>>, %arg24: memref<!tpu.dma_semaphore, #tpu.memory_space<semaphore_mem>>) attributes {dimension_semantics = [#tpu.dimension_semantics<core_parallel>, #tpu.dimension_semantics<subcore_parallel>], iteration_bounds = array<i64: 2, 16>, scalar_prefetch = 0 : i64, scratch_operands = 12 : i64, tpu.core_type = #tpu.core_type<sc_vector_subcore>, window_params = [{transform_indices = #map}, {transform_indices = #map}, {transform_indices = #map}, {transform_indices = #map}, {transform_indices = #map}, {transform_indices = #map}, {transform_indices = #map}, {transform_indices = #map}, {transform_indices = #map}, {transform_indices = #map}, {transform_indices = #map}]} {
    %mul3A = arith.constant 2 : i32
    %mul3A_0 = arith.muli %arg1, %mul3A : i32
    %add3A = arith.addi %mul3A_0, %arg0 : i32
    %mul3A_1 = arith.constant 128 : i32
    %mul3A_2 = arith.muli %add3A, %mul3A_1 : i32
    "tpu.region"() ({
      %run_scoped3A = tpu.sem_alloc : memref<!tpu.dma_semaphore, #tpu.memory_space<semaphore_mem>>
      %dma_start3A_1858 = tpu.memref_slice %arg2[%mul3A_2] : memref<4096xi32, #tpu.memory_space<hbm>> -> memref<128xi32, #tpu.memory_space<hbm>>
      %dma_start3A_1859 = tpu.memref_slice %arg2[%mul3A_2] : memref<4096xi32, #tpu.memory_space<hbm>> -> memref<128xi32, #tpu.memory_space<hbm>>
      tpu.enqueue_dma source(%dma_start3A_1859 : memref<128xi32, #tpu.memory_space<hbm>>) target(%arg13 : memref<128xi32, #tpu.memory_space<vmem>>) target_semaphore(%run_scoped3A : memref<!tpu.dma_semaphore, #tpu.memory_space<semaphore_mem>>)
      %dma_wait3A_1860 = tpu.memref_slice %arg2[%mul3A_2] : memref<4096xi32, #tpu.memory_space<hbm>> -> memref<128xi32, #tpu.memory_space<hbm>>
      %dma_wait3A_1861 = tpu.memref_slice %arg2[%mul3A_2] : memref<4096xi32, #tpu.memory_space<hbm>> -> memref<128xi32, #tpu.memory_space<hbm>>
      tpu.wait_dma2 semaphore(%run_scoped3A : memref<!tpu.dma_semaphore, #tpu.memory_space<semaphore_mem>>) src(%dma_wait3A_1861 : memref<128xi32, #tpu.memory_space<hbm>>) dst(%arg13 : memref<128xi32, #tpu.memory_space<vmem>>)
      tpu.yield
    }) : () -> ()
    "tpu.region"() ({
      %run_scoped3A = tpu.sem_alloc : memref<!tpu.dma_semaphore, #tpu.memory_space<semaphore_mem>>
      %dma_start3A_1858 = tpu.memref_slice %arg3[%mul3A_2] : memref<4096xi32, #tpu.memory_space<hbm>> -> memref<128xi32, #tpu.memory_space<hbm>>
      %dma_start3A_1859 = tpu.memref_slice %arg3[%mul3A_2] : memref<4096xi32, #tpu.memory_space<hbm>> -> memref<128xi32, #tpu.memory_space<hbm>>
      tpu.enqueue_dma source(%dma_start3A_1859 : memref<128xi32, #tpu.memory_space<hbm>>) target(%arg14 : memref<128xi32, #tpu.memory_space<vmem>>) target_semaphore(%run_scoped3A : memref<!tpu.dma_semaphore, #tpu.memory_space<semaphore_mem>>)
      %dma_wait3A_1860 = tpu.memref_slice %arg3[%mul3A_2] : memref<4096xi32, #tpu.memory_space<hbm>> -> memref<128xi32, #tpu.memory_space<hbm>>
      %dma_wait3A_1861 = tpu.memref_slice %arg3[%mul3A_2] : memref<4096xi32, #tpu.memory_space<hbm>> -> memref<128xi32, #tpu.memory_space<hbm>>
      tpu.wait_dma2 semaphore(%run_scoped3A : memref<!tpu.dma_semaphore, #tpu.memory_space<semaphore_mem>>) src(%dma_wait3A_1861 : memref<128xi32, #tpu.memory_space<hbm>>) dst(%arg14 : memref<128xi32, #tpu.memory_space<vmem>>)
      tpu.yield
    }) : () -> ()
    "tpu.region"() ({
      %run_scoped3A = tpu.sem_alloc : memref<!tpu.dma_semaphore, #tpu.memory_space<semaphore_mem>>
      %dma_start3A_1858 = tpu.memref_slice %arg4[%mul3A_2] : memref<4096xi32, #tpu.memory_space<hbm>> -> memref<128xi32, #tpu.memory_space<hbm>>
      %dma_start3A_1859 = tpu.memref_slice %arg4[%mul3A_2] : memref<4096xi32, #tpu.memory_space<hbm>> -> memref<128xi32, #tpu.memory_space<hbm>>
      tpu.enqueue_dma source(%dma_start3A_1859 : memref<128xi32, #tpu.memory_space<hbm>>) target(%arg15 : memref<128xi32, #tpu.memory_space<vmem>>) target_semaphore(%run_scoped3A : memref<!tpu.dma_semaphore, #tpu.memory_space<semaphore_mem>>)
      %dma_wait3A_1860 = tpu.memref_slice %arg4[%mul3A_2] : memref<4096xi32, #tpu.memory_space<hbm>> -> memref<128xi32, #tpu.memory_space<hbm>>
      %dma_wait3A_1861 = tpu.memref_slice %arg4[%mul3A_2] : memref<4096xi32, #tpu.memory_space<hbm>> -> memref<128xi32, #tpu.memory_space<hbm>>
      tpu.wait_dma2 semaphore(%run_scoped3A : memref<!tpu.dma_semaphore, #tpu.memory_space<semaphore_mem>>) src(%dma_wait3A_1861 : memref<128xi32, #tpu.memory_space<hbm>>) dst(%arg15 : memref<128xi32, #tpu.memory_space<vmem>>)
      tpu.yield
    }) : () -> ()
    %mul3A_3 = arith.constant 8 : i32
    %mul3A_4 = arith.muli %mul3A_2, %mul3A_3 : i32
    "tpu.region"() ({
      %run_scoped3A = tpu.sem_alloc : memref<!tpu.dma_semaphore, #tpu.memory_space<semaphore_mem>>
      %dma_start3A_1858 = tpu.memref_slice %arg5[%mul3A_4] : memref<32768xi32, #tpu.memory_space<hbm>> -> memref<1024xi32, #tpu.memory_space<hbm>>
      %dma_start3A_1859 = tpu.memref_slice %arg5[%mul3A_4] : memref<32768xi32, #tpu.memory_space<hbm>> -> memref<1024xi32, #tpu.memory_space<hbm>>
      tpu.enqueue_dma source(%dma_start3A_1859 : memref<1024xi32, #tpu.memory_space<hbm>>) target(%arg16 : memref<1024xi32, #tpu.memory_space<vmem>>) target_semaphore(%run_scoped3A : memref<!tpu.dma_semaphore, #tpu.memory_space<semaphore_mem>>)
      %dma_wait3A_1860 = tpu.memref_slice %arg5[%mul3A_4] : memref<32768xi32, #tpu.memory_space<hbm>> -> memref<1024xi32, #tpu.memory_space<hbm>>
      %dma_wait3A_1861 = tpu.memref_slice %arg5[%mul3A_4] : memref<32768xi32, #tpu.memory_space<hbm>> -> memref<1024xi32, #tpu.memory_space<hbm>>
      tpu.wait_dma2 semaphore(%run_scoped3A : memref<!tpu.dma_semaphore, #tpu.memory_space<semaphore_mem>>) src(%dma_wait3A_1861 : memref<1024xi32, #tpu.memory_space<hbm>>) dst(%arg16 : memref<1024xi32, #tpu.memory_space<vmem>>)
      tpu.yield
    }) : () -> ()
    %mul3A_5 = arith.constant 50 : i32
    %mul3A_6 = arith.muli %mul3A_2, %mul3A_5 : i32
    "tpu.region"() ({
      %run_scoped3A = tpu.sem_alloc : memref<!tpu.dma_semaphore, #tpu.memory_space<semaphore_mem>>
      %dma_start3A_1858 = tpu.memref_slice %arg6[%mul3A_6] : memref<204800xf32, #tpu.memory_space<hbm>> -> memref<6400xf32, #tpu.memory_space<hbm>>
      %dma_start3A_1859 = tpu.memref_slice %arg6[%mul3A_6] : memref<204800xf32, #tpu.memory_space<hbm>> -> memref<6400xf32, #tpu.memory_space<hbm>>
      tpu.enqueue_dma source(%dma_start3A_1859 : memref<6400xf32, #tpu.memory_space<hbm>>) target(%arg17 : memref<6400xf32, #tpu.memory_space<vmem>>) target_semaphore(%run_scoped3A : memref<!tpu.dma_semaphore, #tpu.memory_space<semaphore_mem>>)
      %dma_wait3A_1860 = tpu.memref_slice %arg6[%mul3A_6] : memref<204800xf32, #tpu.memory_space<hbm>> -> memref<6400xf32, #tpu.memory_space<hbm>>
      %dma_wait3A_1861 = tpu.memref_slice %arg6[%mul3A_6] : memref<204800xf32, #tpu.memory_space<hbm>> -> memref<6400xf32, #tpu.memory_space<hbm>>
      tpu.wait_dma2 semaphore(%run_scoped3A : memref<!tpu.dma_semaphore, #tpu.memory_space<semaphore_mem>>) src(%dma_wait3A_1861 : memref<6400xf32, #tpu.memory_space<hbm>>) dst(%arg17 : memref<6400xf32, #tpu.memory_space<vmem>>)
      tpu.yield
    }) : () -> ()
    "tpu.region"() ({
      %run_scoped3A = tpu.sem_alloc : memref<!tpu.dma_semaphore, #tpu.memory_space<semaphore_mem>>
      tpu.enqueue_dma source(%arg8 : memref<28128xf32, #tpu.memory_space<hbm>>) target(%arg19 : memref<28128xf32, #tpu.memory_space<vmem>>) target_semaphore(%run_scoped3A : memref<!tpu.dma_semaphore, #tpu.memory_space<semaphore_mem>>)
      tpu.wait_dma2 semaphore(%run_scoped3A : memref<!tpu.dma_semaphore, #tpu.memory_space<semaphore_mem>>) src(%arg8 : memref<28128xf32, #tpu.memory_space<hbm>>) dst(%arg19 : memref<28128xf32, #tpu.memory_space<vmem>>)
      tpu.yield
    }) : () -> ()
    %iota3A = tpu.iota {dimensions = array<i32: 0>} : vector<16xi32>
    %broadcast_in_dim3A = arith.constant 0.000000e+00 : f32
    %broadcast_in_dim3A_7 = vector.broadcast %broadcast_in_dim3A : f32 to vector<16xf32>
    %get3A = arith.constant 28080 : index
    %get3A_8 = tpu.vector_load %arg19[%get3A] {strides = array<i32>} : memref<28128xf32, #tpu.memory_space<vmem>>, vector<16xf32>,
    %get3A_9 = arith.constant 28096 : index
    %get3A_10 = tpu.vector_load %arg19[%get3A_9] {strides = array<i32>} : memref<28128xf32, #tpu.memory_space<vmem>>, vector<16xf32>,
    %get3A_11 = arith.constant 28112 : index
    %get3A_12 = tpu.vector_load %arg19[%get3A_11] {strides = array<i32>} : memref<28128xf32, #tpu.memory_space<vmem>>, vector<16xf32>,
    %dma_start3A = arith.constant 0 : i32
    %dma_start3A_13 = tpu.memref_slice %arg7[%dma_start3A] : memref<1000000xf32, #tpu.memory_space<hbm>> -> memref<1000000xf32, #tpu.memory_space<hbm>>
    tpu.enqueue_indirect_dma source(%dma_start3A_13 : memref<1000000xf32, #tpu.memory_space<hbm>>) target(%arg18 : memref<128xf32, #tpu.memory_space<vmem>>) offsets(%arg13 : memref<128xi32, #tpu.memory_space<vmem>>) semaphore(%arg24 : memref<!tpu.dma_semaphore, #tpu.memory_space<semaphore_mem>>)
    %dma_wait3A = arith.constant 0 : i32
    %dma_wait3A_14 = tpu.memref_slice %arg7[%dma_wait3A] : memref<1000000xf32, #tpu.memory_space<hbm>> -> memref<1000000xf32, #tpu.memory_space<hbm>>
    tpu.wait_indirect_dma semaphore(%arg24 : memref<!tpu.dma_semaphore, #tpu.memory_space<semaphore_mem>>) src(%dma_wait3A_14 : memref<1000000xf32, #tpu.memory_space<hbm>>) dst(%arg18 : memref<128xf32, #tpu.memory_space<vmem>>)
    %add3A_15 = arith.constant 0 : i32
    %add3A_16 = vector.broadcast %add3A_15 : i32 to vector<16xi32>
    %add3A_17 = arith.addi %iota3A, %add3A_16 : vector<16xi32>
    %get3A_18 = arith.constant 0 : index
    %get3A_19 = tpu.vector_load %arg18[%get3A_18] {strides = array<i32>} : memref<128xf32, #tpu.memory_space<vmem>>, vector<16xf32>,
    %get3A_20 = arith.constant 0 : index
    %get3A_21 = tpu.vector_load %arg14[%get3A_20] {strides = array<i32>} : memref<128xi32, #tpu.memory_space<vmem>>, vector<16xi32>,
    %get3A_22 = arith.constant 0 : index
    %get3A_23 = tpu.vector_load %arg15[%get3A_22] {strides = array<i32>} : memref<128xi32, #tpu.memory_space<vmem>>, vector<16xi32>,
    %add3A_24 = arith.constant 0 : i32
    %add3A_25 = vector.broadcast %add3A_24 : i32 to vector<16xi32>
    %add3A_26 = arith.addi %get3A_21, %add3A_25 : vector<16xi32>
    %gather3A = tpu.vector_load_idx %arg19[%add3A_26] : memref<28128xf32, #tpu.memory_space<vmem>>[vector<16xi32>], vector<16xf32>,
    %add3A_27 = arith.constant 10001 : i32
    %add3A_28 = vector.broadcast %add3A_27 : i32 to vector<16xi32>
    %add3A_29 = arith.addi %get3A_23, %add3A_28 : vector<16xi32>
    %gather3A_30 = tpu.vector_load_idx %arg19[%add3A_29] : memref<28128xf32, #tpu.memory_space<vmem>>[vector<16xi32>], vector<16xf32>,
    %rem3A = arith.constant 7 : i32
    %rem3A_31 = vector.broadcast %rem3A : i32 to vector<16xi32>
    %rem3A_32 = arith.remsi %get3A_23, %rem3A_31 : vector<16xi32>
    %mul3A_33 = arith.constant 8 : i32
    %mul3A_34 = vector.broadcast %mul3A_33 : i32 to vector<16xi32>
    %mul3A_35 = arith.muli %add3A_17, %mul3A_34 : vector<16xi32>
    %add3A_36 = arith.constant 0 : i32
    %add3A_37 = vector.broadcast %add3A_36 : i32 to vector<16xi32>
    %add3A_38 = arith.addi %mul3A_35, %add3A_37 : vector<16xi32>
    %gather3A_39 = tpu.vector_load_idx %arg16[%add3A_38] : memref<1024xi32, #tpu.memory_space<vmem>>[vector<16xi32>], vector<16xi32>,
    %add3A_40 = arith.constant 20002 : i32
    %add3A_41 = vector.broadcast %add3A_40 : i32 to vector<16xi32>
    %add3A_42 = arith.addi %gather3A_39, %add3A_41 : vector<16xi32>
    %gather3A_43 = tpu.vector_load_idx %arg19[%add3A_42] : memref<28128xf32, #tpu.memory_space<vmem>>[vector<16xi32>], vector<16xf32>,
    %add3A_44 = arith.addf %broadcast_in_dim3A_7, %gather3A_43 : vector<16xf32>
    %mul3A_45 = arith.constant 7 : i32
    %mul3A_46 = vector.broadcast %mul3A_45 : i32 to vector<16xi32>
    %mul3A_47 = arith.muli %gather3A_39, %mul3A_46 : vector<16xi32>
    %add3A_48 = arith.addi %mul3A_47, %rem3A_32 : vector<16xi32>
    %min3A = arith.constant 1 : i32
    %min3A_49 = vector.broadcast %min3A : i32 to vector<16xi32>
    %min3A_50 = arith.minsi %gather3A_39, %min3A_49 : vector<16xi32>
    %mul3A_51 = arith.muli %add3A_48, %min3A_50 : vector<16xi32>
    %add3A_52 = arith.constant 21002 : i32
    %add3A_53 = vector.broadcast %add3A_52 : i32 to vector<16xi32>
    %add3A_54 = arith.addi %mul3A_51, %add3A_53 : vector<16xi32>
    %gather3A_55 = tpu.vector_load_idx %arg19[%add3A_54] : memref<28128xf32, #tpu.memory_space<vmem>>[vector<16xi32>], vector<16xf32>,
    %add3A_56 = arith.addf %broadcast_in_dim3A_7, %gather3A_55 : vector<16xf32>
    %add3A_57 = arith.constant 1 : i32
    %add3A_58 = vector.broadcast %add3A_57 : i32 to vector<16xi32>
    %add3A_59 = arith.addi %mul3A_35, %add3A_58 : vector<16xi32>
    %gather3A_60 = tpu.vector_load_idx %arg16[%add3A_59] : memref<1024xi32, #tpu.memory_space<vmem>>[vector<16xi32>], vector<16xi32>,
    %add3A_61 = arith.constant 20002 : i32
    %add3A_62 = vector.broadcast %add3A_61 : i32 to vector<16xi32>
    %add3A_63 = arith.addi %gather3A_60, %add3A_62 : vector<16xi32>
    %gather3A_64 = tpu.vector_load_idx %arg19[%add3A_63] : memref<28128xf32, #tpu.memory_space<vmem>>[vector<16xi32>], vector<16xf32>,
    %add3A_65 = arith.addf %add3A_44, %gather3A_64 : vector<16xf32>
    %mul3A_66 = arith.constant 7 : i32
    %mul3A_67 = vector.broadcast %mul3A_66 : i32 to vector<16xi32>
    %mul3A_68 = arith.muli %gather3A_60, %mul3A_67 : vector<16xi32>
    %add3A_69 = arith.addi %mul3A_68, %rem3A_32 : vector<16xi32>
    %min3A_70 = arith.constant 1 : i32
    %min3A_71 = vector.broadcast %min3A_70 : i32 to vector<16xi32>
    %min3A_72 = arith.minsi %gather3A_60, %min3A_71 : vector<16xi32>
    %mul3A_73 = arith.muli %add3A_69, %min3A_72 : vector<16xi32>
    %add3A_74 = arith.constant 21002 : i32
    %add3A_75 = vector.broadcast %add3A_74 : i32 to vector<16xi32>
    %add3A_76 = arith.addi %mul3A_73, %add3A_75 : vector<16xi32>
    %gather3A_77 = tpu.vector_load_idx %arg19[%add3A_76] : memref<28128xf32, #tpu.memory_space<vmem>>[vector<16xi32>], vector<16xf32>,
    %add3A_78 = arith.addf %add3A_56, %gather3A_77 : vector<16xf32>
    %add3A_79 = arith.constant 2 : i32
    %add3A_80 = vector.broadcast %add3A_79 : i32 to vector<16xi32>
    %add3A_81 = arith.addi %mul3A_35, %add3A_80 : vector<16xi32>
    %gather3A_82 = tpu.vector_load_idx %arg16[%add3A_81] : memref<1024xi32, #tpu.memory_space<vmem>>[vector<16xi32>], vector<16xi32>,
    %add3A_83 = arith.constant 20002 : i32
    %add3A_84 = vector.broadcast %add3A_83 : i32 to vector<16xi32>
    %add3A_85 = arith.addi %gather3A_82, %add3A_84 : vector<16xi32>
    %gather3A_86 = tpu.vector_load_idx %arg19[%add3A_85] : memref<28128xf32, #tpu.memory_space<vmem>>[vector<16xi32>], vector<16xf32>,
    %add3A_87 = arith.addf %add3A_65, %gather3A_86 : vector<16xf32>
    %mul3A_88 = arith.constant 7 : i32
    %mul3A_89 = vector.broadcast %mul3A_88 : i32 to vector<16xi32>
    %mul3A_90 = arith.muli %gather3A_82, %mul3A_89 : vector<16xi32>
    %add3A_91 = arith.addi %mul3A_90, %rem3A_32 : vector<16xi32>
    %min3A_92 = arith.constant 1 : i32
    %min3A_93 = vector.broadcast %min3A_92 : i32 to vector<16xi32>
    %min3A_94 = arith.minsi %gather3A_82, %min3A_93 : vector<16xi32>
    %mul3A_95 = arith.muli %add3A_91, %min3A_94 : vector<16xi32>
    %add3A_96 = arith.constant 21002 : i32
    %add3A_97 = vector.broadcast %add3A_96 : i32 to vector<16xi32>
    %add3A_98 = arith.addi %mul3A_95, %add3A_97 : vector<16xi32>
    %gather3A_99 = tpu.vector_load_idx %arg19[%add3A_98] : memref<28128xf32, #tpu.memory_space<vmem>>[vector<16xi32>], vector<16xf32>,
    %add3A_100 = arith.addf %add3A_78, %gather3A_99 : vector<16xf32>
    %add3A_101 = arith.constant 3 : i32
    %add3A_102 = vector.broadcast %add3A_101 : i32 to vector<16xi32>
    %add3A_103 = arith.addi %mul3A_35, %add3A_102 : vector<16xi32>
    %gather3A_104 = tpu.vector_load_idx %arg16[%add3A_103] : memref<1024xi32, #tpu.memory_space<vmem>>[vector<16xi32>], vector<16xi32>,
    %add3A_105 = arith.constant 20002 : i32
    %add3A_106 = vector.broadcast %add3A_105 : i32 to vector<16xi32>
    %add3A_107 = arith.addi %gather3A_104, %add3A_106 : vector<16xi32>
    %gather3A_108 = tpu.vector_load_idx %arg19[%add3A_107] : memref<28128xf32, #tpu.memory_space<vmem>>[vector<16xi32>], vector<16xf32>,
    %add3A_109 = arith.addf %add3A_87, %gather3A_108 : vector<16xf32>
    %mul3A_110 = arith.constant 7 : i32
    %mul3A_111 = vector.broadcast %mul3A_110 : i32 to vector<16xi32>
    %mul3A_112 = arith.muli %gather3A_104, %mul3A_111 : vector<16xi32>
    %add3A_113 = arith.addi %mul3A_112, %rem3A_32 : vector<16xi32>
    %min3A_114 = arith.constant 1 : i32
    %min3A_115 = vector.broadcast %min3A_114 : i32 to vector<16xi32>
    %min3A_116 = arith.minsi %gather3A_104, %min3A_115 : vector<16xi32>
    %mul3A_117 = arith.muli %add3A_113, %min3A_116 : vector<16xi32>
    %add3A_118 = arith.constant 21002 : i32
    %add3A_119 = vector.broadcast %add3A_118 : i32 to vector<16xi32>
    %add3A_120 = arith.addi %mul3A_117, %add3A_119 : vector<16xi32>
    %gather3A_121 = tpu.vector_load_idx %arg19[%add3A_120] : memref<28128xf32, #tpu.memory_space<vmem>>[vector<16xi32>], vector<16xf32>,
    %add3A_122 = arith.addf %add3A_100, %gather3A_121 : vector<16xf32>
    %add3A_123 = arith.constant 4 : i32
    %add3A_124 = vector.broadcast %add3A_123 : i32 to vector<16xi32>
    %add3A_125 = arith.addi %mul3A_35, %add3A_124 : vector<16xi32>
    %gather3A_126 = tpu.vector_load_idx %arg16[%add3A_125] : memref<1024xi32, #tpu.memory_space<vmem>>[vector<16xi32>], vector<16xi32>,
    %add3A_127 = arith.constant 20002 : i32
    %add3A_128 = vector.broadcast %add3A_127 : i32 to vector<16xi32>
    %add3A_129 = arith.addi %gather3A_126, %add3A_128 : vector<16xi32>
    %gather3A_130 = tpu.vector_load_idx %arg19[%add3A_129] : memref<28128xf32, #tpu.memory_space<vmem>>[vector<16xi32>], vector<16xf32>,
    %add3A_131 = arith.addf %add3A_109, %gather3A_130 : vector<16xf32>
    %mul3A_132 = arith.constant 7 : i32
    %mul3A_133 = vector.broadcast %mul3A_132 : i32 to vector<16xi32>
    %mul3A_134 = arith.muli %gather3A_126, %mul3A_133 : vector<16xi32>
    %add3A_135 = arith.addi %mul3A_134, %rem3A_32 : vector<16xi32>
    %min3A_136 = arith.constant 1 : i32
    %min3A_137 = vector.broadcast %min3A_136 : i32 to vector<16xi32>
    %min3A_138 = arith.minsi %gather3A_126, %min3A_137 : vector<16xi32>
    %mul3A_139 = arith.muli %add3A_135, %min3A_138 : vector<16xi32>
    %add3A_140 = arith.constant 21002 : i32
    %add3A_141 = vector.broadcast %add3A_140 : i32 to vector<16xi32>
    %add3A_142 = arith.addi %mul3A_139, %add3A_141 : vector<16xi32>
    %gather3A_143 = tpu.vector_load_idx %arg19[%add3A_142] : memref<28128xf32, #tpu.memory_space<vmem>>[vector<16xi32>], vector<16xf32>,
    %add3A_144 = arith.addf %add3A_122, %gather3A_143 : vector<16xf32>
    %add3A_145 = arith.constant 5 : i32
    %add3A_146 = vector.broadcast %add3A_145 : i32 to vector<16xi32>
    %add3A_147 = arith.addi %mul3A_35, %add3A_146 : vector<16xi32>
    %gather3A_148 = tpu.vector_load_idx %arg16[%add3A_147] : memref<1024xi32, #tpu.memory_space<vmem>>[vector<16xi32>], vector<16xi32>,
    %add3A_149 = arith.constant 20002 : i32
    %add3A_150 = vector.broadcast %add3A_149 : i32 to vector<16xi32>
    %add3A_151 = arith.addi %gather3A_148, %add3A_150 : vector<16xi32>
    %gather3A_152 = tpu.vector_load_idx %arg19[%add3A_151] : memref<28128xf32, #tpu.memory_space<vmem>>[vector<16xi32>], vector<16xf32>,
    %add3A_153 = arith.addf %add3A_131, %gather3A_152 : vector<16xf32>
    %mul3A_154 = arith.constant 7 : i32
    %mul3A_155 = vector.broadcast %mul3A_154 : i32 to vector<16xi32>
    %mul3A_156 = arith.muli %gather3A_148, %mul3A_155 : vector<16xi32>
    %add3A_157 = arith.addi %mul3A_156, %rem3A_32 : vector<16xi32>
    %min3A_158 = arith.constant 1 : i32
    %min3A_159 = vector.broadcast %min3A_158 : i32 to vector<16xi32>
    %min3A_160 = arith.minsi %gather3A_148, %min3A_159 : vector<16xi32>
    %mul3A_161 = arith.muli %add3A_157, %min3A_160 : vector<16xi32>
    %add3A_162 = arith.constant 21002 : i32
    %add3A_163 = vector.broadcast %add3A_162 : i32 to vector<16xi32>
    %add3A_164 = arith.addi %mul3A_161, %add3A_163 : vector<16xi32>
    %gather3A_165 = tpu.vector_load_idx %arg19[%add3A_164] : memref<28128xf32, #tpu.memory_space<vmem>>[vector<16xi32>], vector<16xf32>,
    %add3A_166 = arith.addf %add3A_144, %gather3A_165 : vector<16xf32>
    %add3A_167 = arith.constant 6 : i32
    %add3A_168 = vector.broadcast %add3A_167 : i32 to vector<16xi32>
    %add3A_169 = arith.addi %mul3A_35, %add3A_168 : vector<16xi32>
    %gather3A_170 = tpu.vector_load_idx %arg16[%add3A_169] : memref<1024xi32, #tpu.memory_space<vmem>>[vector<16xi32>], vector<16xi32>,
    %add3A_171 = arith.constant 20002 : i32
    %add3A_172 = vector.broadcast %add3A_171 : i32 to vector<16xi32>
    %add3A_173 = arith.addi %gather3A_170, %add3A_172 : vector<16xi32>
    %gather3A_174 = tpu.vector_load_idx %arg19[%add3A_173] : memref<28128xf32, #tpu.memory_space<vmem>>[vector<16xi32>], vector<16xf32>,
    %add3A_175 = arith.addf %add3A_153, %gather3A_174 : vector<16xf32>
    %mul3A_176 = arith.constant 7 : i32
    %mul3A_177 = vector.broadcast %mul3A_176 : i32 to vector<16xi32>
    %mul3A_178 = arith.muli %gather3A_170, %mul3A_177 : vector<16xi32>
    %add3A_179 = arith.addi %mul3A_178, %rem3A_32 : vector<16xi32>
    %min3A_180 = arith.constant 1 : i32
    %min3A_181 = vector.broadcast %min3A_180 : i32 to vector<16xi32>
    %min3A_182 = arith.minsi %gather3A_170, %min3A_181 : vector<16xi32>
    %mul3A_183 = arith.muli %add3A_179, %min3A_182 : vector<16xi32>
    %add3A_184 = arith.constant 21002 : i32
    %add3A_185 = vector.broadcast %add3A_184 : i32 to vector<16xi32>
    %add3A_186 = arith.addi %mul3A_183, %add3A_185 : vector<16xi32>
    %gather3A_187 = tpu.vector_load_idx %arg19[%add3A_186] : memref<28128xf32, #tpu.memory_space<vmem>>[vector<16xi32>], vector<16xf32>,
    %add3A_188 = arith.addf %add3A_166, %gather3A_187 : vector<16xf32>
    %add3A_189 = arith.constant 7 : i32
    %add3A_190 = vector.broadcast %add3A_189 : i32 to vector<16xi32>
    %add3A_191 = arith.addi %mul3A_35, %add3A_190 : vector<16xi32>
    %gather3A_192 = tpu.vector_load_idx %arg16[%add3A_191] : memref<1024xi32, #tpu.memory_space<vmem>>[vector<16xi32>], vector<16xi32>,
    %add3A_193 = arith.constant 20002 : i32
    %add3A_194 = vector.broadcast %add3A_193 : i32 to vector<16xi32>
    %add3A_195 = arith.addi %gather3A_192, %add3A_194 : vector<16xi32>
    %gather3A_196 = tpu.vector_load_idx %arg19[%add3A_195] : memref<28128xf32, #tpu.memory_space<vmem>>[vector<16xi32>], vector<16xf32>,
    %add3A_197 = arith.addf %add3A_175, %gather3A_196 : vector<16xf32>
    %mul3A_198 = arith.constant 7 : i32
    %mul3A_199 = vector.broadcast %mul3A_198 : i32 to vector<16xi32>
    %mul3A_200 = arith.muli %gather3A_192, %mul3A_199 : vector<16xi32>
    %add3A_201 = arith.addi %mul3A_200, %rem3A_32 : vector<16xi32>
    %min3A_202 = arith.constant 1 : i32
    %min3A_203 = vector.broadcast %min3A_202 : i32 to vector<16xi32>
    %min3A_204 = arith.minsi %gather3A_192, %min3A_203 : vector<16xi32>
    %mul3A_205 = arith.muli %add3A_201, %min3A_204 : vector<16xi32>
    %add3A_206 = arith.constant 21002 : i32
    %add3A_207 = vector.broadcast %add3A_206 : i32 to vector<16xi32>
    %add3A_208 = arith.addi %mul3A_205, %add3A_207 : vector<16xi32>
    %gather3A_209 = tpu.vector_load_idx %arg19[%add3A_208] : memref<28128xf32, #tpu.memory_space<vmem>>[vector<16xi32>], vector<16xf32>,
    %add3A_210 = arith.addf %add3A_188, %gather3A_209 : vector<16xf32>
    %mul3A_211 = arith.constant 50 : i32
    %mul3A_212 = vector.broadcast %mul3A_211 : i32 to vector<16xi32>
    %mul3A_213 = arith.muli %add3A_17, %mul3A_212 : vector<16xi32>
    %gather3A_214 = tpu.vector_load_idx %arg17[%mul3A_213] : memref<6400xf32, #tpu.memory_space<vmem>>[vector<16xi32>], vector<16xf32>,
    %swap3A = arith.constant 0 : index
    %swap3A_215 = tpu.vector_load %arg20[%swap3A] {strides = array<i32>} : memref<128xf32, #tpu.memory_space<vmem>>, vector<16xf32>,
    tpu.vector_store %arg20[%swap3A], %gather3A_214 {strides = array<i32>} : memref<128xf32, #tpu.memory_space<vmem>>, vector<16xf32>,
    %add3A_216 = arith.addf %gather3A, %gather3A_30 : vector<16xf32>
    %add3A_217 = arith.addf %add3A_216, %get3A_19 : vector<16xf32>
    %add3A_218 = arith.addf %add3A_217, %get3A_8 : vector<16xf32>
    %max3A = arith.constant 0.000000e+00 : f32
    %max3A_219 = vector.broadcast %max3A : f32 to vector<16xf32>
    %max3A_220 = arith.maximumf %add3A_218, %max3A_219 : vector<16xf32>
    %swap3A_221 = arith.constant 0 : index
    %swap3A_222 = tpu.vector_load %arg21[%swap3A_221] {strides = array<i32>} : memref<128xf32, #tpu.memory_space<vmem>>, vector<16xf32>,
    tpu.vector_store %arg21[%swap3A_221], %max3A_220 {strides = array<i32>} : memref<128xf32, #tpu.memory_space<vmem>>, vector<16xf32>,
    %mul3A_223 = arith.constant 1.250000e-01 : f32
    %mul3A_224 = vector.broadcast %mul3A_223 : f32 to vector<16xf32>
    %mul3A_225 = arith.mulf %add3A_197, %mul3A_224 : vector<16xf32>
    %add3A_226 = arith.addf %mul3A_225, %get3A_10 : vector<16xf32>
    %max3A_227 = arith.constant 0.000000e+00 : f32
    %max3A_228 = vector.broadcast %max3A_227 : f32 to vector<16xf32>
    %max3A_229 = arith.maximumf %add3A_226, %max3A_228 : vector<16xf32>
    %swap3A_230 = arith.constant 0 : index
    %swap3A_231 = tpu.vector_load %arg22[%swap3A_230] {strides = array<i32>} : memref<128xf32, #tpu.memory_space<vmem>>, vector<16xf32>,
    tpu.vector_store %arg22[%swap3A_230], %max3A_229 {strides = array<i32>} : memref<128xf32, #tpu.memory_space<vmem>>, vector<16xf32>,
    %mul3A_232 = arith.constant 1.250000e-01 : f32
    %mul3A_233 = vector.broadcast %mul3A_232 : f32 to vector<16xf32>
    %mul3A_234 = arith.mulf %add3A_210, %mul3A_233 : vector<16xf32>
    %add3A_235 = arith.addf %mul3A_234, %get3A_12 : vector<16xf32>
    %max3A_236 = arith.constant 0.000000e+00 : f32
    %max3A_237 = vector.broadcast %max3A_236 : f32 to vector<16xf32>
    %max3A_238 = arith.maximumf %add3A_235, %max3A_237 : vector<16xf32>
    %swap3A_239 = arith.constant 0 : index
    %swap3A_240 = tpu.vector_load %arg23[%swap3A_239] {strides = array<i32>} : memref<128xf32, #tpu.memory_space<vmem>>, vector<16xf32>,
    tpu.vector_store %arg23[%swap3A_239], %max3A_238 {strides = array<i32>} : memref<128xf32, #tpu.memory_space<vmem>>, vector<16xf32>,
    %add3A_241 = arith.constant 16 : i32
    %add3A_242 = vector.broadcast %add3A_241 : i32 to vector<16xi32>
    %add3A_243 = arith.addi %iota3A, %add3A_242 : vector<16xi32>
    %get3A_244 = arith.constant 16 : index
    %get3A_245 = tpu.vector_load %arg18[%get3A_244] {strides = array<i32>} : memref<128xf32, #tpu.memory_space<vmem>>, vector<16xf32>,
    %get3A_246 = arith.constant 16 : index
    %get3A_247 = tpu.vector_load %arg14[%get3A_246] {strides = array<i32>} : memref<128xi32, #tpu.memory_space<vmem>>, vector<16xi32>,
    %get3A_248 = arith.constant 16 : index
    %get3A_249 = tpu.vector_load %arg15[%get3A_248] {strides = array<i32>} : memref<128xi32, #tpu.memory_space<vmem>>, vector<16xi32>,
    %add3A_250 = arith.constant 0 : i32
    %add3A_251 = vector.broadcast %add3A_250 : i32 to vector<16xi32>
    %add3A_252 = arith.addi %get3A_247, %add3A_251 : vector<16xi32>
    %gather3A_253 = tpu.vector_load_idx %arg19[%add3A_252] : memref<28128xf32, #tpu.memory_space<vmem>>[vector<16xi32>], vector<16xf32>,
    %add3A_254 = arith.constant 10001 : i32
    %add3A_255 = vector.broadcast %add3A_254 : i32 to vector<16xi32>
    %add3A_256 = arith.addi %get3A_249, %add3A_255 : vector<16xi32>
    %gather3A_257 = tpu.vector_load_idx %arg19[%add3A_256] : memref<28128xf32, #tpu.memory_space<vmem>>[vector<16xi32>], vector<16xf32>,
    %rem3A_258 = arith.constant 7 : i32
    %rem3A_259 = vector.broadcast %rem3A_258 : i32 to vector<16xi32>
    %rem3A_260 = arith.remsi %get3A_249, %rem3A_259 : vector<16xi32>
    %mul3A_261 = arith.constant 8 : i32
    %mul3A_262 = vector.broadcast %mul3A_261 : i32 to vector<16xi32>
    %mul3A_263 = arith.muli %add3A_243, %mul3A_262 : vector<16xi32>
    %add3A_264 = arith.constant 0 : i32
    %add3A_265 = vector.broadcast %add3A_264 : i32 to vector<16xi32>
    %add3A_266 = arith.addi %mul3A_263, %add3A_265 : vector<16xi32>
    %gather3A_267 = tpu.vector_load_idx %arg16[%add3A_266] : memref<1024xi32, #tpu.memory_space<vmem>>[vector<16xi32>], vector<16xi32>,
    %add3A_268 = arith.constant 20002 : i32
    %add3A_269 = vector.broadcast %add3A_268 : i32 to vector<16xi32>
    %add3A_270 = arith.addi %gather3A_267, %add3A_269 : vector<16xi32>
    %gather3A_271 = tpu.vector_load_idx %arg19[%add3A_270] : memref<28128xf32, #tpu.memory_space<vmem>>[vector<16xi32>], vector<16xf32>,
    %add3A_272 = arith.addf %broadcast_in_dim3A_7, %gather3A_271 : vector<16xf32>
    %mul3A_273 = arith.constant 7 : i32
    %mul3A_274 = vector.broadcast %mul3A_273 : i32 to vector<16xi32>
    %mul3A_275 = arith.muli %gather3A_267, %mul3A_274 : vector<16xi32>
    %add3A_276 = arith.addi %mul3A_275, %rem3A_260 : vector<16xi32>
    %min3A_277 = arith.constant 1 : i32
    %min3A_278 = vector.broadcast %min3A_277 : i32 to vector<16xi32>
    %min3A_279 = arith.minsi %gather3A_267, %min3A_278 : vector<16xi32>
    %mul3A_280 = arith.muli %add3A_276, %min3A_279 : vector<16xi32>
    %add3A_281 = arith.constant 21002 : i32
    %add3A_282 = vector.broadcast %add3A_281 : i32 to vector<16xi32>
    %add3A_283 = arith.addi %mul3A_280, %add3A_282 : vector<16xi32>
    %gather3A_284 = tpu.vector_load_idx %arg19[%add3A_283] : memref<28128xf32, #tpu.memory_space<vmem>>[vector<16xi32>], vector<16xf32>,
    %add3A_285 = arith.addf %broadcast_in_dim3A_7, %gather3A_284 : vector<16xf32>
    %add3A_286 = arith.constant 1 : i32
    %add3A_287 = vector.broadcast %add3A_286 : i32 to vector<16xi32>
    %add3A_288 = arith.addi %mul3A_263, %add3A_287 : vector<16xi32>
    %gather3A_289 = tpu.vector_load_idx %arg16[%add3A_288] : memref<1024xi32, #tpu.memory_space<vmem>>[vector<16xi32>], vector<16xi32>,
    %add3A_290 = arith.constant 20002 : i32
    %add3A_291 = vector.broadcast %add3A_290 : i32 to vector<16xi32>
    %add3A_292 = arith.addi %gather3A_289, %add3A_291 : vector<16xi32>
    %gather3A_293 = tpu.vector_load_idx %arg19[%add3A_292] : memref<28128xf32, #tpu.memory_space<vmem>>[vector<16xi32>], vector<16xf32>,
    %add3A_294 = arith.addf %add3A_272, %gather3A_293 : vector<16xf32>
    %mul3A_295 = arith.constant 7 : i32
    %mul3A_296 = vector.broadcast %mul3A_295 : i32 to vector<16xi32>
    %mul3A_297 = arith.muli %gather3A_289, %mul3A_296 : vector<16xi32>
    %add3A_298 = arith.addi %mul3A_297, %rem3A_260 : vector<16xi32>
    %min3A_299 = arith.constant 1 : i32
    %min3A_300 = vector.broadcast %min3A_299 : i32 to vector<16xi32>
    %min3A_301 = arith.minsi %gather3A_289, %min3A_300 : vector<16xi32>
    %mul3A_302 = arith.muli %add3A_298, %min3A_301 : vector<16xi32>
    %add3A_303 = arith.constant 21002 : i32
    %add3A_304 = vector.broadcast %add3A_303 : i32 to vector<16xi32>
    %add3A_305 = arith.addi %mul3A_302, %add3A_304 : vector<16xi32>
    %gather3A_306 = tpu.vector_load_idx %arg19[%add3A_305] : memref<28128xf32, #tpu.memory_space<vmem>>[vector<16xi32>], vector<16xf32>,
    %add3A_307 = arith.addf %add3A_285, %gather3A_306 : vector<16xf32>
    %add3A_308 = arith.constant 2 : i32
    %add3A_309 = vector.broadcast %add3A_308 : i32 to vector<16xi32>
    %add3A_310 = arith.addi %mul3A_263, %add3A_309 : vector<16xi32>
    %gather3A_311 = tpu.vector_load_idx %arg16[%add3A_310] : memref<1024xi32, #tpu.memory_space<vmem>>[vector<16xi32>], vector<16xi32>,
    %add3A_312 = arith.constant 20002 : i32
    %add3A_313 = vector.broadcast %add3A_312 : i32 to vector<16xi32>
    %add3A_314 = arith.addi %gather3A_311, %add3A_313 : vector<16xi32>
    %gather3A_315 = tpu.vector_load_idx %arg19[%add3A_314] : memref<28128xf32, #tpu.memory_space<vmem>>[vector<16xi32>], vector<16xf32>,
    %add3A_316 = arith.addf %add3A_294, %gather3A_315 : vector<16xf32>
    %mul3A_317 = arith.constant 7 : i32
    %mul3A_318 = vector.broadcast %mul3A_317 : i32 to vector<16xi32>
    %mul3A_319 = arith.muli %gather3A_311, %mul3A_318 : vector<16xi32>
    %add3A_320 = arith.addi %mul3A_319, %rem3A_260 : vector<16xi32>
    %min3A_321 = arith.constant 1 : i32
    %min3A_322 = vector.broadcast %min3A_321 : i32 to vector<16xi32>
    %min3A_323 = arith.minsi %gather3A_311, %min3A_322 : vector<16xi32>
    %mul3A_324 = arith.muli %add3A_320, %min3A_323 : vector<16xi32>
    %add3A_325 = arith.constant 21002 : i32
    %add3A_326 = vector.broadcast %add3A_325 : i32 to vector<16xi32>
    %add3A_327 = arith.addi %mul3A_324, %add3A_326 : vector<16xi32>
    %gather3A_328 = tpu.vector_load_idx %arg19[%add3A_327] : memref<28128xf32, #tpu.memory_space<vmem>>[vector<16xi32>], vector<16xf32>,
    %add3A_329 = arith.addf %add3A_307, %gather3A_328 : vector<16xf32>
    %add3A_330 = arith.constant 3 : i32
    %add3A_331 = vector.broadcast %add3A_330 : i32 to vector<16xi32>
    %add3A_332 = arith.addi %mul3A_263, %add3A_331 : vector<16xi32>
    %gather3A_333 = tpu.vector_load_idx %arg16[%add3A_332] : memref<1024xi32, #tpu.memory_space<vmem>>[vector<16xi32>], vector<16xi32>,
    %add3A_334 = arith.constant 20002 : i32
    %add3A_335 = vector.broadcast %add3A_334 : i32 to vector<16xi32>
    %add3A_336 = arith.addi %gather3A_333, %add3A_335 : vector<16xi32>
    %gather3A_337 = tpu.vector_load_idx %arg19[%add3A_336] : memref<28128xf32, #tpu.memory_space<vmem>>[vector<16xi32>], vector<16xf32>,
    %add3A_338 = arith.addf %add3A_316, %gather3A_337 : vector<16xf32>
    %mul3A_339 = arith.constant 7 : i32
    %mul3A_340 = vector.broadcast %mul3A_339 : i32 to vector<16xi32>
    %mul3A_341 = arith.muli %gather3A_333, %mul3A_340 : vector<16xi32>
    %add3A_342 = arith.addi %mul3A_341, %rem3A_260 : vector<16xi32>
    %min3A_343 = arith.constant 1 : i32
    %min3A_344 = vector.broadcast %min3A_343 : i32 to vector<16xi32>
    %min3A_345 = arith.minsi %gather3A_333, %min3A_344 : vector<16xi32>
    %mul3A_346 = arith.muli %add3A_342, %min3A_345 : vector<16xi32>
    %add3A_347 = arith.constant 21002 : i32
    %add3A_348 = vector.broadcast %add3A_347 : i32 to vector<16xi32>
    %add3A_349 = arith.addi %mul3A_346, %add3A_348 : vector<16xi32>
    %gather3A_350 = tpu.vector_load_idx %arg19[%add3A_349] : memref<28128xf32, #tpu.memory_space<vmem>>[vector<16xi32>], vector<16xf32>,
    %add3A_351 = arith.addf %add3A_329, %gather3A_350 : vector<16xf32>
    %add3A_352 = arith.constant 4 : i32
    %add3A_353 = vector.broadcast %add3A_352 : i32 to vector<16xi32>
    %add3A_354 = arith.addi %mul3A_263, %add3A_353 : vector<16xi32>
    %gather3A_355 = tpu.vector_load_idx %arg16[%add3A_354] : memref<1024xi32, #tpu.memory_space<vmem>>[vector<16xi32>], vector<16xi32>,
    %add3A_356 = arith.constant 20002 : i32
    %add3A_357 = vector.broadcast %add3A_356 : i32 to vector<16xi32>
    %add3A_358 = arith.addi %gather3A_355, %add3A_357 : vector<16xi32>
    %gather3A_359 = tpu.vector_load_idx %arg19[%add3A_358] : memref<28128xf32, #tpu.memory_space<vmem>>[vector<16xi32>], vector<16xf32>,
    %add3A_360 = arith.addf %add3A_338, %gather3A_359 : vector<16xf32>
    %mul3A_361 = arith.constant 7 : i32
    %mul3A_362 = vector.broadcast %mul3A_361 : i32 to vector<16xi32>
    %mul3A_363 = arith.muli %gather3A_355, %mul3A_362 : vector<16xi32>
    %add3A_364 = arith.addi %mul3A_363, %rem3A_260 : vector<16xi32>
    %min3A_365 = arith.constant 1 : i32
    %min3A_366 = vector.broadcast %min3A_365 : i32 to vector<16xi32>
    %min3A_367 = arith.minsi %gather3A_355, %min3A_366 : vector<16xi32>
    %mul3A_368 = arith.muli %add3A_364, %min3A_367 : vector<16xi32>
    %add3A_369 = arith.constant 21002 : i32
    %add3A_370 = vector.broadcast %add3A_369 : i32 to vector<16xi32>
    %add3A_371 = arith.addi %mul3A_368, %add3A_370 : vector<16xi32>
    %gather3A_372 = tpu.vector_load_idx %arg19[%add3A_371] : memref<28128xf32, #tpu.memory_space<vmem>>[vector<16xi32>], vector<16xf32>,
    %add3A_373 = arith.addf %add3A_351, %gather3A_372 : vector<16xf32>
    %add3A_374 = arith.constant 5 : i32
    %add3A_375 = vector.broadcast %add3A_374 : i32 to vector<16xi32>
    %add3A_376 = arith.addi %mul3A_263, %add3A_375 : vector<16xi32>
    %gather3A_377 = tpu.vector_load_idx %arg16[%add3A_376] : memref<1024xi32, #tpu.memory_space<vmem>>[vector<16xi32>], vector<16xi32>,
    %add3A_378 = arith.constant 20002 : i32
    %add3A_379 = vector.broadcast %add3A_378 : i32 to vector<16xi32>
    %add3A_380 = arith.addi %gather3A_377, %add3A_379 : vector<16xi32>
    %gather3A_381 = tpu.vector_load_idx %arg19[%add3A_380] : memref<28128xf32, #tpu.memory_space<vmem>>[vector<16xi32>], vector<16xf32>,
    %add3A_382 = arith.addf %add3A_360, %gather3A_381 : vector<16xf32>
    %mul3A_383 = arith.constant 7 : i32
    %mul3A_384 = vector.broadcast %mul3A_383 : i32 to vector<16xi32>
    %mul3A_385 = arith.muli %gather3A_377, %mul3A_384 : vector<16xi32>
    %add3A_386 = arith.addi %mul3A_385, %rem3A_260 : vector<16xi32>
    %min3A_387 = arith.constant 1 : i32
    %min3A_388 = vector.broadcast %min3A_387 : i32 to vector<16xi32>
    %min3A_389 = arith.minsi %gather3A_377, %min3A_388 : vector<16xi32>
    %mul3A_390 = arith.muli %add3A_386, %min3A_389 : vector<16xi32>
    %add3A_391 = arith.constant 21002 : i32
    %add3A_392 = vector.broadcast %add3A_391 : i32 to vector<16xi32>
    %add3A_393 = arith.addi %mul3A_390, %add3A_392 : vector<16xi32>
    %gather3A_394 = tpu.vector_load_idx %arg19[%add3A_393] : memref<28128xf32, #tpu.memory_space<vmem>>[vector<16xi32>], vector<16xf32>,
    %add3A_395 = arith.addf %add3A_373, %gather3A_394 : vector<16xf32>
    %add3A_396 = arith.constant 6 : i32
    %add3A_397 = vector.broadcast %add3A_396 : i32 to vector<16xi32>
    %add3A_398 = arith.addi %mul3A_263, %add3A_397 : vector<16xi32>
    %gather3A_399 = tpu.vector_load_idx %arg16[%add3A_398] : memref<1024xi32, #tpu.memory_space<vmem>>[vector<16xi32>], vector<16xi32>,
    %add3A_400 = arith.constant 20002 : i32
    %add3A_401 = vector.broadcast %add3A_400 : i32 to vector<16xi32>
    %add3A_402 = arith.addi %gather3A_399, %add3A_401 : vector<16xi32>
    %gather3A_403 = tpu.vector_load_idx %arg19[%add3A_402] : memref<28128xf32, #tpu.memory_space<vmem>>[vector<16xi32>], vector<16xf32>,
    %add3A_404 = arith.addf %add3A_382, %gather3A_403 : vector<16xf32>
    %mul3A_405 = arith.constant 7 : i32
    %mul3A_406 = vector.broadcast %mul3A_405 : i32 to vector<16xi32>
    %mul3A_407 = arith.muli %gather3A_399, %mul3A_406 : vector<16xi32>
    %add3A_408 = arith.addi %mul3A_407, %rem3A_260 : vector<16xi32>
    %min3A_409 = arith.constant 1 : i32
    %min3A_410 = vector.broadcast %min3A_409 : i32 to vector<16xi32>
    %min3A_411 = arith.minsi %gather3A_399, %min3A_410 : vector<16xi32>
    %mul3A_412 = arith.muli %add3A_408, %min3A_411 : vector<16xi32>
    %add3A_413 = arith.constant 21002 : i32
    %add3A_414 = vector.broadcast %add3A_413 : i32 to vector<16xi32>
    %add3A_415 = arith.addi %mul3A_412, %add3A_414 : vector<16xi32>
    %gather3A_416 = tpu.vector_load_idx %arg19[%add3A_415] : memref<28128xf32, #tpu.memory_space<vmem>>[vector<16xi32>], vector<16xf32>,
    %add3A_417 = arith.addf %add3A_395, %gather3A_416 : vector<16xf32>
    %add3A_418 = arith.constant 7 : i32
    %add3A_419 = vector.broadcast %add3A_418 : i32 to vector<16xi32>
    %add3A_420 = arith.addi %mul3A_263, %add3A_419 : vector<16xi32>
    %gather3A_421 = tpu.vector_load_idx %arg16[%add3A_420] : memref<1024xi32, #tpu.memory_space<vmem>>[vector<16xi32>], vector<16xi32>,
    %add3A_422 = arith.constant 20002 : i32
    %add3A_423 = vector.broadcast %add3A_422 : i32 to vector<16xi32>
    %add3A_424 = arith.addi %gather3A_421, %add3A_423 : vector<16xi32>
    %gather3A_425 = tpu.vector_load_idx %arg19[%add3A_424] : memref<28128xf32, #tpu.memory_space<vmem>>[vector<16xi32>], vector<16xf32>,
    %add3A_426 = arith.addf %add3A_404, %gather3A_425 : vector<16xf32>
    %mul3A_427 = arith.constant 7 : i32
    %mul3A_428 = vector.broadcast %mul3A_427 : i32 to vector<16xi32>
    %mul3A_429 = arith.muli %gather3A_421, %mul3A_428 : vector<16xi32>
    %add3A_430 = arith.addi %mul3A_429, %rem3A_260 : vector<16xi32>
    %min3A_431 = arith.constant 1 : i32
    %min3A_432 = vector.broadcast %min3A_431 : i32 to vector<16xi32>
    %min3A_433 = arith.minsi %gather3A_421, %min3A_432 : vector<16xi32>
    %mul3A_434 = arith.muli %add3A_430, %min3A_433 : vector<16xi32>
    %add3A_435 = arith.constant 21002 : i32
    %add3A_436 = vector.broadcast %add3A_435 : i32 to vector<16xi32>
    %add3A_437 = arith.addi %mul3A_434, %add3A_436 : vector<16xi32>
    %gather3A_438 = tpu.vector_load_idx %arg19[%add3A_437] : memref<28128xf32, #tpu.memory_space<vmem>>[vector<16xi32>], vector<16xf32>,
    %add3A_439 = arith.addf %add3A_417, %gather3A_438 : vector<16xf32>
    %mul3A_440 = arith.constant 50 : i32
    %mul3A_441 = vector.broadcast %mul3A_440 : i32 to vector<16xi32>
    %mul3A_442 = arith.muli %add3A_243, %mul3A_441 : vector<16xi32>
    %gather3A_443 = tpu.vector_load_idx %arg17[%mul3A_442] : memref<6400xf32, #tpu.memory_space<vmem>>[vector<16xi32>], vector<16xf32>,
    %swap3A_444 = arith.constant 16 : index
    %swap3A_445 = tpu.vector_load %arg20[%swap3A_444] {strides = array<i32>} : memref<128xf32, #tpu.memory_space<vmem>>, vector<16xf32>,
    tpu.vector_store %arg20[%swap3A_444], %gather3A_443 {strides = array<i32>} : memref<128xf32, #tpu.memory_space<vmem>>, vector<16xf32>,
    %add3A_446 = arith.addf %gather3A_253, %gather3A_257 : vector<16xf32>
    %add3A_447 = arith.addf %add3A_446, %get3A_245 : vector<16xf32>
    %add3A_448 = arith.addf %add3A_447, %get3A_8 : vector<16xf32>
    %max3A_449 = arith.constant 0.000000e+00 : f32
    %max3A_450 = vector.broadcast %max3A_449 : f32 to vector<16xf32>
    %max3A_451 = arith.maximumf %add3A_448, %max3A_450 : vector<16xf32>
    %swap3A_452 = arith.constant 16 : index
    %swap3A_453 = tpu.vector_load %arg21[%swap3A_452] {strides = array<i32>} : memref<128xf32, #tpu.memory_space<vmem>>, vector<16xf32>,
    tpu.vector_store %arg21[%swap3A_452], %max3A_451 {strides = array<i32>} : memref<128xf32, #tpu.memory_space<vmem>>, vector<16xf32>,
    %mul3A_454 = arith.constant 1.250000e-01 : f32
    %mul3A_455 = vector.broadcast %mul3A_454 : f32 to vector<16xf32>
    %mul3A_456 = arith.mulf %add3A_426, %mul3A_455 : vector<16xf32>
    %add3A_457 = arith.addf %mul3A_456, %get3A_10 : vector<16xf32>
    %max3A_458 = arith.constant 0.000000e+00 : f32
    %max3A_459 = vector.broadcast %max3A_458 : f32 to vector<16xf32>
    %max3A_460 = arith.maximumf %add3A_457, %max3A_459 : vector<16xf32>
    %swap3A_461 = arith.constant 16 : index
    %swap3A_462 = tpu.vector_load %arg22[%swap3A_461] {strides = array<i32>} : memref<128xf32, #tpu.memory_space<vmem>>, vector<16xf32>,
    tpu.vector_store %arg22[%swap3A_461], %max3A_460 {strides = array<i32>} : memref<128xf32, #tpu.memory_space<vmem>>, vector<16xf32>,
    %mul3A_463 = arith.constant 1.250000e-01 : f32
    %mul3A_464 = vector.broadcast %mul3A_463 : f32 to vector<16xf32>
    %mul3A_465 = arith.mulf %add3A_439, %mul3A_464 : vector<16xf32>
    %add3A_466 = arith.addf %mul3A_465, %get3A_12 : vector<16xf32>
    %max3A_467 = arith.constant 0.000000e+00 : f32
    %max3A_468 = vector.broadcast %max3A_467 : f32 to vector<16xf32>
    %max3A_469 = arith.maximumf %add3A_466, %max3A_468 : vector<16xf32>
    %swap3A_470 = arith.constant 16 : index
    %swap3A_471 = tpu.vector_load %arg23[%swap3A_470] {strides = array<i32>} : memref<128xf32, #tpu.memory_space<vmem>>, vector<16xf32>,
    tpu.vector_store %arg23[%swap3A_470], %max3A_469 {strides = array<i32>} : memref<128xf32, #tpu.memory_space<vmem>>, vector<16xf32>,
    %add3A_472 = arith.constant 32 : i32
    %add3A_473 = vector.broadcast %add3A_472 : i32 to vector<16xi32>
    %add3A_474 = arith.addi %iota3A, %add3A_473 : vector<16xi32>
    %get3A_475 = arith.constant 32 : index
    %get3A_476 = tpu.vector_load %arg18[%get3A_475] {strides = array<i32>} : memref<128xf32, #tpu.memory_space<vmem>>, vector<16xf32>,
    %get3A_477 = arith.constant 32 : index
    %get3A_478 = tpu.vector_load %arg14[%get3A_477] {strides = array<i32>} : memref<128xi32, #tpu.memory_space<vmem>>, vector<16xi32>,
    %get3A_479 = arith.constant 32 : index
    %get3A_480 = tpu.vector_load %arg15[%get3A_479] {strides = array<i32>} : memref<128xi32, #tpu.memory_space<vmem>>, vector<16xi32>,
    %add3A_481 = arith.constant 0 : i32
    %add3A_482 = vector.broadcast %add3A_481 : i32 to vector<16xi32>
    %add3A_483 = arith.addi %get3A_478, %add3A_482 : vector<16xi32>
    %gather3A_484 = tpu.vector_load_idx %arg19[%add3A_483] : memref<28128xf32, #tpu.memory_space<vmem>>[vector<16xi32>], vector<16xf32>,
    %add3A_485 = arith.constant 10001 : i32
    %add3A_486 = vector.broadcast %add3A_485 : i32 to vector<16xi32>
    %add3A_487 = arith.addi %get3A_480, %add3A_486 : vector<16xi32>
    %gather3A_488 = tpu.vector_load_idx %arg19[%add3A_487] : memref<28128xf32, #tpu.memory_space<vmem>>[vector<16xi32>], vector<16xf32>,
    %rem3A_489 = arith.constant 7 : i32
    %rem3A_490 = vector.broadcast %rem3A_489 : i32 to vector<16xi32>
    %rem3A_491 = arith.remsi %get3A_480, %rem3A_490 : vector<16xi32>
    %mul3A_492 = arith.constant 8 : i32
    %mul3A_493 = vector.broadcast %mul3A_492 : i32 to vector<16xi32>
    %mul3A_494 = arith.muli %add3A_474, %mul3A_493 : vector<16xi32>
    %add3A_495 = arith.constant 0 : i32
    %add3A_496 = vector.broadcast %add3A_495 : i32 to vector<16xi32>
    %add3A_497 = arith.addi %mul3A_494, %add3A_496 : vector<16xi32>
    %gather3A_498 = tpu.vector_load_idx %arg16[%add3A_497] : memref<1024xi32, #tpu.memory_space<vmem>>[vector<16xi32>], vector<16xi32>,
    %add3A_499 = arith.constant 20002 : i32
    %add3A_500 = vector.broadcast %add3A_499 : i32 to vector<16xi32>
    %add3A_501 = arith.addi %gather3A_498, %add3A_500 : vector<16xi32>
    %gather3A_502 = tpu.vector_load_idx %arg19[%add3A_501] : memref<28128xf32, #tpu.memory_space<vmem>>[vector<16xi32>], vector<16xf32>,
    %add3A_503 = arith.addf %broadcast_in_dim3A_7, %gather3A_502 : vector<16xf32>
    %mul3A_504 = arith.constant 7 : i32
    %mul3A_505 = vector.broadcast %mul3A_504 : i32 to vector<16xi32>
    %mul3A_506 = arith.muli %gather3A_498, %mul3A_505 : vector<16xi32>
    %add3A_507 = arith.addi %mul3A_506, %rem3A_491 : vector<16xi32>
    %min3A_508 = arith.constant 1 : i32
    %min3A_509 = vector.broadcast %min3A_508 : i32 to vector<16xi32>
    %min3A_510 = arith.minsi %gather3A_498, %min3A_509 : vector<16xi32>
    %mul3A_511 = arith.muli %add3A_507, %min3A_510 : vector<16xi32>
    %add3A_512 = arith.constant 21002 : i32
    %add3A_513 = vector.broadcast %add3A_512 : i32 to vector<16xi32>
    %add3A_514 = arith.addi %mul3A_511, %add3A_513 : vector<16xi32>
    %gather3A_515 = tpu.vector_load_idx %arg19[%add3A_514] : memref<28128xf32, #tpu.memory_space<vmem>>[vector<16xi32>], vector<16xf32>,
    %add3A_516 = arith.addf %broadcast_in_dim3A_7, %gather3A_515 : vector<16xf32>
    %add3A_517 = arith.constant 1 : i32
    %add3A_518 = vector.broadcast %add3A_517 : i32 to vector<16xi32>
    %add3A_519 = arith.addi %mul3A_494, %add3A_518 : vector<16xi32>
    %gather3A_520 = tpu.vector_load_idx %arg16[%add3A_519] : memref<1024xi32, #tpu.memory_space<vmem>>[vector<16xi32>], vector<16xi32>,
    %add3A_521 = arith.constant 20002 : i32
    %add3A_522 = vector.broadcast %add3A_521 : i32 to vector<16xi32>
    %add3A_523 = arith.addi %gather3A_520, %add3A_522 : vector<16xi32>
    %gather3A_524 = tpu.vector_load_idx %arg19[%add3A_523] : memref<28128xf32, #tpu.memory_space<vmem>>[vector<16xi32>], vector<16xf32>,
    %add3A_525 = arith.addf %add3A_503, %gather3A_524 : vector<16xf32>
    %mul3A_526 = arith.constant 7 : i32
    %mul3A_527 = vector.broadcast %mul3A_526 : i32 to vector<16xi32>
    %mul3A_528 = arith.muli %gather3A_520, %mul3A_527 : vector<16xi32>
    %add3A_529 = arith.addi %mul3A_528, %rem3A_491 : vector<16xi32>
    %min3A_530 = arith.constant 1 : i32
    %min3A_531 = vector.broadcast %min3A_530 : i32 to vector<16xi32>
    %min3A_532 = arith.minsi %gather3A_520, %min3A_531 : vector<16xi32>
    %mul3A_533 = arith.muli %add3A_529, %min3A_532 : vector<16xi32>
    %add3A_534 = arith.constant 21002 : i32
    %add3A_535 = vector.broadcast %add3A_534 : i32 to vector<16xi32>
    %add3A_536 = arith.addi %mul3A_533, %add3A_535 : vector<16xi32>
    %gather3A_537 = tpu.vector_load_idx %arg19[%add3A_536] : memref<28128xf32, #tpu.memory_space<vmem>>[vector<16xi32>], vector<16xf32>,
    %add3A_538 = arith.addf %add3A_516, %gather3A_537 : vector<16xf32>
    %add3A_539 = arith.constant 2 : i32
    %add3A_540 = vector.broadcast %add3A_539 : i32 to vector<16xi32>
    %add3A_541 = arith.addi %mul3A_494, %add3A_540 : vector<16xi32>
    %gather3A_542 = tpu.vector_load_idx %arg16[%add3A_541] : memref<1024xi32, #tpu.memory_space<vmem>>[vector<16xi32>], vector<16xi32>,
    %add3A_543 = arith.constant 20002 : i32
    %add3A_544 = vector.broadcast %add3A_543 : i32 to vector<16xi32>
    %add3A_545 = arith.addi %gather3A_542, %add3A_544 : vector<16xi32>
    %gather3A_546 = tpu.vector_load_idx %arg19[%add3A_545] : memref<28128xf32, #tpu.memory_space<vmem>>[vector<16xi32>], vector<16xf32>,
    %add3A_547 = arith.addf %add3A_525, %gather3A_546 : vector<16xf32>
    %mul3A_548 = arith.constant 7 : i32
    %mul3A_549 = vector.broadcast %mul3A_548 : i32 to vector<16xi32>
    %mul3A_550 = arith.muli %gather3A_542, %mul3A_549 : vector<16xi32>
    %add3A_551 = arith.addi %mul3A_550, %rem3A_491 : vector<16xi32>
    %min3A_552 = arith.constant 1 : i32
    %min3A_553 = vector.broadcast %min3A_552 : i32 to vector<16xi32>
    %min3A_554 = arith.minsi %gather3A_542, %min3A_553 : vector<16xi32>
    %mul3A_555 = arith.muli %add3A_551, %min3A_554 : vector<16xi32>
    %add3A_556 = arith.constant 21002 : i32
    %add3A_557 = vector.broadcast %add3A_556 : i32 to vector<16xi32>
    %add3A_558 = arith.addi %mul3A_555, %add3A_557 : vector<16xi32>
    %gather3A_559 = tpu.vector_load_idx %arg19[%add3A_558] : memref<28128xf32, #tpu.memory_space<vmem>>[vector<16xi32>], vector<16xf32>,
    %add3A_560 = arith.addf %add3A_538, %gather3A_559 : vector<16xf32>
    %add3A_561 = arith.constant 3 : i32
    %add3A_562 = vector.broadcast %add3A_561 : i32 to vector<16xi32>
    %add3A_563 = arith.addi %mul3A_494, %add3A_562 : vector<16xi32>
    %gather3A_564 = tpu.vector_load_idx %arg16[%add3A_563] : memref<1024xi32, #tpu.memory_space<vmem>>[vector<16xi32>], vector<16xi32>,
    %add3A_565 = arith.constant 20002 : i32
    %add3A_566 = vector.broadcast %add3A_565 : i32 to vector<16xi32>
    %add3A_567 = arith.addi %gather3A_564, %add3A_566 : vector<16xi32>
    %gather3A_568 = tpu.vector_load_idx %arg19[%add3A_567] : memref<28128xf32, #tpu.memory_space<vmem>>[vector<16xi32>], vector<16xf32>,
    %add3A_569 = arith.addf %add3A_547, %gather3A_568 : vector<16xf32>
    %mul3A_570 = arith.constant 7 : i32
    %mul3A_571 = vector.broadcast %mul3A_570 : i32 to vector<16xi32>
    %mul3A_572 = arith.muli %gather3A_564, %mul3A_571 : vector<16xi32>
    %add3A_573 = arith.addi %mul3A_572, %rem3A_491 : vector<16xi32>
    %min3A_574 = arith.constant 1 : i32
    %min3A_575 = vector.broadcast %min3A_574 : i32 to vector<16xi32>
    %min3A_576 = arith.minsi %gather3A_564, %min3A_575 : vector<16xi32>
    %mul3A_577 = arith.muli %add3A_573, %min3A_576 : vector<16xi32>
    %add3A_578 = arith.constant 21002 : i32
    %add3A_579 = vector.broadcast %add3A_578 : i32 to vector<16xi32>
    %add3A_580 = arith.addi %mul3A_577, %add3A_579 : vector<16xi32>
    %gather3A_581 = tpu.vector_load_idx %arg19[%add3A_580] : memref<28128xf32, #tpu.memory_space<vmem>>[vector<16xi32>], vector<16xf32>,
    %add3A_582 = arith.addf %add3A_560, %gather3A_581 : vector<16xf32>
    %add3A_583 = arith.constant 4 : i32
    %add3A_584 = vector.broadcast %add3A_583 : i32 to vector<16xi32>
    %add3A_585 = arith.addi %mul3A_494, %add3A_584 : vector<16xi32>
    %gather3A_586 = tpu.vector_load_idx %arg16[%add3A_585] : memref<1024xi32, #tpu.memory_space<vmem>>[vector<16xi32>], vector<16xi32>,
    %add3A_587 = arith.constant 20002 : i32
    %add3A_588 = vector.broadcast %add3A_587 : i32 to vector<16xi32>
    %add3A_589 = arith.addi %gather3A_586, %add3A_588 : vector<16xi32>
    %gather3A_590 = tpu.vector_load_idx %arg19[%add3A_589] : memref<28128xf32, #tpu.memory_space<vmem>>[vector<16xi32>], vector<16xf32>,
    %add3A_591 = arith.addf %add3A_569, %gather3A_590 : vector<16xf32>
    %mul3A_592 = arith.constant 7 : i32
    %mul3A_593 = vector.broadcast %mul3A_592 : i32 to vector<16xi32>
    %mul3A_594 = arith.muli %gather3A_586, %mul3A_593 : vector<16xi32>
    %add3A_595 = arith.addi %mul3A_594, %rem3A_491 : vector<16xi32>
    %min3A_596 = arith.constant 1 : i32
    %min3A_597 = vector.broadcast %min3A_596 : i32 to vector<16xi32>
    %min3A_598 = arith.minsi %gather3A_586, %min3A_597 : vector<16xi32>
    %mul3A_599 = arith.muli %add3A_595, %min3A_598 : vector<16xi32>
    %add3A_600 = arith.constant 21002 : i32
    %add3A_601 = vector.broadcast %add3A_600 : i32 to vector<16xi32>
    %add3A_602 = arith.addi %mul3A_599, %add3A_601 : vector<16xi32>
    %gather3A_603 = tpu.vector_load_idx %arg19[%add3A_602] : memref<28128xf32, #tpu.memory_space<vmem>>[vector<16xi32>], vector<16xf32>,
    %add3A_604 = arith.addf %add3A_582, %gather3A_603 : vector<16xf32>
    %add3A_605 = arith.constant 5 : i32
    %add3A_606 = vector.broadcast %add3A_605 : i32 to vector<16xi32>
    %add3A_607 = arith.addi %mul3A_494, %add3A_606 : vector<16xi32>
    %gather3A_608 = tpu.vector_load_idx %arg16[%add3A_607] : memref<1024xi32, #tpu.memory_space<vmem>>[vector<16xi32>], vector<16xi32>,
    %add3A_609 = arith.constant 20002 : i32
    %add3A_610 = vector.broadcast %add3A_609 : i32 to vector<16xi32>
    %add3A_611 = arith.addi %gather3A_608, %add3A_610 : vector<16xi32>
    %gather3A_612 = tpu.vector_load_idx %arg19[%add3A_611] : memref<28128xf32, #tpu.memory_space<vmem>>[vector<16xi32>], vector<16xf32>,
    %add3A_613 = arith.addf %add3A_591, %gather3A_612 : vector<16xf32>
    %mul3A_614 = arith.constant 7 : i32
    %mul3A_615 = vector.broadcast %mul3A_614 : i32 to vector<16xi32>
    %mul3A_616 = arith.muli %gather3A_608, %mul3A_615 : vector<16xi32>
    %add3A_617 = arith.addi %mul3A_616, %rem3A_491 : vector<16xi32>
    %min3A_618 = arith.constant 1 : i32
    %min3A_619 = vector.broadcast %min3A_618 : i32 to vector<16xi32>
    %min3A_620 = arith.minsi %gather3A_608, %min3A_619 : vector<16xi32>
    %mul3A_621 = arith.muli %add3A_617, %min3A_620 : vector<16xi32>
    %add3A_622 = arith.constant 21002 : i32
    %add3A_623 = vector.broadcast %add3A_622 : i32 to vector<16xi32>
    %add3A_624 = arith.addi %mul3A_621, %add3A_623 : vector<16xi32>
    %gather3A_625 = tpu.vector_load_idx %arg19[%add3A_624] : memref<28128xf32, #tpu.memory_space<vmem>>[vector<16xi32>], vector<16xf32>,
    %add3A_626 = arith.addf %add3A_604, %gather3A_625 : vector<16xf32>
    %add3A_627 = arith.constant 6 : i32
    %add3A_628 = vector.broadcast %add3A_627 : i32 to vector<16xi32>
    %add3A_629 = arith.addi %mul3A_494, %add3A_628 : vector<16xi32>
    %gather3A_630 = tpu.vector_load_idx %arg16[%add3A_629] : memref<1024xi32, #tpu.memory_space<vmem>>[vector<16xi32>], vector<16xi32>,
    %add3A_631 = arith.constant 20002 : i32
    %add3A_632 = vector.broadcast %add3A_631 : i32 to vector<16xi32>
    %add3A_633 = arith.addi %gather3A_630, %add3A_632 : vector<16xi32>
    %gather3A_634 = tpu.vector_load_idx %arg19[%add3A_633] : memref<28128xf32, #tpu.memory_space<vmem>>[vector<16xi32>], vector<16xf32>,
    %add3A_635 = arith.addf %add3A_613, %gather3A_634 : vector<16xf32>
    %mul3A_636 = arith.constant 7 : i32
    %mul3A_637 = vector.broadcast %mul3A_636 : i32 to vector<16xi32>
    %mul3A_638 = arith.muli %gather3A_630, %mul3A_637 : vector<16xi32>
    %add3A_639 = arith.addi %mul3A_638, %rem3A_491 : vector<16xi32>
    %min3A_640 = arith.constant 1 : i32
    %min3A_641 = vector.broadcast %min3A_640 : i32 to vector<16xi32>
    %min3A_642 = arith.minsi %gather3A_630, %min3A_641 : vector<16xi32>
    %mul3A_643 = arith.muli %add3A_639, %min3A_642 : vector<16xi32>
    %add3A_644 = arith.constant 21002 : i32
    %add3A_645 = vector.broadcast %add3A_644 : i32 to vector<16xi32>
    %add3A_646 = arith.addi %mul3A_643, %add3A_645 : vector<16xi32>
    %gather3A_647 = tpu.vector_load_idx %arg19[%add3A_646] : memref<28128xf32, #tpu.memory_space<vmem>>[vector<16xi32>], vector<16xf32>,
    %add3A_648 = arith.addf %add3A_626, %gather3A_647 : vector<16xf32>
    %add3A_649 = arith.constant 7 : i32
    %add3A_650 = vector.broadcast %add3A_649 : i32 to vector<16xi32>
    %add3A_651 = arith.addi %mul3A_494, %add3A_650 : vector<16xi32>
    %gather3A_652 = tpu.vector_load_idx %arg16[%add3A_651] : memref<1024xi32, #tpu.memory_space<vmem>>[vector<16xi32>], vector<16xi32>,
    %add3A_653 = arith.constant 20002 : i32
    %add3A_654 = vector.broadcast %add3A_653 : i32 to vector<16xi32>
    %add3A_655 = arith.addi %gather3A_652, %add3A_654 : vector<16xi32>
    %gather3A_656 = tpu.vector_load_idx %arg19[%add3A_655] : memref<28128xf32, #tpu.memory_space<vmem>>[vector<16xi32>], vector<16xf32>,
    %add3A_657 = arith.addf %add3A_635, %gather3A_656 : vector<16xf32>
    %mul3A_658 = arith.constant 7 : i32
    %mul3A_659 = vector.broadcast %mul3A_658 : i32 to vector<16xi32>
    %mul3A_660 = arith.muli %gather3A_652, %mul3A_659 : vector<16xi32>
    %add3A_661 = arith.addi %mul3A_660, %rem3A_491 : vector<16xi32>
    %min3A_662 = arith.constant 1 : i32
    %min3A_663 = vector.broadcast %min3A_662 : i32 to vector<16xi32>
    %min3A_664 = arith.minsi %gather3A_652, %min3A_663 : vector<16xi32>
    %mul3A_665 = arith.muli %add3A_661, %min3A_664 : vector<16xi32>
    %add3A_666 = arith.constant 21002 : i32
    %add3A_667 = vector.broadcast %add3A_666 : i32 to vector<16xi32>
    %add3A_668 = arith.addi %mul3A_665, %add3A_667 : vector<16xi32>
    %gather3A_669 = tpu.vector_load_idx %arg19[%add3A_668] : memref<28128xf32, #tpu.memory_space<vmem>>[vector<16xi32>], vector<16xf32>,
    %add3A_670 = arith.addf %add3A_648, %gather3A_669 : vector<16xf32>
    %mul3A_671 = arith.constant 50 : i32
    %mul3A_672 = vector.broadcast %mul3A_671 : i32 to vector<16xi32>
    %mul3A_673 = arith.muli %add3A_474, %mul3A_672 : vector<16xi32>
    %gather3A_674 = tpu.vector_load_idx %arg17[%mul3A_673] : memref<6400xf32, #tpu.memory_space<vmem>>[vector<16xi32>], vector<16xf32>,
    %swap3A_675 = arith.constant 32 : index
    %swap3A_676 = tpu.vector_load %arg20[%swap3A_675] {strides = array<i32>} : memref<128xf32, #tpu.memory_space<vmem>>, vector<16xf32>,
    tpu.vector_store %arg20[%swap3A_675], %gather3A_674 {strides = array<i32>} : memref<128xf32, #tpu.memory_space<vmem>>, vector<16xf32>,
    %add3A_677 = arith.addf %gather3A_484, %gather3A_488 : vector<16xf32>
    %add3A_678 = arith.addf %add3A_677, %get3A_476 : vector<16xf32>
    %add3A_679 = arith.addf %add3A_678, %get3A_8 : vector<16xf32>
    %max3A_680 = arith.constant 0.000000e+00 : f32
    %max3A_681 = vector.broadcast %max3A_680 : f32 to vector<16xf32>
    %max3A_682 = arith.maximumf %add3A_679, %max3A_681 : vector<16xf32>
    %swap3A_683 = arith.constant 32 : index
    %swap3A_684 = tpu.vector_load %arg21[%swap3A_683] {strides = array<i32>} : memref<128xf32, #tpu.memory_space<vmem>>, vector<16xf32>,
    tpu.vector_store %arg21[%swap3A_683], %max3A_682 {strides = array<i32>} : memref<128xf32, #tpu.memory_space<vmem>>, vector<16xf32>,
    %mul3A_685 = arith.constant 1.250000e-01 : f32
    %mul3A_686 = vector.broadcast %mul3A_685 : f32 to vector<16xf32>
    %mul3A_687 = arith.mulf %add3A_657, %mul3A_686 : vector<16xf32>
    %add3A_688 = arith.addf %mul3A_687, %get3A_10 : vector<16xf32>
    %max3A_689 = arith.constant 0.000000e+00 : f32
    %max3A_690 = vector.broadcast %max3A_689 : f32 to vector<16xf32>
    %max3A_691 = arith.maximumf %add3A_688, %max3A_690 : vector<16xf32>
    %swap3A_692 = arith.constant 32 : index
    %swap3A_693 = tpu.vector_load %arg22[%swap3A_692] {strides = array<i32>} : memref<128xf32, #tpu.memory_space<vmem>>, vector<16xf32>,
    tpu.vector_store %arg22[%swap3A_692], %max3A_691 {strides = array<i32>} : memref<128xf32, #tpu.memory_space<vmem>>, vector<16xf32>,
    %mul3A_694 = arith.constant 1.250000e-01 : f32
    %mul3A_695 = vector.broadcast %mul3A_694 : f32 to vector<16xf32>
    %mul3A_696 = arith.mulf %add3A_670, %mul3A_695 : vector<16xf32>
    %add3A_697 = arith.addf %mul3A_696, %get3A_12 : vector<16xf32>
    %max3A_698 = arith.constant 0.000000e+00 : f32
    %max3A_699 = vector.broadcast %max3A_698 : f32 to vector<16xf32>
    %max3A_700 = arith.maximumf %add3A_697, %max3A_699 : vector<16xf32>
    %swap3A_701 = arith.constant 32 : index
    %swap3A_702 = tpu.vector_load %arg23[%swap3A_701] {strides = array<i32>} : memref<128xf32, #tpu.memory_space<vmem>>, vector<16xf32>,
    tpu.vector_store %arg23[%swap3A_701], %max3A_700 {strides = array<i32>} : memref<128xf32, #tpu.memory_space<vmem>>, vector<16xf32>,
    %add3A_703 = arith.constant 48 : i32
    %add3A_704 = vector.broadcast %add3A_703 : i32 to vector<16xi32>
    %add3A_705 = arith.addi %iota3A, %add3A_704 : vector<16xi32>
    %get3A_706 = arith.constant 48 : index
    %get3A_707 = tpu.vector_load %arg18[%get3A_706] {strides = array<i32>} : memref<128xf32, #tpu.memory_space<vmem>>, vector<16xf32>,
    %get3A_708 = arith.constant 48 : index
    %get3A_709 = tpu.vector_load %arg14[%get3A_708] {strides = array<i32>} : memref<128xi32, #tpu.memory_space<vmem>>, vector<16xi32>,
    %get3A_710 = arith.constant 48 : index
    %get3A_711 = tpu.vector_load %arg15[%get3A_710] {strides = array<i32>} : memref<128xi32, #tpu.memory_space<vmem>>, vector<16xi32>,
    %add3A_712 = arith.constant 0 : i32
    %add3A_713 = vector.broadcast %add3A_712 : i32 to vector<16xi32>
    %add3A_714 = arith.addi %get3A_709, %add3A_713 : vector<16xi32>
    %gather3A_715 = tpu.vector_load_idx %arg19[%add3A_714] : memref<28128xf32, #tpu.memory_space<vmem>>[vector<16xi32>], vector<16xf32>,
    %add3A_716 = arith.constant 10001 : i32
    %add3A_717 = vector.broadcast %add3A_716 : i32 to vector<16xi32>
    %add3A_718 = arith.addi %get3A_711, %add3A_717 : vector<16xi32>
    %gather3A_719 = tpu.vector_load_idx %arg19[%add3A_718] : memref<28128xf32, #tpu.memory_space<vmem>>[vector<16xi32>], vector<16xf32>,
    %rem3A_720 = arith.constant 7 : i32
    %rem3A_721 = vector.broadcast %rem3A_720 : i32 to vector<16xi32>
    %rem3A_722 = arith.remsi %get3A_711, %rem3A_721 : vector<16xi32>
    %mul3A_723 = arith.constant 8 : i32
    %mul3A_724 = vector.broadcast %mul3A_723 : i32 to vector<16xi32>
    %mul3A_725 = arith.muli %add3A_705, %mul3A_724 : vector<16xi32>
    %add3A_726 = arith.constant 0 : i32
    %add3A_727 = vector.broadcast %add3A_726 : i32 to vector<16xi32>
    %add3A_728 = arith.addi %mul3A_725, %add3A_727 : vector<16xi32>
    %gather3A_729 = tpu.vector_load_idx %arg16[%add3A_728] : memref<1024xi32, #tpu.memory_space<vmem>>[vector<16xi32>], vector<16xi32>,
    %add3A_730 = arith.constant 20002 : i32
    %add3A_731 = vector.broadcast %add3A_730 : i32 to vector<16xi32>
    %add3A_732 = arith.addi %gather3A_729, %add3A_731 : vector<16xi32>
    %gather3A_733 = tpu.vector_load_idx %arg19[%add3A_732] : memref<28128xf32, #tpu.memory_space<vmem>>[vector<16xi32>], vector<16xf32>,
    %add3A_734 = arith.addf %broadcast_in_dim3A_7, %gather3A_733 : vector<16xf32>
    %mul3A_735 = arith.constant 7 : i32
    %mul3A_736 = vector.broadcast %mul3A_735 : i32 to vector<16xi32>
    %mul3A_737 = arith.muli %gather3A_729, %mul3A_736 : vector<16xi32>
    %add3A_738 = arith.addi %mul3A_737, %rem3A_722 : vector<16xi32>
    %min3A_739 = arith.constant 1 : i32
    %min3A_740 = vector.broadcast %min3A_739 : i32 to vector<16xi32>
    %min3A_741 = arith.minsi %gather3A_729, %min3A_740 : vector<16xi32>
    %mul3A_742 = arith.muli %add3A_738, %min3A_741 : vector<16xi32>
    %add3A_743 = arith.constant 21002 : i32
    %add3A_744 = vector.broadcast %add3A_743 : i32 to vector<16xi32>
    %add3A_745 = arith.addi %mul3A_742, %add3A_744 : vector<16xi32>
    %gather3A_746 = tpu.vector_load_idx %arg19[%add3A_745] : memref<28128xf32, #tpu.memory_space<vmem>>[vector<16xi32>], vector<16xf32>,
    %add3A_747 = arith.addf %broadcast_in_dim3A_7, %gather3A_746 : vector<16xf32>
    %add3A_748 = arith.constant 1 : i32
    %add3A_749 = vector.broadcast %add3A_748 : i32 to vector<16xi32>
    %add3A_750 = arith.addi %mul3A_725, %add3A_749 : vector<16xi32>
    %gather3A_751 = tpu.vector_load_idx %arg16[%add3A_750] : memref<1024xi32, #tpu.memory_space<vmem>>[vector<16xi32>], vector<16xi32>,
    %add3A_752 = arith.constant 20002 : i32
    %add3A_753 = vector.broadcast %add3A_752 : i32 to vector<16xi32>
    %add3A_754 = arith.addi %gather3A_751, %add3A_753 : vector<16xi32>
    %gather3A_755 = tpu.vector_load_idx %arg19[%add3A_754] : memref<28128xf32, #tpu.memory_space<vmem>>[vector<16xi32>], vector<16xf32>,
    %add3A_756 = arith.addf %add3A_734, %gather3A_755 : vector<16xf32>
    %mul3A_757 = arith.constant 7 : i32
    %mul3A_758 = vector.broadcast %mul3A_757 : i32 to vector<16xi32>
    %mul3A_759 = arith.muli %gather3A_751, %mul3A_758 : vector<16xi32>
    %add3A_760 = arith.addi %mul3A_759, %rem3A_722 : vector<16xi32>
    %min3A_761 = arith.constant 1 : i32
    %min3A_762 = vector.broadcast %min3A_761 : i32 to vector<16xi32>
    %min3A_763 = arith.minsi %gather3A_751, %min3A_762 : vector<16xi32>
    %mul3A_764 = arith.muli %add3A_760, %min3A_763 : vector<16xi32>
    %add3A_765 = arith.constant 21002 : i32
    %add3A_766 = vector.broadcast %add3A_765 : i32 to vector<16xi32>
    %add3A_767 = arith.addi %mul3A_764, %add3A_766 : vector<16xi32>
    %gather3A_768 = tpu.vector_load_idx %arg19[%add3A_767] : memref<28128xf32, #tpu.memory_space<vmem>>[vector<16xi32>], vector<16xf32>,
    %add3A_769 = arith.addf %add3A_747, %gather3A_768 : vector<16xf32>
    %add3A_770 = arith.constant 2 : i32
    %add3A_771 = vector.broadcast %add3A_770 : i32 to vector<16xi32>
    %add3A_772 = arith.addi %mul3A_725, %add3A_771 : vector<16xi32>
    %gather3A_773 = tpu.vector_load_idx %arg16[%add3A_772] : memref<1024xi32, #tpu.memory_space<vmem>>[vector<16xi32>], vector<16xi32>,
    %add3A_774 = arith.constant 20002 : i32
    %add3A_775 = vector.broadcast %add3A_774 : i32 to vector<16xi32>
    %add3A_776 = arith.addi %gather3A_773, %add3A_775 : vector<16xi32>
    %gather3A_777 = tpu.vector_load_idx %arg19[%add3A_776] : memref<28128xf32, #tpu.memory_space<vmem>>[vector<16xi32>], vector<16xf32>,
    %add3A_778 = arith.addf %add3A_756, %gather3A_777 : vector<16xf32>
    %mul3A_779 = arith.constant 7 : i32
    %mul3A_780 = vector.broadcast %mul3A_779 : i32 to vector<16xi32>
    %mul3A_781 = arith.muli %gather3A_773, %mul3A_780 : vector<16xi32>
    %add3A_782 = arith.addi %mul3A_781, %rem3A_722 : vector<16xi32>
    %min3A_783 = arith.constant 1 : i32
    %min3A_784 = vector.broadcast %min3A_783 : i32 to vector<16xi32>
    %min3A_785 = arith.minsi %gather3A_773, %min3A_784 : vector<16xi32>
    %mul3A_786 = arith.muli %add3A_782, %min3A_785 : vector<16xi32>
    %add3A_787 = arith.constant 21002 : i32
    %add3A_788 = vector.broadcast %add3A_787 : i32 to vector<16xi32>
    %add3A_789 = arith.addi %mul3A_786, %add3A_788 : vector<16xi32>
    %gather3A_790 = tpu.vector_load_idx %arg19[%add3A_789] : memref<28128xf32, #tpu.memory_space<vmem>>[vector<16xi32>], vector<16xf32>,
    %add3A_791 = arith.addf %add3A_769, %gather3A_790 : vector<16xf32>
    %add3A_792 = arith.constant 3 : i32
    %add3A_793 = vector.broadcast %add3A_792 : i32 to vector<16xi32>
    %add3A_794 = arith.addi %mul3A_725, %add3A_793 : vector<16xi32>
    %gather3A_795 = tpu.vector_load_idx %arg16[%add3A_794] : memref<1024xi32, #tpu.memory_space<vmem>>[vector<16xi32>], vector<16xi32>,
    %add3A_796 = arith.constant 20002 : i32
    %add3A_797 = vector.broadcast %add3A_796 : i32 to vector<16xi32>
    %add3A_798 = arith.addi %gather3A_795, %add3A_797 : vector<16xi32>
    %gather3A_799 = tpu.vector_load_idx %arg19[%add3A_798] : memref<28128xf32, #tpu.memory_space<vmem>>[vector<16xi32>], vector<16xf32>,
    %add3A_800 = arith.addf %add3A_778, %gather3A_799 : vector<16xf32>
    %mul3A_801 = arith.constant 7 : i32
    %mul3A_802 = vector.broadcast %mul3A_801 : i32 to vector<16xi32>
    %mul3A_803 = arith.muli %gather3A_795, %mul3A_802 : vector<16xi32>
    %add3A_804 = arith.addi %mul3A_803, %rem3A_722 : vector<16xi32>
    %min3A_805 = arith.constant 1 : i32
    %min3A_806 = vector.broadcast %min3A_805 : i32 to vector<16xi32>
    %min3A_807 = arith.minsi %gather3A_795, %min3A_806 : vector<16xi32>
    %mul3A_808 = arith.muli %add3A_804, %min3A_807 : vector<16xi32>
    %add3A_809 = arith.constant 21002 : i32
    %add3A_810 = vector.broadcast %add3A_809 : i32 to vector<16xi32>
    %add3A_811 = arith.addi %mul3A_808, %add3A_810 : vector<16xi32>
    %gather3A_812 = tpu.vector_load_idx %arg19[%add3A_811] : memref<28128xf32, #tpu.memory_space<vmem>>[vector<16xi32>], vector<16xf32>,
    %add3A_813 = arith.addf %add3A_791, %gather3A_812 : vector<16xf32>
    %add3A_814 = arith.constant 4 : i32
    %add3A_815 = vector.broadcast %add3A_814 : i32 to vector<16xi32>
    %add3A_816 = arith.addi %mul3A_725, %add3A_815 : vector<16xi32>
    %gather3A_817 = tpu.vector_load_idx %arg16[%add3A_816] : memref<1024xi32, #tpu.memory_space<vmem>>[vector<16xi32>], vector<16xi32>,
    %add3A_818 = arith.constant 20002 : i32
    %add3A_819 = vector.broadcast %add3A_818 : i32 to vector<16xi32>
    %add3A_820 = arith.addi %gather3A_817, %add3A_819 : vector<16xi32>
    %gather3A_821 = tpu.vector_load_idx %arg19[%add3A_820] : memref<28128xf32, #tpu.memory_space<vmem>>[vector<16xi32>], vector<16xf32>,
    %add3A_822 = arith.addf %add3A_800, %gather3A_821 : vector<16xf32>
    %mul3A_823 = arith.constant 7 : i32
    %mul3A_824 = vector.broadcast %mul3A_823 : i32 to vector<16xi32>
    %mul3A_825 = arith.muli %gather3A_817, %mul3A_824 : vector<16xi32>
    %add3A_826 = arith.addi %mul3A_825, %rem3A_722 : vector<16xi32>
    %min3A_827 = arith.constant 1 : i32
    %min3A_828 = vector.broadcast %min3A_827 : i32 to vector<16xi32>
    %min3A_829 = arith.minsi %gather3A_817, %min3A_828 : vector<16xi32>
    %mul3A_830 = arith.muli %add3A_826, %min3A_829 : vector<16xi32>
    %add3A_831 = arith.constant 21002 : i32
    %add3A_832 = vector.broadcast %add3A_831 : i32 to vector<16xi32>
    %add3A_833 = arith.addi %mul3A_830, %add3A_832 : vector<16xi32>
    %gather3A_834 = tpu.vector_load_idx %arg19[%add3A_833] : memref<28128xf32, #tpu.memory_space<vmem>>[vector<16xi32>], vector<16xf32>,
    %add3A_835 = arith.addf %add3A_813, %gather3A_834 : vector<16xf32>
    %add3A_836 = arith.constant 5 : i32
    %add3A_837 = vector.broadcast %add3A_836 : i32 to vector<16xi32>
    %add3A_838 = arith.addi %mul3A_725, %add3A_837 : vector<16xi32>
    %gather3A_839 = tpu.vector_load_idx %arg16[%add3A_838] : memref<1024xi32, #tpu.memory_space<vmem>>[vector<16xi32>], vector<16xi32>,
    %add3A_840 = arith.constant 20002 : i32
    %add3A_841 = vector.broadcast %add3A_840 : i32 to vector<16xi32>
    %add3A_842 = arith.addi %gather3A_839, %add3A_841 : vector<16xi32>
    %gather3A_843 = tpu.vector_load_idx %arg19[%add3A_842] : memref<28128xf32, #tpu.memory_space<vmem>>[vector<16xi32>], vector<16xf32>,
    %add3A_844 = arith.addf %add3A_822, %gather3A_843 : vector<16xf32>
    %mul3A_845 = arith.constant 7 : i32
    %mul3A_846 = vector.broadcast %mul3A_845 : i32 to vector<16xi32>
    %mul3A_847 = arith.muli %gather3A_839, %mul3A_846 : vector<16xi32>
    %add3A_848 = arith.addi %mul3A_847, %rem3A_722 : vector<16xi32>
    %min3A_849 = arith.constant 1 : i32
    %min3A_850 = vector.broadcast %min3A_849 : i32 to vector<16xi32>
    %min3A_851 = arith.minsi %gather3A_839, %min3A_850 : vector<16xi32>
    %mul3A_852 = arith.muli %add3A_848, %min3A_851 : vector<16xi32>
    %add3A_853 = arith.constant 21002 : i32
    %add3A_854 = vector.broadcast %add3A_853 : i32 to vector<16xi32>
    %add3A_855 = arith.addi %mul3A_852, %add3A_854 : vector<16xi32>
    %gather3A_856 = tpu.vector_load_idx %arg19[%add3A_855] : memref<28128xf32, #tpu.memory_space<vmem>>[vector<16xi32>], vector<16xf32>,
    %add3A_857 = arith.addf %add3A_835, %gather3A_856 : vector<16xf32>
    %add3A_858 = arith.constant 6 : i32
    %add3A_859 = vector.broadcast %add3A_858 : i32 to vector<16xi32>
    %add3A_860 = arith.addi %mul3A_725, %add3A_859 : vector<16xi32>
    %gather3A_861 = tpu.vector_load_idx %arg16[%add3A_860] : memref<1024xi32, #tpu.memory_space<vmem>>[vector<16xi32>], vector<16xi32>,
    %add3A_862 = arith.constant 20002 : i32
    %add3A_863 = vector.broadcast %add3A_862 : i32 to vector<16xi32>
    %add3A_864 = arith.addi %gather3A_861, %add3A_863 : vector<16xi32>
    %gather3A_865 = tpu.vector_load_idx %arg19[%add3A_864] : memref<28128xf32, #tpu.memory_space<vmem>>[vector<16xi32>], vector<16xf32>,
    %add3A_866 = arith.addf %add3A_844, %gather3A_865 : vector<16xf32>
    %mul3A_867 = arith.constant 7 : i32
    %mul3A_868 = vector.broadcast %mul3A_867 : i32 to vector<16xi32>
    %mul3A_869 = arith.muli %gather3A_861, %mul3A_868 : vector<16xi32>
    %add3A_870 = arith.addi %mul3A_869, %rem3A_722 : vector<16xi32>
    %min3A_871 = arith.constant 1 : i32
    %min3A_872 = vector.broadcast %min3A_871 : i32 to vector<16xi32>
    %min3A_873 = arith.minsi %gather3A_861, %min3A_872 : vector<16xi32>
    %mul3A_874 = arith.muli %add3A_870, %min3A_873 : vector<16xi32>
    %add3A_875 = arith.constant 21002 : i32
    %add3A_876 = vector.broadcast %add3A_875 : i32 to vector<16xi32>
    %add3A_877 = arith.addi %mul3A_874, %add3A_876 : vector<16xi32>
    %gather3A_878 = tpu.vector_load_idx %arg19[%add3A_877] : memref<28128xf32, #tpu.memory_space<vmem>>[vector<16xi32>], vector<16xf32>,
    %add3A_879 = arith.addf %add3A_857, %gather3A_878 : vector<16xf32>
    %add3A_880 = arith.constant 7 : i32
    %add3A_881 = vector.broadcast %add3A_880 : i32 to vector<16xi32>
    %add3A_882 = arith.addi %mul3A_725, %add3A_881 : vector<16xi32>
    %gather3A_883 = tpu.vector_load_idx %arg16[%add3A_882] : memref<1024xi32, #tpu.memory_space<vmem>>[vector<16xi32>], vector<16xi32>,
    %add3A_884 = arith.constant 20002 : i32
    %add3A_885 = vector.broadcast %add3A_884 : i32 to vector<16xi32>
    %add3A_886 = arith.addi %gather3A_883, %add3A_885 : vector<16xi32>
    %gather3A_887 = tpu.vector_load_idx %arg19[%add3A_886] : memref<28128xf32, #tpu.memory_space<vmem>>[vector<16xi32>], vector<16xf32>,
    %add3A_888 = arith.addf %add3A_866, %gather3A_887 : vector<16xf32>
    %mul3A_889 = arith.constant 7 : i32
    %mul3A_890 = vector.broadcast %mul3A_889 : i32 to vector<16xi32>
    %mul3A_891 = arith.muli %gather3A_883, %mul3A_890 : vector<16xi32>
    %add3A_892 = arith.addi %mul3A_891, %rem3A_722 : vector<16xi32>
    %min3A_893 = arith.constant 1 : i32
    %min3A_894 = vector.broadcast %min3A_893 : i32 to vector<16xi32>
    %min3A_895 = arith.minsi %gather3A_883, %min3A_894 : vector<16xi32>
    %mul3A_896 = arith.muli %add3A_892, %min3A_895 : vector<16xi32>
    %add3A_897 = arith.constant 21002 : i32
    %add3A_898 = vector.broadcast %add3A_897 : i32 to vector<16xi32>
    %add3A_899 = arith.addi %mul3A_896, %add3A_898 : vector<16xi32>
    %gather3A_900 = tpu.vector_load_idx %arg19[%add3A_899] : memref<28128xf32, #tpu.memory_space<vmem>>[vector<16xi32>], vector<16xf32>,
    %add3A_901 = arith.addf %add3A_879, %gather3A_900 : vector<16xf32>
    %mul3A_902 = arith.constant 50 : i32
    %mul3A_903 = vector.broadcast %mul3A_902 : i32 to vector<16xi32>
    %mul3A_904 = arith.muli %add3A_705, %mul3A_903 : vector<16xi32>
    %gather3A_905 = tpu.vector_load_idx %arg17[%mul3A_904] : memref<6400xf32, #tpu.memory_space<vmem>>[vector<16xi32>], vector<16xf32>,
    %swap3A_906 = arith.constant 48 : index
    %swap3A_907 = tpu.vector_load %arg20[%swap3A_906] {strides = array<i32>} : memref<128xf32, #tpu.memory_space<vmem>>, vector<16xf32>,
    tpu.vector_store %arg20[%swap3A_906], %gather3A_905 {strides = array<i32>} : memref<128xf32, #tpu.memory_space<vmem>>, vector<16xf32>,
    %add3A_908 = arith.addf %gather3A_715, %gather3A_719 : vector<16xf32>
    %add3A_909 = arith.addf %add3A_908, %get3A_707 : vector<16xf32>
    %add3A_910 = arith.addf %add3A_909, %get3A_8 : vector<16xf32>
    %max3A_911 = arith.constant 0.000000e+00 : f32
    %max3A_912 = vector.broadcast %max3A_911 : f32 to vector<16xf32>
    %max3A_913 = arith.maximumf %add3A_910, %max3A_912 : vector<16xf32>
    %swap3A_914 = arith.constant 48 : index
    %swap3A_915 = tpu.vector_load %arg21[%swap3A_914] {strides = array<i32>} : memref<128xf32, #tpu.memory_space<vmem>>, vector<16xf32>,
    tpu.vector_store %arg21[%swap3A_914], %max3A_913 {strides = array<i32>} : memref<128xf32, #tpu.memory_space<vmem>>, vector<16xf32>,
    %mul3A_916 = arith.constant 1.250000e-01 : f32
    %mul3A_917 = vector.broadcast %mul3A_916 : f32 to vector<16xf32>
    %mul3A_918 = arith.mulf %add3A_888, %mul3A_917 : vector<16xf32>
    %add3A_919 = arith.addf %mul3A_918, %get3A_10 : vector<16xf32>
    %max3A_920 = arith.constant 0.000000e+00 : f32
    %max3A_921 = vector.broadcast %max3A_920 : f32 to vector<16xf32>
    %max3A_922 = arith.maximumf %add3A_919, %max3A_921 : vector<16xf32>
    %swap3A_923 = arith.constant 48 : index
    %swap3A_924 = tpu.vector_load %arg22[%swap3A_923] {strides = array<i32>} : memref<128xf32, #tpu.memory_space<vmem>>, vector<16xf32>,
    tpu.vector_store %arg22[%swap3A_923], %max3A_922 {strides = array<i32>} : memref<128xf32, #tpu.memory_space<vmem>>, vector<16xf32>,
    %mul3A_925 = arith.constant 1.250000e-01 : f32
    %mul3A_926 = vector.broadcast %mul3A_925 : f32 to vector<16xf32>
    %mul3A_927 = arith.mulf %add3A_901, %mul3A_926 : vector<16xf32>
    %add3A_928 = arith.addf %mul3A_927, %get3A_12 : vector<16xf32>
    %max3A_929 = arith.constant 0.000000e+00 : f32
    %max3A_930 = vector.broadcast %max3A_929 : f32 to vector<16xf32>
    %max3A_931 = arith.maximumf %add3A_928, %max3A_930 : vector<16xf32>
    %swap3A_932 = arith.constant 48 : index
    %swap3A_933 = tpu.vector_load %arg23[%swap3A_932] {strides = array<i32>} : memref<128xf32, #tpu.memory_space<vmem>>, vector<16xf32>,
    tpu.vector_store %arg23[%swap3A_932], %max3A_931 {strides = array<i32>} : memref<128xf32, #tpu.memory_space<vmem>>, vector<16xf32>,
    %add3A_934 = arith.constant 64 : i32
    %add3A_935 = vector.broadcast %add3A_934 : i32 to vector<16xi32>
    %add3A_936 = arith.addi %iota3A, %add3A_935 : vector<16xi32>
    %get3A_937 = arith.constant 64 : index
    %get3A_938 = tpu.vector_load %arg18[%get3A_937] {strides = array<i32>} : memref<128xf32, #tpu.memory_space<vmem>>, vector<16xf32>,
    %get3A_939 = arith.constant 64 : index
    %get3A_940 = tpu.vector_load %arg14[%get3A_939] {strides = array<i32>} : memref<128xi32, #tpu.memory_space<vmem>>, vector<16xi32>,
    %get3A_941 = arith.constant 64 : index
    %get3A_942 = tpu.vector_load %arg15[%get3A_941] {strides = array<i32>} : memref<128xi32, #tpu.memory_space<vmem>>, vector<16xi32>,
    %add3A_943 = arith.constant 0 : i32
    %add3A_944 = vector.broadcast %add3A_943 : i32 to vector<16xi32>
    %add3A_945 = arith.addi %get3A_940, %add3A_944 : vector<16xi32>
    %gather3A_946 = tpu.vector_load_idx %arg19[%add3A_945] : memref<28128xf32, #tpu.memory_space<vmem>>[vector<16xi32>], vector<16xf32>,
    %add3A_947 = arith.constant 10001 : i32
    %add3A_948 = vector.broadcast %add3A_947 : i32 to vector<16xi32>
    %add3A_949 = arith.addi %get3A_942, %add3A_948 : vector<16xi32>
    %gather3A_950 = tpu.vector_load_idx %arg19[%add3A_949] : memref<28128xf32, #tpu.memory_space<vmem>>[vector<16xi32>], vector<16xf32>,
    %rem3A_951 = arith.constant 7 : i32
    %rem3A_952 = vector.broadcast %rem3A_951 : i32 to vector<16xi32>
    %rem3A_953 = arith.remsi %get3A_942, %rem3A_952 : vector<16xi32>
    %mul3A_954 = arith.constant 8 : i32
    %mul3A_955 = vector.broadcast %mul3A_954 : i32 to vector<16xi32>
    %mul3A_956 = arith.muli %add3A_936, %mul3A_955 : vector<16xi32>
    %add3A_957 = arith.constant 0 : i32
    %add3A_958 = vector.broadcast %add3A_957 : i32 to vector<16xi32>
    %add3A_959 = arith.addi %mul3A_956, %add3A_958 : vector<16xi32>
    %gather3A_960 = tpu.vector_load_idx %arg16[%add3A_959] : memref<1024xi32, #tpu.memory_space<vmem>>[vector<16xi32>], vector<16xi32>,
    %add3A_961 = arith.constant 20002 : i32
    %add3A_962 = vector.broadcast %add3A_961 : i32 to vector<16xi32>
    %add3A_963 = arith.addi %gather3A_960, %add3A_962 : vector<16xi32>
    %gather3A_964 = tpu.vector_load_idx %arg19[%add3A_963] : memref<28128xf32, #tpu.memory_space<vmem>>[vector<16xi32>], vector<16xf32>,
    %add3A_965 = arith.addf %broadcast_in_dim3A_7, %gather3A_964 : vector<16xf32>
    %mul3A_966 = arith.constant 7 : i32
    %mul3A_967 = vector.broadcast %mul3A_966 : i32 to vector<16xi32>
    %mul3A_968 = arith.muli %gather3A_960, %mul3A_967 : vector<16xi32>
    %add3A_969 = arith.addi %mul3A_968, %rem3A_953 : vector<16xi32>
    %min3A_970 = arith.constant 1 : i32
    %min3A_971 = vector.broadcast %min3A_970 : i32 to vector<16xi32>
    %min3A_972 = arith.minsi %gather3A_960, %min3A_971 : vector<16xi32>
    %mul3A_973 = arith.muli %add3A_969, %min3A_972 : vector<16xi32>
    %add3A_974 = arith.constant 21002 : i32
    %add3A_975 = vector.broadcast %add3A_974 : i32 to vector<16xi32>
    %add3A_976 = arith.addi %mul3A_973, %add3A_975 : vector<16xi32>
    %gather3A_977 = tpu.vector_load_idx %arg19[%add3A_976] : memref<28128xf32, #tpu.memory_space<vmem>>[vector<16xi32>], vector<16xf32>,
    %add3A_978 = arith.addf %broadcast_in_dim3A_7, %gather3A_977 : vector<16xf32>
    %add3A_979 = arith.constant 1 : i32
    %add3A_980 = vector.broadcast %add3A_979 : i32 to vector<16xi32>
    %add3A_981 = arith.addi %mul3A_956, %add3A_980 : vector<16xi32>
    %gather3A_982 = tpu.vector_load_idx %arg16[%add3A_981] : memref<1024xi32, #tpu.memory_space<vmem>>[vector<16xi32>], vector<16xi32>,
    %add3A_983 = arith.constant 20002 : i32
    %add3A_984 = vector.broadcast %add3A_983 : i32 to vector<16xi32>
    %add3A_985 = arith.addi %gather3A_982, %add3A_984 : vector<16xi32>
    %gather3A_986 = tpu.vector_load_idx %arg19[%add3A_985] : memref<28128xf32, #tpu.memory_space<vmem>>[vector<16xi32>], vector<16xf32>,
    %add3A_987 = arith.addf %add3A_965, %gather3A_986 : vector<16xf32>
    %mul3A_988 = arith.constant 7 : i32
    %mul3A_989 = vector.broadcast %mul3A_988 : i32 to vector<16xi32>
    %mul3A_990 = arith.muli %gather3A_982, %mul3A_989 : vector<16xi32>
    %add3A_991 = arith.addi %mul3A_990, %rem3A_953 : vector<16xi32>
    %min3A_992 = arith.constant 1 : i32
    %min3A_993 = vector.broadcast %min3A_992 : i32 to vector<16xi32>
    %min3A_994 = arith.minsi %gather3A_982, %min3A_993 : vector<16xi32>
    %mul3A_995 = arith.muli %add3A_991, %min3A_994 : vector<16xi32>
    %add3A_996 = arith.constant 21002 : i32
    %add3A_997 = vector.broadcast %add3A_996 : i32 to vector<16xi32>
    %add3A_998 = arith.addi %mul3A_995, %add3A_997 : vector<16xi32>
    %gather3A_999 = tpu.vector_load_idx %arg19[%add3A_998] : memref<28128xf32, #tpu.memory_space<vmem>>[vector<16xi32>], vector<16xf32>,
    %add3A_1000 = arith.addf %add3A_978, %gather3A_999 : vector<16xf32>
    %add3A_1001 = arith.constant 2 : i32
    %add3A_1002 = vector.broadcast %add3A_1001 : i32 to vector<16xi32>
    %add3A_1003 = arith.addi %mul3A_956, %add3A_1002 : vector<16xi32>
    %gather3A_1004 = tpu.vector_load_idx %arg16[%add3A_1003] : memref<1024xi32, #tpu.memory_space<vmem>>[vector<16xi32>], vector<16xi32>,
    %add3A_1005 = arith.constant 20002 : i32
    %add3A_1006 = vector.broadcast %add3A_1005 : i32 to vector<16xi32>
    %add3A_1007 = arith.addi %gather3A_1004, %add3A_1006 : vector<16xi32>
    %gather3A_1008 = tpu.vector_load_idx %arg19[%add3A_1007] : memref<28128xf32, #tpu.memory_space<vmem>>[vector<16xi32>], vector<16xf32>,
    %add3A_1009 = arith.addf %add3A_987, %gather3A_1008 : vector<16xf32>
    %mul3A_1010 = arith.constant 7 : i32
    %mul3A_1011 = vector.broadcast %mul3A_1010 : i32 to vector<16xi32>
    %mul3A_1012 = arith.muli %gather3A_1004, %mul3A_1011 : vector<16xi32>
    %add3A_1013 = arith.addi %mul3A_1012, %rem3A_953 : vector<16xi32>
    %min3A_1014 = arith.constant 1 : i32
    %min3A_1015 = vector.broadcast %min3A_1014 : i32 to vector<16xi32>
    %min3A_1016 = arith.minsi %gather3A_1004, %min3A_1015 : vector<16xi32>
    %mul3A_1017 = arith.muli %add3A_1013, %min3A_1016 : vector<16xi32>
    %add3A_1018 = arith.constant 21002 : i32
    %add3A_1019 = vector.broadcast %add3A_1018 : i32 to vector<16xi32>
    %add3A_1020 = arith.addi %mul3A_1017, %add3A_1019 : vector<16xi32>
    %gather3A_1021 = tpu.vector_load_idx %arg19[%add3A_1020] : memref<28128xf32, #tpu.memory_space<vmem>>[vector<16xi32>], vector<16xf32>,
    %add3A_1022 = arith.addf %add3A_1000, %gather3A_1021 : vector<16xf32>
    %add3A_1023 = arith.constant 3 : i32
    %add3A_1024 = vector.broadcast %add3A_1023 : i32 to vector<16xi32>
    %add3A_1025 = arith.addi %mul3A_956, %add3A_1024 : vector<16xi32>
    %gather3A_1026 = tpu.vector_load_idx %arg16[%add3A_1025] : memref<1024xi32, #tpu.memory_space<vmem>>[vector<16xi32>], vector<16xi32>,
    %add3A_1027 = arith.constant 20002 : i32
    %add3A_1028 = vector.broadcast %add3A_1027 : i32 to vector<16xi32>
    %add3A_1029 = arith.addi %gather3A_1026, %add3A_1028 : vector<16xi32>
    %gather3A_1030 = tpu.vector_load_idx %arg19[%add3A_1029] : memref<28128xf32, #tpu.memory_space<vmem>>[vector<16xi32>], vector<16xf32>,
    %add3A_1031 = arith.addf %add3A_1009, %gather3A_1030 : vector<16xf32>
    %mul3A_1032 = arith.constant 7 : i32
    %mul3A_1033 = vector.broadcast %mul3A_1032 : i32 to vector<16xi32>
    %mul3A_1034 = arith.muli %gather3A_1026, %mul3A_1033 : vector<16xi32>
    %add3A_1035 = arith.addi %mul3A_1034, %rem3A_953 : vector<16xi32>
    %min3A_1036 = arith.constant 1 : i32
    %min3A_1037 = vector.broadcast %min3A_1036 : i32 to vector<16xi32>
    %min3A_1038 = arith.minsi %gather3A_1026, %min3A_1037 : vector<16xi32>
    %mul3A_1039 = arith.muli %add3A_1035, %min3A_1038 : vector<16xi32>
    %add3A_1040 = arith.constant 21002 : i32
    %add3A_1041 = vector.broadcast %add3A_1040 : i32 to vector<16xi32>
    %add3A_1042 = arith.addi %mul3A_1039, %add3A_1041 : vector<16xi32>
    %gather3A_1043 = tpu.vector_load_idx %arg19[%add3A_1042] : memref<28128xf32, #tpu.memory_space<vmem>>[vector<16xi32>], vector<16xf32>,
    %add3A_1044 = arith.addf %add3A_1022, %gather3A_1043 : vector<16xf32>
    %add3A_1045 = arith.constant 4 : i32
    %add3A_1046 = vector.broadcast %add3A_1045 : i32 to vector<16xi32>
    %add3A_1047 = arith.addi %mul3A_956, %add3A_1046 : vector<16xi32>
    %gather3A_1048 = tpu.vector_load_idx %arg16[%add3A_1047] : memref<1024xi32, #tpu.memory_space<vmem>>[vector<16xi32>], vector<16xi32>,
    %add3A_1049 = arith.constant 20002 : i32
    %add3A_1050 = vector.broadcast %add3A_1049 : i32 to vector<16xi32>
    %add3A_1051 = arith.addi %gather3A_1048, %add3A_1050 : vector<16xi32>
    %gather3A_1052 = tpu.vector_load_idx %arg19[%add3A_1051] : memref<28128xf32, #tpu.memory_space<vmem>>[vector<16xi32>], vector<16xf32>,
    %add3A_1053 = arith.addf %add3A_1031, %gather3A_1052 : vector<16xf32>
    %mul3A_1054 = arith.constant 7 : i32
    %mul3A_1055 = vector.broadcast %mul3A_1054 : i32 to vector<16xi32>
    %mul3A_1056 = arith.muli %gather3A_1048, %mul3A_1055 : vector<16xi32>
    %add3A_1057 = arith.addi %mul3A_1056, %rem3A_953 : vector<16xi32>
    %min3A_1058 = arith.constant 1 : i32
    %min3A_1059 = vector.broadcast %min3A_1058 : i32 to vector<16xi32>
    %min3A_1060 = arith.minsi %gather3A_1048, %min3A_1059 : vector<16xi32>
    %mul3A_1061 = arith.muli %add3A_1057, %min3A_1060 : vector<16xi32>
    %add3A_1062 = arith.constant 21002 : i32
    %add3A_1063 = vector.broadcast %add3A_1062 : i32 to vector<16xi32>
    %add3A_1064 = arith.addi %mul3A_1061, %add3A_1063 : vector<16xi32>
    %gather3A_1065 = tpu.vector_load_idx %arg19[%add3A_1064] : memref<28128xf32, #tpu.memory_space<vmem>>[vector<16xi32>], vector<16xf32>,
    %add3A_1066 = arith.addf %add3A_1044, %gather3A_1065 : vector<16xf32>
    %add3A_1067 = arith.constant 5 : i32
    %add3A_1068 = vector.broadcast %add3A_1067 : i32 to vector<16xi32>
    %add3A_1069 = arith.addi %mul3A_956, %add3A_1068 : vector<16xi32>
    %gather3A_1070 = tpu.vector_load_idx %arg16[%add3A_1069] : memref<1024xi32, #tpu.memory_space<vmem>>[vector<16xi32>], vector<16xi32>,
    %add3A_1071 = arith.constant 20002 : i32
    %add3A_1072 = vector.broadcast %add3A_1071 : i32 to vector<16xi32>
    %add3A_1073 = arith.addi %gather3A_1070, %add3A_1072 : vector<16xi32>
    %gather3A_1074 = tpu.vector_load_idx %arg19[%add3A_1073] : memref<28128xf32, #tpu.memory_space<vmem>>[vector<16xi32>], vector<16xf32>,
    %add3A_1075 = arith.addf %add3A_1053, %gather3A_1074 : vector<16xf32>
    %mul3A_1076 = arith.constant 7 : i32
    %mul3A_1077 = vector.broadcast %mul3A_1076 : i32 to vector<16xi32>
    %mul3A_1078 = arith.muli %gather3A_1070, %mul3A_1077 : vector<16xi32>
    %add3A_1079 = arith.addi %mul3A_1078, %rem3A_953 : vector<16xi32>
    %min3A_1080 = arith.constant 1 : i32
    %min3A_1081 = vector.broadcast %min3A_1080 : i32 to vector<16xi32>
    %min3A_1082 = arith.minsi %gather3A_1070, %min3A_1081 : vector<16xi32>
    %mul3A_1083 = arith.muli %add3A_1079, %min3A_1082 : vector<16xi32>
    %add3A_1084 = arith.constant 21002 : i32
    %add3A_1085 = vector.broadcast %add3A_1084 : i32 to vector<16xi32>
    %add3A_1086 = arith.addi %mul3A_1083, %add3A_1085 : vector<16xi32>
    %gather3A_1087 = tpu.vector_load_idx %arg19[%add3A_1086] : memref<28128xf32, #tpu.memory_space<vmem>>[vector<16xi32>], vector<16xf32>,
    %add3A_1088 = arith.addf %add3A_1066, %gather3A_1087 : vector<16xf32>
    %add3A_1089 = arith.constant 6 : i32
    %add3A_1090 = vector.broadcast %add3A_1089 : i32 to vector<16xi32>
    %add3A_1091 = arith.addi %mul3A_956, %add3A_1090 : vector<16xi32>
    %gather3A_1092 = tpu.vector_load_idx %arg16[%add3A_1091] : memref<1024xi32, #tpu.memory_space<vmem>>[vector<16xi32>], vector<16xi32>,
    %add3A_1093 = arith.constant 20002 : i32
    %add3A_1094 = vector.broadcast %add3A_1093 : i32 to vector<16xi32>
    %add3A_1095 = arith.addi %gather3A_1092, %add3A_1094 : vector<16xi32>
    %gather3A_1096 = tpu.vector_load_idx %arg19[%add3A_1095] : memref<28128xf32, #tpu.memory_space<vmem>>[vector<16xi32>], vector<16xf32>,
    %add3A_1097 = arith.addf %add3A_1075, %gather3A_1096 : vector<16xf32>
    %mul3A_1098 = arith.constant 7 : i32
    %mul3A_1099 = vector.broadcast %mul3A_1098 : i32 to vector<16xi32>
    %mul3A_1100 = arith.muli %gather3A_1092, %mul3A_1099 : vector<16xi32>
    %add3A_1101 = arith.addi %mul3A_1100, %rem3A_953 : vector<16xi32>
    %min3A_1102 = arith.constant 1 : i32
    %min3A_1103 = vector.broadcast %min3A_1102 : i32 to vector<16xi32>
    %min3A_1104 = arith.minsi %gather3A_1092, %min3A_1103 : vector<16xi32>
    %mul3A_1105 = arith.muli %add3A_1101, %min3A_1104 : vector<16xi32>
    %add3A_1106 = arith.constant 21002 : i32
    %add3A_1107 = vector.broadcast %add3A_1106 : i32 to vector<16xi32>
    %add3A_1108 = arith.addi %mul3A_1105, %add3A_1107 : vector<16xi32>
    %gather3A_1109 = tpu.vector_load_idx %arg19[%add3A_1108] : memref<28128xf32, #tpu.memory_space<vmem>>[vector<16xi32>], vector<16xf32>,
    %add3A_1110 = arith.addf %add3A_1088, %gather3A_1109 : vector<16xf32>
    %add3A_1111 = arith.constant 7 : i32
    %add3A_1112 = vector.broadcast %add3A_1111 : i32 to vector<16xi32>
    %add3A_1113 = arith.addi %mul3A_956, %add3A_1112 : vector<16xi32>
    %gather3A_1114 = tpu.vector_load_idx %arg16[%add3A_1113] : memref<1024xi32, #tpu.memory_space<vmem>>[vector<16xi32>], vector<16xi32>,
    %add3A_1115 = arith.constant 20002 : i32
    %add3A_1116 = vector.broadcast %add3A_1115 : i32 to vector<16xi32>
    %add3A_1117 = arith.addi %gather3A_1114, %add3A_1116 : vector<16xi32>
    %gather3A_1118 = tpu.vector_load_idx %arg19[%add3A_1117] : memref<28128xf32, #tpu.memory_space<vmem>>[vector<16xi32>], vector<16xf32>,
    %add3A_1119 = arith.addf %add3A_1097, %gather3A_1118 : vector<16xf32>
    %mul3A_1120 = arith.constant 7 : i32
    %mul3A_1121 = vector.broadcast %mul3A_1120 : i32 to vector<16xi32>
    %mul3A_1122 = arith.muli %gather3A_1114, %mul3A_1121 : vector<16xi32>
    %add3A_1123 = arith.addi %mul3A_1122, %rem3A_953 : vector<16xi32>
    %min3A_1124 = arith.constant 1 : i32
    %min3A_1125 = vector.broadcast %min3A_1124 : i32 to vector<16xi32>
    %min3A_1126 = arith.minsi %gather3A_1114, %min3A_1125 : vector<16xi32>
    %mul3A_1127 = arith.muli %add3A_1123, %min3A_1126 : vector<16xi32>
    %add3A_1128 = arith.constant 21002 : i32
    %add3A_1129 = vector.broadcast %add3A_1128 : i32 to vector<16xi32>
    %add3A_1130 = arith.addi %mul3A_1127, %add3A_1129 : vector<16xi32>
    %gather3A_1131 = tpu.vector_load_idx %arg19[%add3A_1130] : memref<28128xf32, #tpu.memory_space<vmem>>[vector<16xi32>], vector<16xf32>,
    %add3A_1132 = arith.addf %add3A_1110, %gather3A_1131 : vector<16xf32>
    %mul3A_1133 = arith.constant 50 : i32
    %mul3A_1134 = vector.broadcast %mul3A_1133 : i32 to vector<16xi32>
    %mul3A_1135 = arith.muli %add3A_936, %mul3A_1134 : vector<16xi32>
    %gather3A_1136 = tpu.vector_load_idx %arg17[%mul3A_1135] : memref<6400xf32, #tpu.memory_space<vmem>>[vector<16xi32>], vector<16xf32>,
    %swap3A_1137 = arith.constant 64 : index
    %swap3A_1138 = tpu.vector_load %arg20[%swap3A_1137] {strides = array<i32>} : memref<128xf32, #tpu.memory_space<vmem>>, vector<16xf32>,
    tpu.vector_store %arg20[%swap3A_1137], %gather3A_1136 {strides = array<i32>} : memref<128xf32, #tpu.memory_space<vmem>>, vector<16xf32>,
    %add3A_1139 = arith.addf %gather3A_946, %gather3A_950 : vector<16xf32>
    %add3A_1140 = arith.addf %add3A_1139, %get3A_938 : vector<16xf32>
    %add3A_1141 = arith.addf %add3A_1140, %get3A_8 : vector<16xf32>
    %max3A_1142 = arith.constant 0.000000e+00 : f32
    %max3A_1143 = vector.broadcast %max3A_1142 : f32 to vector<16xf32>
    %max3A_1144 = arith.maximumf %add3A_1141, %max3A_1143 : vector<16xf32>
    %swap3A_1145 = arith.constant 64 : index
    %swap3A_1146 = tpu.vector_load %arg21[%swap3A_1145] {strides = array<i32>} : memref<128xf32, #tpu.memory_space<vmem>>, vector<16xf32>,
    tpu.vector_store %arg21[%swap3A_1145], %max3A_1144 {strides = array<i32>} : memref<128xf32, #tpu.memory_space<vmem>>, vector<16xf32>,
    %mul3A_1147 = arith.constant 1.250000e-01 : f32
    %mul3A_1148 = vector.broadcast %mul3A_1147 : f32 to vector<16xf32>
    %mul3A_1149 = arith.mulf %add3A_1119, %mul3A_1148 : vector<16xf32>
    %add3A_1150 = arith.addf %mul3A_1149, %get3A_10 : vector<16xf32>
    %max3A_1151 = arith.constant 0.000000e+00 : f32
    %max3A_1152 = vector.broadcast %max3A_1151 : f32 to vector<16xf32>
    %max3A_1153 = arith.maximumf %add3A_1150, %max3A_1152 : vector<16xf32>
    %swap3A_1154 = arith.constant 64 : index
    %swap3A_1155 = tpu.vector_load %arg22[%swap3A_1154] {strides = array<i32>} : memref<128xf32, #tpu.memory_space<vmem>>, vector<16xf32>,
    tpu.vector_store %arg22[%swap3A_1154], %max3A_1153 {strides = array<i32>} : memref<128xf32, #tpu.memory_space<vmem>>, vector<16xf32>,
    %mul3A_1156 = arith.constant 1.250000e-01 : f32
    %mul3A_1157 = vector.broadcast %mul3A_1156 : f32 to vector<16xf32>
    %mul3A_1158 = arith.mulf %add3A_1132, %mul3A_1157 : vector<16xf32>
    %add3A_1159 = arith.addf %mul3A_1158, %get3A_12 : vector<16xf32>
    %max3A_1160 = arith.constant 0.000000e+00 : f32
    %max3A_1161 = vector.broadcast %max3A_1160 : f32 to vector<16xf32>
    %max3A_1162 = arith.maximumf %add3A_1159, %max3A_1161 : vector<16xf32>
    %swap3A_1163 = arith.constant 64 : index
    %swap3A_1164 = tpu.vector_load %arg23[%swap3A_1163] {strides = array<i32>} : memref<128xf32, #tpu.memory_space<vmem>>, vector<16xf32>,
    tpu.vector_store %arg23[%swap3A_1163], %max3A_1162 {strides = array<i32>} : memref<128xf32, #tpu.memory_space<vmem>>, vector<16xf32>,
    %add3A_1165 = arith.constant 80 : i32
    %add3A_1166 = vector.broadcast %add3A_1165 : i32 to vector<16xi32>
    %add3A_1167 = arith.addi %iota3A, %add3A_1166 : vector<16xi32>
    %get3A_1168 = arith.constant 80 : index
    %get3A_1169 = tpu.vector_load %arg18[%get3A_1168] {strides = array<i32>} : memref<128xf32, #tpu.memory_space<vmem>>, vector<16xf32>,
    %get3A_1170 = arith.constant 80 : index
    %get3A_1171 = tpu.vector_load %arg14[%get3A_1170] {strides = array<i32>} : memref<128xi32, #tpu.memory_space<vmem>>, vector<16xi32>,
    %get3A_1172 = arith.constant 80 : index
    %get3A_1173 = tpu.vector_load %arg15[%get3A_1172] {strides = array<i32>} : memref<128xi32, #tpu.memory_space<vmem>>, vector<16xi32>,
    %add3A_1174 = arith.constant 0 : i32
    %add3A_1175 = vector.broadcast %add3A_1174 : i32 to vector<16xi32>
    %add3A_1176 = arith.addi %get3A_1171, %add3A_1175 : vector<16xi32>
    %gather3A_1177 = tpu.vector_load_idx %arg19[%add3A_1176] : memref<28128xf32, #tpu.memory_space<vmem>>[vector<16xi32>], vector<16xf32>,
    %add3A_1178 = arith.constant 10001 : i32
    %add3A_1179 = vector.broadcast %add3A_1178 : i32 to vector<16xi32>
    %add3A_1180 = arith.addi %get3A_1173, %add3A_1179 : vector<16xi32>
    %gather3A_1181 = tpu.vector_load_idx %arg19[%add3A_1180] : memref<28128xf32, #tpu.memory_space<vmem>>[vector<16xi32>], vector<16xf32>,
    %rem3A_1182 = arith.constant 7 : i32
    %rem3A_1183 = vector.broadcast %rem3A_1182 : i32 to vector<16xi32>
    %rem3A_1184 = arith.remsi %get3A_1173, %rem3A_1183 : vector<16xi32>
    %mul3A_1185 = arith.constant 8 : i32
    %mul3A_1186 = vector.broadcast %mul3A_1185 : i32 to vector<16xi32>
    %mul3A_1187 = arith.muli %add3A_1167, %mul3A_1186 : vector<16xi32>
    %add3A_1188 = arith.constant 0 : i32
    %add3A_1189 = vector.broadcast %add3A_1188 : i32 to vector<16xi32>
    %add3A_1190 = arith.addi %mul3A_1187, %add3A_1189 : vector<16xi32>
    %gather3A_1191 = tpu.vector_load_idx %arg16[%add3A_1190] : memref<1024xi32, #tpu.memory_space<vmem>>[vector<16xi32>], vector<16xi32>,
    %add3A_1192 = arith.constant 20002 : i32
    %add3A_1193 = vector.broadcast %add3A_1192 : i32 to vector<16xi32>
    %add3A_1194 = arith.addi %gather3A_1191, %add3A_1193 : vector<16xi32>
    %gather3A_1195 = tpu.vector_load_idx %arg19[%add3A_1194] : memref<28128xf32, #tpu.memory_space<vmem>>[vector<16xi32>], vector<16xf32>,
    %add3A_1196 = arith.addf %broadcast_in_dim3A_7, %gather3A_1195 : vector<16xf32>
    %mul3A_1197 = arith.constant 7 : i32
    %mul3A_1198 = vector.broadcast %mul3A_1197 : i32 to vector<16xi32>
    %mul3A_1199 = arith.muli %gather3A_1191, %mul3A_1198 : vector<16xi32>
    %add3A_1200 = arith.addi %mul3A_1199, %rem3A_1184 : vector<16xi32>
    %min3A_1201 = arith.constant 1 : i32
    %min3A_1202 = vector.broadcast %min3A_1201 : i32 to vector<16xi32>
    %min3A_1203 = arith.minsi %gather3A_1191, %min3A_1202 : vector<16xi32>
    %mul3A_1204 = arith.muli %add3A_1200, %min3A_1203 : vector<16xi32>
    %add3A_1205 = arith.constant 21002 : i32
    %add3A_1206 = vector.broadcast %add3A_1205 : i32 to vector<16xi32>
    %add3A_1207 = arith.addi %mul3A_1204, %add3A_1206 : vector<16xi32>
    %gather3A_1208 = tpu.vector_load_idx %arg19[%add3A_1207] : memref<28128xf32, #tpu.memory_space<vmem>>[vector<16xi32>], vector<16xf32>,
    %add3A_1209 = arith.addf %broadcast_in_dim3A_7, %gather3A_1208 : vector<16xf32>
    %add3A_1210 = arith.constant 1 : i32
    %add3A_1211 = vector.broadcast %add3A_1210 : i32 to vector<16xi32>
    %add3A_1212 = arith.addi %mul3A_1187, %add3A_1211 : vector<16xi32>
    %gather3A_1213 = tpu.vector_load_idx %arg16[%add3A_1212] : memref<1024xi32, #tpu.memory_space<vmem>>[vector<16xi32>], vector<16xi32>,
    %add3A_1214 = arith.constant 20002 : i32
    %add3A_1215 = vector.broadcast %add3A_1214 : i32 to vector<16xi32>
    %add3A_1216 = arith.addi %gather3A_1213, %add3A_1215 : vector<16xi32>
    %gather3A_1217 = tpu.vector_load_idx %arg19[%add3A_1216] : memref<28128xf32, #tpu.memory_space<vmem>>[vector<16xi32>], vector<16xf32>,
    %add3A_1218 = arith.addf %add3A_1196, %gather3A_1217 : vector<16xf32>
    %mul3A_1219 = arith.constant 7 : i32
    %mul3A_1220 = vector.broadcast %mul3A_1219 : i32 to vector<16xi32>
    %mul3A_1221 = arith.muli %gather3A_1213, %mul3A_1220 : vector<16xi32>
    %add3A_1222 = arith.addi %mul3A_1221, %rem3A_1184 : vector<16xi32>
    %min3A_1223 = arith.constant 1 : i32
    %min3A_1224 = vector.broadcast %min3A_1223 : i32 to vector<16xi32>
    %min3A_1225 = arith.minsi %gather3A_1213, %min3A_1224 : vector<16xi32>
    %mul3A_1226 = arith.muli %add3A_1222, %min3A_1225 : vector<16xi32>
    %add3A_1227 = arith.constant 21002 : i32
    %add3A_1228 = vector.broadcast %add3A_1227 : i32 to vector<16xi32>
    %add3A_1229 = arith.addi %mul3A_1226, %add3A_1228 : vector<16xi32>
    %gather3A_1230 = tpu.vector_load_idx %arg19[%add3A_1229] : memref<28128xf32, #tpu.memory_space<vmem>>[vector<16xi32>], vector<16xf32>,
    %add3A_1231 = arith.addf %add3A_1209, %gather3A_1230 : vector<16xf32>
    %add3A_1232 = arith.constant 2 : i32
    %add3A_1233 = vector.broadcast %add3A_1232 : i32 to vector<16xi32>
    %add3A_1234 = arith.addi %mul3A_1187, %add3A_1233 : vector<16xi32>
    %gather3A_1235 = tpu.vector_load_idx %arg16[%add3A_1234] : memref<1024xi32, #tpu.memory_space<vmem>>[vector<16xi32>], vector<16xi32>,
    %add3A_1236 = arith.constant 20002 : i32
    %add3A_1237 = vector.broadcast %add3A_1236 : i32 to vector<16xi32>
    %add3A_1238 = arith.addi %gather3A_1235, %add3A_1237 : vector<16xi32>
    %gather3A_1239 = tpu.vector_load_idx %arg19[%add3A_1238] : memref<28128xf32, #tpu.memory_space<vmem>>[vector<16xi32>], vector<16xf32>,
    %add3A_1240 = arith.addf %add3A_1218, %gather3A_1239 : vector<16xf32>
    %mul3A_1241 = arith.constant 7 : i32
    %mul3A_1242 = vector.broadcast %mul3A_1241 : i32 to vector<16xi32>
    %mul3A_1243 = arith.muli %gather3A_1235, %mul3A_1242 : vector<16xi32>
    %add3A_1244 = arith.addi %mul3A_1243, %rem3A_1184 : vector<16xi32>
    %min3A_1245 = arith.constant 1 : i32
    %min3A_1246 = vector.broadcast %min3A_1245 : i32 to vector<16xi32>
    %min3A_1247 = arith.minsi %gather3A_1235, %min3A_1246 : vector<16xi32>
    %mul3A_1248 = arith.muli %add3A_1244, %min3A_1247 : vector<16xi32>
    %add3A_1249 = arith.constant 21002 : i32
    %add3A_1250 = vector.broadcast %add3A_1249 : i32 to vector<16xi32>
    %add3A_1251 = arith.addi %mul3A_1248, %add3A_1250 : vector<16xi32>
    %gather3A_1252 = tpu.vector_load_idx %arg19[%add3A_1251] : memref<28128xf32, #tpu.memory_space<vmem>>[vector<16xi32>], vector<16xf32>,
    %add3A_1253 = arith.addf %add3A_1231, %gather3A_1252 : vector<16xf32>
    %add3A_1254 = arith.constant 3 : i32
    %add3A_1255 = vector.broadcast %add3A_1254 : i32 to vector<16xi32>
    %add3A_1256 = arith.addi %mul3A_1187, %add3A_1255 : vector<16xi32>
    %gather3A_1257 = tpu.vector_load_idx %arg16[%add3A_1256] : memref<1024xi32, #tpu.memory_space<vmem>>[vector<16xi32>], vector<16xi32>,
    %add3A_1258 = arith.constant 20002 : i32
    %add3A_1259 = vector.broadcast %add3A_1258 : i32 to vector<16xi32>
    %add3A_1260 = arith.addi %gather3A_1257, %add3A_1259 : vector<16xi32>
    %gather3A_1261 = tpu.vector_load_idx %arg19[%add3A_1260] : memref<28128xf32, #tpu.memory_space<vmem>>[vector<16xi32>], vector<16xf32>,
    %add3A_1262 = arith.addf %add3A_1240, %gather3A_1261 : vector<16xf32>
    %mul3A_1263 = arith.constant 7 : i32
    %mul3A_1264 = vector.broadcast %mul3A_1263 : i32 to vector<16xi32>
    %mul3A_1265 = arith.muli %gather3A_1257, %mul3A_1264 : vector<16xi32>
    %add3A_1266 = arith.addi %mul3A_1265, %rem3A_1184 : vector<16xi32>
    %min3A_1267 = arith.constant 1 : i32
    %min3A_1268 = vector.broadcast %min3A_1267 : i32 to vector<16xi32>
    %min3A_1269 = arith.minsi %gather3A_1257, %min3A_1268 : vector<16xi32>
    %mul3A_1270 = arith.muli %add3A_1266, %min3A_1269 : vector<16xi32>
    %add3A_1271 = arith.constant 21002 : i32
    %add3A_1272 = vector.broadcast %add3A_1271 : i32 to vector<16xi32>
    %add3A_1273 = arith.addi %mul3A_1270, %add3A_1272 : vector<16xi32>
    %gather3A_1274 = tpu.vector_load_idx %arg19[%add3A_1273] : memref<28128xf32, #tpu.memory_space<vmem>>[vector<16xi32>], vector<16xf32>,
    %add3A_1275 = arith.addf %add3A_1253, %gather3A_1274 : vector<16xf32>
    %add3A_1276 = arith.constant 4 : i32
    %add3A_1277 = vector.broadcast %add3A_1276 : i32 to vector<16xi32>
    %add3A_1278 = arith.addi %mul3A_1187, %add3A_1277 : vector<16xi32>
    %gather3A_1279 = tpu.vector_load_idx %arg16[%add3A_1278] : memref<1024xi32, #tpu.memory_space<vmem>>[vector<16xi32>], vector<16xi32>,
    %add3A_1280 = arith.constant 20002 : i32
    %add3A_1281 = vector.broadcast %add3A_1280 : i32 to vector<16xi32>
    %add3A_1282 = arith.addi %gather3A_1279, %add3A_1281 : vector<16xi32>
    %gather3A_1283 = tpu.vector_load_idx %arg19[%add3A_1282] : memref<28128xf32, #tpu.memory_space<vmem>>[vector<16xi32>], vector<16xf32>,
    %add3A_1284 = arith.addf %add3A_1262, %gather3A_1283 : vector<16xf32>
    %mul3A_1285 = arith.constant 7 : i32
    %mul3A_1286 = vector.broadcast %mul3A_1285 : i32 to vector<16xi32>
    %mul3A_1287 = arith.muli %gather3A_1279, %mul3A_1286 : vector<16xi32>
    %add3A_1288 = arith.addi %mul3A_1287, %rem3A_1184 : vector<16xi32>
    %min3A_1289 = arith.constant 1 : i32
    %min3A_1290 = vector.broadcast %min3A_1289 : i32 to vector<16xi32>
    %min3A_1291 = arith.minsi %gather3A_1279, %min3A_1290 : vector<16xi32>
    %mul3A_1292 = arith.muli %add3A_1288, %min3A_1291 : vector<16xi32>
    %add3A_1293 = arith.constant 21002 : i32
    %add3A_1294 = vector.broadcast %add3A_1293 : i32 to vector<16xi32>
    %add3A_1295 = arith.addi %mul3A_1292, %add3A_1294 : vector<16xi32>
    %gather3A_1296 = tpu.vector_load_idx %arg19[%add3A_1295] : memref<28128xf32, #tpu.memory_space<vmem>>[vector<16xi32>], vector<16xf32>,
    %add3A_1297 = arith.addf %add3A_1275, %gather3A_1296 : vector<16xf32>
    %add3A_1298 = arith.constant 5 : i32
    %add3A_1299 = vector.broadcast %add3A_1298 : i32 to vector<16xi32>
    %add3A_1300 = arith.addi %mul3A_1187, %add3A_1299 : vector<16xi32>
    %gather3A_1301 = tpu.vector_load_idx %arg16[%add3A_1300] : memref<1024xi32, #tpu.memory_space<vmem>>[vector<16xi32>], vector<16xi32>,
    %add3A_1302 = arith.constant 20002 : i32
    %add3A_1303 = vector.broadcast %add3A_1302 : i32 to vector<16xi32>
    %add3A_1304 = arith.addi %gather3A_1301, %add3A_1303 : vector<16xi32>
    %gather3A_1305 = tpu.vector_load_idx %arg19[%add3A_1304] : memref<28128xf32, #tpu.memory_space<vmem>>[vector<16xi32>], vector<16xf32>,
    %add3A_1306 = arith.addf %add3A_1284, %gather3A_1305 : vector<16xf32>
    %mul3A_1307 = arith.constant 7 : i32
    %mul3A_1308 = vector.broadcast %mul3A_1307 : i32 to vector<16xi32>
    %mul3A_1309 = arith.muli %gather3A_1301, %mul3A_1308 : vector<16xi32>
    %add3A_1310 = arith.addi %mul3A_1309, %rem3A_1184 : vector<16xi32>
    %min3A_1311 = arith.constant 1 : i32
    %min3A_1312 = vector.broadcast %min3A_1311 : i32 to vector<16xi32>
    %min3A_1313 = arith.minsi %gather3A_1301, %min3A_1312 : vector<16xi32>
    %mul3A_1314 = arith.muli %add3A_1310, %min3A_1313 : vector<16xi32>
    %add3A_1315 = arith.constant 21002 : i32
    %add3A_1316 = vector.broadcast %add3A_1315 : i32 to vector<16xi32>
    %add3A_1317 = arith.addi %mul3A_1314, %add3A_1316 : vector<16xi32>
    %gather3A_1318 = tpu.vector_load_idx %arg19[%add3A_1317] : memref<28128xf32, #tpu.memory_space<vmem>>[vector<16xi32>], vector<16xf32>,
    %add3A_1319 = arith.addf %add3A_1297, %gather3A_1318 : vector<16xf32>
    %add3A_1320 = arith.constant 6 : i32
    %add3A_1321 = vector.broadcast %add3A_1320 : i32 to vector<16xi32>
    %add3A_1322 = arith.addi %mul3A_1187, %add3A_1321 : vector<16xi32>
    %gather3A_1323 = tpu.vector_load_idx %arg16[%add3A_1322] : memref<1024xi32, #tpu.memory_space<vmem>>[vector<16xi32>], vector<16xi32>,
    %add3A_1324 = arith.constant 20002 : i32
    %add3A_1325 = vector.broadcast %add3A_1324 : i32 to vector<16xi32>
    %add3A_1326 = arith.addi %gather3A_1323, %add3A_1325 : vector<16xi32>
    %gather3A_1327 = tpu.vector_load_idx %arg19[%add3A_1326] : memref<28128xf32, #tpu.memory_space<vmem>>[vector<16xi32>], vector<16xf32>,
    %add3A_1328 = arith.addf %add3A_1306, %gather3A_1327 : vector<16xf32>
    %mul3A_1329 = arith.constant 7 : i32
    %mul3A_1330 = vector.broadcast %mul3A_1329 : i32 to vector<16xi32>
    %mul3A_1331 = arith.muli %gather3A_1323, %mul3A_1330 : vector<16xi32>
    %add3A_1332 = arith.addi %mul3A_1331, %rem3A_1184 : vector<16xi32>
    %min3A_1333 = arith.constant 1 : i32
    %min3A_1334 = vector.broadcast %min3A_1333 : i32 to vector<16xi32>
    %min3A_1335 = arith.minsi %gather3A_1323, %min3A_1334 : vector<16xi32>
    %mul3A_1336 = arith.muli %add3A_1332, %min3A_1335 : vector<16xi32>
    %add3A_1337 = arith.constant 21002 : i32
    %add3A_1338 = vector.broadcast %add3A_1337 : i32 to vector<16xi32>
    %add3A_1339 = arith.addi %mul3A_1336, %add3A_1338 : vector<16xi32>
    %gather3A_1340 = tpu.vector_load_idx %arg19[%add3A_1339] : memref<28128xf32, #tpu.memory_space<vmem>>[vector<16xi32>], vector<16xf32>,
    %add3A_1341 = arith.addf %add3A_1319, %gather3A_1340 : vector<16xf32>
    %add3A_1342 = arith.constant 7 : i32
    %add3A_1343 = vector.broadcast %add3A_1342 : i32 to vector<16xi32>
    %add3A_1344 = arith.addi %mul3A_1187, %add3A_1343 : vector<16xi32>
    %gather3A_1345 = tpu.vector_load_idx %arg16[%add3A_1344] : memref<1024xi32, #tpu.memory_space<vmem>>[vector<16xi32>], vector<16xi32>,
    %add3A_1346 = arith.constant 20002 : i32
    %add3A_1347 = vector.broadcast %add3A_1346 : i32 to vector<16xi32>
    %add3A_1348 = arith.addi %gather3A_1345, %add3A_1347 : vector<16xi32>
    %gather3A_1349 = tpu.vector_load_idx %arg19[%add3A_1348] : memref<28128xf32, #tpu.memory_space<vmem>>[vector<16xi32>], vector<16xf32>,
    %add3A_1350 = arith.addf %add3A_1328, %gather3A_1349 : vector<16xf32>
    %mul3A_1351 = arith.constant 7 : i32
    %mul3A_1352 = vector.broadcast %mul3A_1351 : i32 to vector<16xi32>
    %mul3A_1353 = arith.muli %gather3A_1345, %mul3A_1352 : vector<16xi32>
    %add3A_1354 = arith.addi %mul3A_1353, %rem3A_1184 : vector<16xi32>
    %min3A_1355 = arith.constant 1 : i32
    %min3A_1356 = vector.broadcast %min3A_1355 : i32 to vector<16xi32>
    %min3A_1357 = arith.minsi %gather3A_1345, %min3A_1356 : vector<16xi32>
    %mul3A_1358 = arith.muli %add3A_1354, %min3A_1357 : vector<16xi32>
    %add3A_1359 = arith.constant 21002 : i32
    %add3A_1360 = vector.broadcast %add3A_1359 : i32 to vector<16xi32>
    %add3A_1361 = arith.addi %mul3A_1358, %add3A_1360 : vector<16xi32>
    %gather3A_1362 = tpu.vector_load_idx %arg19[%add3A_1361] : memref<28128xf32, #tpu.memory_space<vmem>>[vector<16xi32>], vector<16xf32>,
    %add3A_1363 = arith.addf %add3A_1341, %gather3A_1362 : vector<16xf32>
    %mul3A_1364 = arith.constant 50 : i32
    %mul3A_1365 = vector.broadcast %mul3A_1364 : i32 to vector<16xi32>
    %mul3A_1366 = arith.muli %add3A_1167, %mul3A_1365 : vector<16xi32>
    %gather3A_1367 = tpu.vector_load_idx %arg17[%mul3A_1366] : memref<6400xf32, #tpu.memory_space<vmem>>[vector<16xi32>], vector<16xf32>,
    %swap3A_1368 = arith.constant 80 : index
    %swap3A_1369 = tpu.vector_load %arg20[%swap3A_1368] {strides = array<i32>} : memref<128xf32, #tpu.memory_space<vmem>>, vector<16xf32>,
    tpu.vector_store %arg20[%swap3A_1368], %gather3A_1367 {strides = array<i32>} : memref<128xf32, #tpu.memory_space<vmem>>, vector<16xf32>,
    %add3A_1370 = arith.addf %gather3A_1177, %gather3A_1181 : vector<16xf32>
    %add3A_1371 = arith.addf %add3A_1370, %get3A_1169 : vector<16xf32>
    %add3A_1372 = arith.addf %add3A_1371, %get3A_8 : vector<16xf32>
    %max3A_1373 = arith.constant 0.000000e+00 : f32
    %max3A_1374 = vector.broadcast %max3A_1373 : f32 to vector<16xf32>
    %max3A_1375 = arith.maximumf %add3A_1372, %max3A_1374 : vector<16xf32>
    %swap3A_1376 = arith.constant 80 : index
    %swap3A_1377 = tpu.vector_load %arg21[%swap3A_1376] {strides = array<i32>} : memref<128xf32, #tpu.memory_space<vmem>>, vector<16xf32>,
    tpu.vector_store %arg21[%swap3A_1376], %max3A_1375 {strides = array<i32>} : memref<128xf32, #tpu.memory_space<vmem>>, vector<16xf32>,
    %mul3A_1378 = arith.constant 1.250000e-01 : f32
    %mul3A_1379 = vector.broadcast %mul3A_1378 : f32 to vector<16xf32>
    %mul3A_1380 = arith.mulf %add3A_1350, %mul3A_1379 : vector<16xf32>
    %add3A_1381 = arith.addf %mul3A_1380, %get3A_10 : vector<16xf32>
    %max3A_1382 = arith.constant 0.000000e+00 : f32
    %max3A_1383 = vector.broadcast %max3A_1382 : f32 to vector<16xf32>
    %max3A_1384 = arith.maximumf %add3A_1381, %max3A_1383 : vector<16xf32>
    %swap3A_1385 = arith.constant 80 : index
    %swap3A_1386 = tpu.vector_load %arg22[%swap3A_1385] {strides = array<i32>} : memref<128xf32, #tpu.memory_space<vmem>>, vector<16xf32>,
    tpu.vector_store %arg22[%swap3A_1385], %max3A_1384 {strides = array<i32>} : memref<128xf32, #tpu.memory_space<vmem>>, vector<16xf32>,
    %mul3A_1387 = arith.constant 1.250000e-01 : f32
    %mul3A_1388 = vector.broadcast %mul3A_1387 : f32 to vector<16xf32>
    %mul3A_1389 = arith.mulf %add3A_1363, %mul3A_1388 : vector<16xf32>
    %add3A_1390 = arith.addf %mul3A_1389, %get3A_12 : vector<16xf32>
    %max3A_1391 = arith.constant 0.000000e+00 : f32
    %max3A_1392 = vector.broadcast %max3A_1391 : f32 to vector<16xf32>
    %max3A_1393 = arith.maximumf %add3A_1390, %max3A_1392 : vector<16xf32>
    %swap3A_1394 = arith.constant 80 : index
    %swap3A_1395 = tpu.vector_load %arg23[%swap3A_1394] {strides = array<i32>} : memref<128xf32, #tpu.memory_space<vmem>>, vector<16xf32>,
    tpu.vector_store %arg23[%swap3A_1394], %max3A_1393 {strides = array<i32>} : memref<128xf32, #tpu.memory_space<vmem>>, vector<16xf32>,
    %add3A_1396 = arith.constant 96 : i32
    %add3A_1397 = vector.broadcast %add3A_1396 : i32 to vector<16xi32>
    %add3A_1398 = arith.addi %iota3A, %add3A_1397 : vector<16xi32>
    %get3A_1399 = arith.constant 96 : index
    %get3A_1400 = tpu.vector_load %arg18[%get3A_1399] {strides = array<i32>} : memref<128xf32, #tpu.memory_space<vmem>>, vector<16xf32>,
    %get3A_1401 = arith.constant 96 : index
    %get3A_1402 = tpu.vector_load %arg14[%get3A_1401] {strides = array<i32>} : memref<128xi32, #tpu.memory_space<vmem>>, vector<16xi32>,
    %get3A_1403 = arith.constant 96 : index
    %get3A_1404 = tpu.vector_load %arg15[%get3A_1403] {strides = array<i32>} : memref<128xi32, #tpu.memory_space<vmem>>, vector<16xi32>,
    %add3A_1405 = arith.constant 0 : i32
    %add3A_1406 = vector.broadcast %add3A_1405 : i32 to vector<16xi32>
    %add3A_1407 = arith.addi %get3A_1402, %add3A_1406 : vector<16xi32>
    %gather3A_1408 = tpu.vector_load_idx %arg19[%add3A_1407] : memref<28128xf32, #tpu.memory_space<vmem>>[vector<16xi32>], vector<16xf32>,
    %add3A_1409 = arith.constant 10001 : i32
    %add3A_1410 = vector.broadcast %add3A_1409 : i32 to vector<16xi32>
    %add3A_1411 = arith.addi %get3A_1404, %add3A_1410 : vector<16xi32>
    %gather3A_1412 = tpu.vector_load_idx %arg19[%add3A_1411] : memref<28128xf32, #tpu.memory_space<vmem>>[vector<16xi32>], vector<16xf32>,
    %rem3A_1413 = arith.constant 7 : i32
    %rem3A_1414 = vector.broadcast %rem3A_1413 : i32 to vector<16xi32>
    %rem3A_1415 = arith.remsi %get3A_1404, %rem3A_1414 : vector<16xi32>
    %mul3A_1416 = arith.constant 8 : i32
    %mul3A_1417 = vector.broadcast %mul3A_1416 : i32 to vector<16xi32>
    %mul3A_1418 = arith.muli %add3A_1398, %mul3A_1417 : vector<16xi32>
    %add3A_1419 = arith.constant 0 : i32
    %add3A_1420 = vector.broadcast %add3A_1419 : i32 to vector<16xi32>
    %add3A_1421 = arith.addi %mul3A_1418, %add3A_1420 : vector<16xi32>
    %gather3A_1422 = tpu.vector_load_idx %arg16[%add3A_1421] : memref<1024xi32, #tpu.memory_space<vmem>>[vector<16xi32>], vector<16xi32>,
    %add3A_1423 = arith.constant 20002 : i32
    %add3A_1424 = vector.broadcast %add3A_1423 : i32 to vector<16xi32>
    %add3A_1425 = arith.addi %gather3A_1422, %add3A_1424 : vector<16xi32>
    %gather3A_1426 = tpu.vector_load_idx %arg19[%add3A_1425] : memref<28128xf32, #tpu.memory_space<vmem>>[vector<16xi32>], vector<16xf32>,
    %add3A_1427 = arith.addf %broadcast_in_dim3A_7, %gather3A_1426 : vector<16xf32>
    %mul3A_1428 = arith.constant 7 : i32
    %mul3A_1429 = vector.broadcast %mul3A_1428 : i32 to vector<16xi32>
    %mul3A_1430 = arith.muli %gather3A_1422, %mul3A_1429 : vector<16xi32>
    %add3A_1431 = arith.addi %mul3A_1430, %rem3A_1415 : vector<16xi32>
    %min3A_1432 = arith.constant 1 : i32
    %min3A_1433 = vector.broadcast %min3A_1432 : i32 to vector<16xi32>
    %min3A_1434 = arith.minsi %gather3A_1422, %min3A_1433 : vector<16xi32>
    %mul3A_1435 = arith.muli %add3A_1431, %min3A_1434 : vector<16xi32>
    %add3A_1436 = arith.constant 21002 : i32
    %add3A_1437 = vector.broadcast %add3A_1436 : i32 to vector<16xi32>
    %add3A_1438 = arith.addi %mul3A_1435, %add3A_1437 : vector<16xi32>
    %gather3A_1439 = tpu.vector_load_idx %arg19[%add3A_1438] : memref<28128xf32, #tpu.memory_space<vmem>>[vector<16xi32>], vector<16xf32>,
    %add3A_1440 = arith.addf %broadcast_in_dim3A_7, %gather3A_1439 : vector<16xf32>
    %add3A_1441 = arith.constant 1 : i32
    %add3A_1442 = vector.broadcast %add3A_1441 : i32 to vector<16xi32>
    %add3A_1443 = arith.addi %mul3A_1418, %add3A_1442 : vector<16xi32>
    %gather3A_1444 = tpu.vector_load_idx %arg16[%add3A_1443] : memref<1024xi32, #tpu.memory_space<vmem>>[vector<16xi32>], vector<16xi32>,
    %add3A_1445 = arith.constant 20002 : i32
    %add3A_1446 = vector.broadcast %add3A_1445 : i32 to vector<16xi32>
    %add3A_1447 = arith.addi %gather3A_1444, %add3A_1446 : vector<16xi32>
    %gather3A_1448 = tpu.vector_load_idx %arg19[%add3A_1447] : memref<28128xf32, #tpu.memory_space<vmem>>[vector<16xi32>], vector<16xf32>,
    %add3A_1449 = arith.addf %add3A_1427, %gather3A_1448 : vector<16xf32>
    %mul3A_1450 = arith.constant 7 : i32
    %mul3A_1451 = vector.broadcast %mul3A_1450 : i32 to vector<16xi32>
    %mul3A_1452 = arith.muli %gather3A_1444, %mul3A_1451 : vector<16xi32>
    %add3A_1453 = arith.addi %mul3A_1452, %rem3A_1415 : vector<16xi32>
    %min3A_1454 = arith.constant 1 : i32
    %min3A_1455 = vector.broadcast %min3A_1454 : i32 to vector<16xi32>
    %min3A_1456 = arith.minsi %gather3A_1444, %min3A_1455 : vector<16xi32>
    %mul3A_1457 = arith.muli %add3A_1453, %min3A_1456 : vector<16xi32>
    %add3A_1458 = arith.constant 21002 : i32
    %add3A_1459 = vector.broadcast %add3A_1458 : i32 to vector<16xi32>
    %add3A_1460 = arith.addi %mul3A_1457, %add3A_1459 : vector<16xi32>
    %gather3A_1461 = tpu.vector_load_idx %arg19[%add3A_1460] : memref<28128xf32, #tpu.memory_space<vmem>>[vector<16xi32>], vector<16xf32>,
    %add3A_1462 = arith.addf %add3A_1440, %gather3A_1461 : vector<16xf32>
    %add3A_1463 = arith.constant 2 : i32
    %add3A_1464 = vector.broadcast %add3A_1463 : i32 to vector<16xi32>
    %add3A_1465 = arith.addi %mul3A_1418, %add3A_1464 : vector<16xi32>
    %gather3A_1466 = tpu.vector_load_idx %arg16[%add3A_1465] : memref<1024xi32, #tpu.memory_space<vmem>>[vector<16xi32>], vector<16xi32>,
    %add3A_1467 = arith.constant 20002 : i32
    %add3A_1468 = vector.broadcast %add3A_1467 : i32 to vector<16xi32>
    %add3A_1469 = arith.addi %gather3A_1466, %add3A_1468 : vector<16xi32>
    %gather3A_1470 = tpu.vector_load_idx %arg19[%add3A_1469] : memref<28128xf32, #tpu.memory_space<vmem>>[vector<16xi32>], vector<16xf32>,
    %add3A_1471 = arith.addf %add3A_1449, %gather3A_1470 : vector<16xf32>
    %mul3A_1472 = arith.constant 7 : i32
    %mul3A_1473 = vector.broadcast %mul3A_1472 : i32 to vector<16xi32>
    %mul3A_1474 = arith.muli %gather3A_1466, %mul3A_1473 : vector<16xi32>
    %add3A_1475 = arith.addi %mul3A_1474, %rem3A_1415 : vector<16xi32>
    %min3A_1476 = arith.constant 1 : i32
    %min3A_1477 = vector.broadcast %min3A_1476 : i32 to vector<16xi32>
    %min3A_1478 = arith.minsi %gather3A_1466, %min3A_1477 : vector<16xi32>
    %mul3A_1479 = arith.muli %add3A_1475, %min3A_1478 : vector<16xi32>
    %add3A_1480 = arith.constant 21002 : i32
    %add3A_1481 = vector.broadcast %add3A_1480 : i32 to vector<16xi32>
    %add3A_1482 = arith.addi %mul3A_1479, %add3A_1481 : vector<16xi32>
    %gather3A_1483 = tpu.vector_load_idx %arg19[%add3A_1482] : memref<28128xf32, #tpu.memory_space<vmem>>[vector<16xi32>], vector<16xf32>,
    %add3A_1484 = arith.addf %add3A_1462, %gather3A_1483 : vector<16xf32>
    %add3A_1485 = arith.constant 3 : i32
    %add3A_1486 = vector.broadcast %add3A_1485 : i32 to vector<16xi32>
    %add3A_1487 = arith.addi %mul3A_1418, %add3A_1486 : vector<16xi32>
    %gather3A_1488 = tpu.vector_load_idx %arg16[%add3A_1487] : memref<1024xi32, #tpu.memory_space<vmem>>[vector<16xi32>], vector<16xi32>,
    %add3A_1489 = arith.constant 20002 : i32
    %add3A_1490 = vector.broadcast %add3A_1489 : i32 to vector<16xi32>
    %add3A_1491 = arith.addi %gather3A_1488, %add3A_1490 : vector<16xi32>
    %gather3A_1492 = tpu.vector_load_idx %arg19[%add3A_1491] : memref<28128xf32, #tpu.memory_space<vmem>>[vector<16xi32>], vector<16xf32>,
    %add3A_1493 = arith.addf %add3A_1471, %gather3A_1492 : vector<16xf32>
    %mul3A_1494 = arith.constant 7 : i32
    %mul3A_1495 = vector.broadcast %mul3A_1494 : i32 to vector<16xi32>
    %mul3A_1496 = arith.muli %gather3A_1488, %mul3A_1495 : vector<16xi32>
    %add3A_1497 = arith.addi %mul3A_1496, %rem3A_1415 : vector<16xi32>
    %min3A_1498 = arith.constant 1 : i32
    %min3A_1499 = vector.broadcast %min3A_1498 : i32 to vector<16xi32>
    %min3A_1500 = arith.minsi %gather3A_1488, %min3A_1499 : vector<16xi32>
    %mul3A_1501 = arith.muli %add3A_1497, %min3A_1500 : vector<16xi32>
    %add3A_1502 = arith.constant 21002 : i32
    %add3A_1503 = vector.broadcast %add3A_1502 : i32 to vector<16xi32>
    %add3A_1504 = arith.addi %mul3A_1501, %add3A_1503 : vector<16xi32>
    %gather3A_1505 = tpu.vector_load_idx %arg19[%add3A_1504] : memref<28128xf32, #tpu.memory_space<vmem>>[vector<16xi32>], vector<16xf32>,
    %add3A_1506 = arith.addf %add3A_1484, %gather3A_1505 : vector<16xf32>
    %add3A_1507 = arith.constant 4 : i32
    %add3A_1508 = vector.broadcast %add3A_1507 : i32 to vector<16xi32>
    %add3A_1509 = arith.addi %mul3A_1418, %add3A_1508 : vector<16xi32>
    %gather3A_1510 = tpu.vector_load_idx %arg16[%add3A_1509] : memref<1024xi32, #tpu.memory_space<vmem>>[vector<16xi32>], vector<16xi32>,
    %add3A_1511 = arith.constant 20002 : i32
    %add3A_1512 = vector.broadcast %add3A_1511 : i32 to vector<16xi32>
    %add3A_1513 = arith.addi %gather3A_1510, %add3A_1512 : vector<16xi32>
    %gather3A_1514 = tpu.vector_load_idx %arg19[%add3A_1513] : memref<28128xf32, #tpu.memory_space<vmem>>[vector<16xi32>], vector<16xf32>,
    %add3A_1515 = arith.addf %add3A_1493, %gather3A_1514 : vector<16xf32>
    %mul3A_1516 = arith.constant 7 : i32
    %mul3A_1517 = vector.broadcast %mul3A_1516 : i32 to vector<16xi32>
    %mul3A_1518 = arith.muli %gather3A_1510, %mul3A_1517 : vector<16xi32>
    %add3A_1519 = arith.addi %mul3A_1518, %rem3A_1415 : vector<16xi32>
    %min3A_1520 = arith.constant 1 : i32
    %min3A_1521 = vector.broadcast %min3A_1520 : i32 to vector<16xi32>
    %min3A_1522 = arith.minsi %gather3A_1510, %min3A_1521 : vector<16xi32>
    %mul3A_1523 = arith.muli %add3A_1519, %min3A_1522 : vector<16xi32>
    %add3A_1524 = arith.constant 21002 : i32
    %add3A_1525 = vector.broadcast %add3A_1524 : i32 to vector<16xi32>
    %add3A_1526 = arith.addi %mul3A_1523, %add3A_1525 : vector<16xi32>
    %gather3A_1527 = tpu.vector_load_idx %arg19[%add3A_1526] : memref<28128xf32, #tpu.memory_space<vmem>>[vector<16xi32>], vector<16xf32>,
    %add3A_1528 = arith.addf %add3A_1506, %gather3A_1527 : vector<16xf32>
    %add3A_1529 = arith.constant 5 : i32
    %add3A_1530 = vector.broadcast %add3A_1529 : i32 to vector<16xi32>
    %add3A_1531 = arith.addi %mul3A_1418, %add3A_1530 : vector<16xi32>
    %gather3A_1532 = tpu.vector_load_idx %arg16[%add3A_1531] : memref<1024xi32, #tpu.memory_space<vmem>>[vector<16xi32>], vector<16xi32>,
    %add3A_1533 = arith.constant 20002 : i32
    %add3A_1534 = vector.broadcast %add3A_1533 : i32 to vector<16xi32>
    %add3A_1535 = arith.addi %gather3A_1532, %add3A_1534 : vector<16xi32>
    %gather3A_1536 = tpu.vector_load_idx %arg19[%add3A_1535] : memref<28128xf32, #tpu.memory_space<vmem>>[vector<16xi32>], vector<16xf32>,
    %add3A_1537 = arith.addf %add3A_1515, %gather3A_1536 : vector<16xf32>
    %mul3A_1538 = arith.constant 7 : i32
    %mul3A_1539 = vector.broadcast %mul3A_1538 : i32 to vector<16xi32>
    %mul3A_1540 = arith.muli %gather3A_1532, %mul3A_1539 : vector<16xi32>
    %add3A_1541 = arith.addi %mul3A_1540, %rem3A_1415 : vector<16xi32>
    %min3A_1542 = arith.constant 1 : i32
    %min3A_1543 = vector.broadcast %min3A_1542 : i32 to vector<16xi32>
    %min3A_1544 = arith.minsi %gather3A_1532, %min3A_1543 : vector<16xi32>
    %mul3A_1545 = arith.muli %add3A_1541, %min3A_1544 : vector<16xi32>
    %add3A_1546 = arith.constant 21002 : i32
    %add3A_1547 = vector.broadcast %add3A_1546 : i32 to vector<16xi32>
    %add3A_1548 = arith.addi %mul3A_1545, %add3A_1547 : vector<16xi32>
    %gather3A_1549 = tpu.vector_load_idx %arg19[%add3A_1548] : memref<28128xf32, #tpu.memory_space<vmem>>[vector<16xi32>], vector<16xf32>,
    %add3A_1550 = arith.addf %add3A_1528, %gather3A_1549 : vector<16xf32>
    %add3A_1551 = arith.constant 6 : i32
    %add3A_1552 = vector.broadcast %add3A_1551 : i32 to vector<16xi32>
    %add3A_1553 = arith.addi %mul3A_1418, %add3A_1552 : vector<16xi32>
    %gather3A_1554 = tpu.vector_load_idx %arg16[%add3A_1553] : memref<1024xi32, #tpu.memory_space<vmem>>[vector<16xi32>], vector<16xi32>,
    %add3A_1555 = arith.constant 20002 : i32
    %add3A_1556 = vector.broadcast %add3A_1555 : i32 to vector<16xi32>
    %add3A_1557 = arith.addi %gather3A_1554, %add3A_1556 : vector<16xi32>
    %gather3A_1558 = tpu.vector_load_idx %arg19[%add3A_1557] : memref<28128xf32, #tpu.memory_space<vmem>>[vector<16xi32>], vector<16xf32>,
    %add3A_1559 = arith.addf %add3A_1537, %gather3A_1558 : vector<16xf32>
    %mul3A_1560 = arith.constant 7 : i32
    %mul3A_1561 = vector.broadcast %mul3A_1560 : i32 to vector<16xi32>
    %mul3A_1562 = arith.muli %gather3A_1554, %mul3A_1561 : vector<16xi32>
    %add3A_1563 = arith.addi %mul3A_1562, %rem3A_1415 : vector<16xi32>
    %min3A_1564 = arith.constant 1 : i32
    %min3A_1565 = vector.broadcast %min3A_1564 : i32 to vector<16xi32>
    %min3A_1566 = arith.minsi %gather3A_1554, %min3A_1565 : vector<16xi32>
    %mul3A_1567 = arith.muli %add3A_1563, %min3A_1566 : vector<16xi32>
    %add3A_1568 = arith.constant 21002 : i32
    %add3A_1569 = vector.broadcast %add3A_1568 : i32 to vector<16xi32>
    %add3A_1570 = arith.addi %mul3A_1567, %add3A_1569 : vector<16xi32>
    %gather3A_1571 = tpu.vector_load_idx %arg19[%add3A_1570] : memref<28128xf32, #tpu.memory_space<vmem>>[vector<16xi32>], vector<16xf32>,
    %add3A_1572 = arith.addf %add3A_1550, %gather3A_1571 : vector<16xf32>
    %add3A_1573 = arith.constant 7 : i32
    %add3A_1574 = vector.broadcast %add3A_1573 : i32 to vector<16xi32>
    %add3A_1575 = arith.addi %mul3A_1418, %add3A_1574 : vector<16xi32>
    %gather3A_1576 = tpu.vector_load_idx %arg16[%add3A_1575] : memref<1024xi32, #tpu.memory_space<vmem>>[vector<16xi32>], vector<16xi32>,
    %add3A_1577 = arith.constant 20002 : i32
    %add3A_1578 = vector.broadcast %add3A_1577 : i32 to vector<16xi32>
    %add3A_1579 = arith.addi %gather3A_1576, %add3A_1578 : vector<16xi32>
    %gather3A_1580 = tpu.vector_load_idx %arg19[%add3A_1579] : memref<28128xf32, #tpu.memory_space<vmem>>[vector<16xi32>], vector<16xf32>,
    %add3A_1581 = arith.addf %add3A_1559, %gather3A_1580 : vector<16xf32>
    %mul3A_1582 = arith.constant 7 : i32
    %mul3A_1583 = vector.broadcast %mul3A_1582 : i32 to vector<16xi32>
    %mul3A_1584 = arith.muli %gather3A_1576, %mul3A_1583 : vector<16xi32>
    %add3A_1585 = arith.addi %mul3A_1584, %rem3A_1415 : vector<16xi32>
    %min3A_1586 = arith.constant 1 : i32
    %min3A_1587 = vector.broadcast %min3A_1586 : i32 to vector<16xi32>
    %min3A_1588 = arith.minsi %gather3A_1576, %min3A_1587 : vector<16xi32>
    %mul3A_1589 = arith.muli %add3A_1585, %min3A_1588 : vector<16xi32>
    %add3A_1590 = arith.constant 21002 : i32
    %add3A_1591 = vector.broadcast %add3A_1590 : i32 to vector<16xi32>
    %add3A_1592 = arith.addi %mul3A_1589, %add3A_1591 : vector<16xi32>
    %gather3A_1593 = tpu.vector_load_idx %arg19[%add3A_1592] : memref<28128xf32, #tpu.memory_space<vmem>>[vector<16xi32>], vector<16xf32>,
    %add3A_1594 = arith.addf %add3A_1572, %gather3A_1593 : vector<16xf32>
    %mul3A_1595 = arith.constant 50 : i32
    %mul3A_1596 = vector.broadcast %mul3A_1595 : i32 to vector<16xi32>
    %mul3A_1597 = arith.muli %add3A_1398, %mul3A_1596 : vector<16xi32>
    %gather3A_1598 = tpu.vector_load_idx %arg17[%mul3A_1597] : memref<6400xf32, #tpu.memory_space<vmem>>[vector<16xi32>], vector<16xf32>,
    %swap3A_1599 = arith.constant 96 : index
    %swap3A_1600 = tpu.vector_load %arg20[%swap3A_1599] {strides = array<i32>} : memref<128xf32, #tpu.memory_space<vmem>>, vector<16xf32>,
    tpu.vector_store %arg20[%swap3A_1599], %gather3A_1598 {strides = array<i32>} : memref<128xf32, #tpu.memory_space<vmem>>, vector<16xf32>,
    %add3A_1601 = arith.addf %gather3A_1408, %gather3A_1412 : vector<16xf32>
    %add3A_1602 = arith.addf %add3A_1601, %get3A_1400 : vector<16xf32>
    %add3A_1603 = arith.addf %add3A_1602, %get3A_8 : vector<16xf32>
    %max3A_1604 = arith.constant 0.000000e+00 : f32
    %max3A_1605 = vector.broadcast %max3A_1604 : f32 to vector<16xf32>
    %max3A_1606 = arith.maximumf %add3A_1603, %max3A_1605 : vector<16xf32>
    %swap3A_1607 = arith.constant 96 : index
    %swap3A_1608 = tpu.vector_load %arg21[%swap3A_1607] {strides = array<i32>} : memref<128xf32, #tpu.memory_space<vmem>>, vector<16xf32>,
    tpu.vector_store %arg21[%swap3A_1607], %max3A_1606 {strides = array<i32>} : memref<128xf32, #tpu.memory_space<vmem>>, vector<16xf32>,
    %mul3A_1609 = arith.constant 1.250000e-01 : f32
    %mul3A_1610 = vector.broadcast %mul3A_1609 : f32 to vector<16xf32>
    %mul3A_1611 = arith.mulf %add3A_1581, %mul3A_1610 : vector<16xf32>
    %add3A_1612 = arith.addf %mul3A_1611, %get3A_10 : vector<16xf32>
    %max3A_1613 = arith.constant 0.000000e+00 : f32
    %max3A_1614 = vector.broadcast %max3A_1613 : f32 to vector<16xf32>
    %max3A_1615 = arith.maximumf %add3A_1612, %max3A_1614 : vector<16xf32>
    %swap3A_1616 = arith.constant 96 : index
    %swap3A_1617 = tpu.vector_load %arg22[%swap3A_1616] {strides = array<i32>} : memref<128xf32, #tpu.memory_space<vmem>>, vector<16xf32>,
    tpu.vector_store %arg22[%swap3A_1616], %max3A_1615 {strides = array<i32>} : memref<128xf32, #tpu.memory_space<vmem>>, vector<16xf32>,
    %mul3A_1618 = arith.constant 1.250000e-01 : f32
    %mul3A_1619 = vector.broadcast %mul3A_1618 : f32 to vector<16xf32>
    %mul3A_1620 = arith.mulf %add3A_1594, %mul3A_1619 : vector<16xf32>
    %add3A_1621 = arith.addf %mul3A_1620, %get3A_12 : vector<16xf32>
    %max3A_1622 = arith.constant 0.000000e+00 : f32
    %max3A_1623 = vector.broadcast %max3A_1622 : f32 to vector<16xf32>
    %max3A_1624 = arith.maximumf %add3A_1621, %max3A_1623 : vector<16xf32>
    %swap3A_1625 = arith.constant 96 : index
    %swap3A_1626 = tpu.vector_load %arg23[%swap3A_1625] {strides = array<i32>} : memref<128xf32, #tpu.memory_space<vmem>>, vector<16xf32>,
    tpu.vector_store %arg23[%swap3A_1625], %max3A_1624 {strides = array<i32>} : memref<128xf32, #tpu.memory_space<vmem>>, vector<16xf32>,
    %add3A_1627 = arith.constant 112 : i32
    %add3A_1628 = vector.broadcast %add3A_1627 : i32 to vector<16xi32>
    %add3A_1629 = arith.addi %iota3A, %add3A_1628 : vector<16xi32>
    %get3A_1630 = arith.constant 112 : index
    %get3A_1631 = tpu.vector_load %arg18[%get3A_1630] {strides = array<i32>} : memref<128xf32, #tpu.memory_space<vmem>>, vector<16xf32>,
    %get3A_1632 = arith.constant 112 : index
    %get3A_1633 = tpu.vector_load %arg14[%get3A_1632] {strides = array<i32>} : memref<128xi32, #tpu.memory_space<vmem>>, vector<16xi32>,
    %get3A_1634 = arith.constant 112 : index
    %get3A_1635 = tpu.vector_load %arg15[%get3A_1634] {strides = array<i32>} : memref<128xi32, #tpu.memory_space<vmem>>, vector<16xi32>,
    %add3A_1636 = arith.constant 0 : i32
    %add3A_1637 = vector.broadcast %add3A_1636 : i32 to vector<16xi32>
    %add3A_1638 = arith.addi %get3A_1633, %add3A_1637 : vector<16xi32>
    %gather3A_1639 = tpu.vector_load_idx %arg19[%add3A_1638] : memref<28128xf32, #tpu.memory_space<vmem>>[vector<16xi32>], vector<16xf32>,
    %add3A_1640 = arith.constant 10001 : i32
    %add3A_1641 = vector.broadcast %add3A_1640 : i32 to vector<16xi32>
    %add3A_1642 = arith.addi %get3A_1635, %add3A_1641 : vector<16xi32>
    %gather3A_1643 = tpu.vector_load_idx %arg19[%add3A_1642] : memref<28128xf32, #tpu.memory_space<vmem>>[vector<16xi32>], vector<16xf32>,
    %rem3A_1644 = arith.constant 7 : i32
    %rem3A_1645 = vector.broadcast %rem3A_1644 : i32 to vector<16xi32>
    %rem3A_1646 = arith.remsi %get3A_1635, %rem3A_1645 : vector<16xi32>
    %mul3A_1647 = arith.constant 8 : i32
    %mul3A_1648 = vector.broadcast %mul3A_1647 : i32 to vector<16xi32>
    %mul3A_1649 = arith.muli %add3A_1629, %mul3A_1648 : vector<16xi32>
    %add3A_1650 = arith.constant 0 : i32
    %add3A_1651 = vector.broadcast %add3A_1650 : i32 to vector<16xi32>
    %add3A_1652 = arith.addi %mul3A_1649, %add3A_1651 : vector<16xi32>
    %gather3A_1653 = tpu.vector_load_idx %arg16[%add3A_1652] : memref<1024xi32, #tpu.memory_space<vmem>>[vector<16xi32>], vector<16xi32>,
    %add3A_1654 = arith.constant 20002 : i32
    %add3A_1655 = vector.broadcast %add3A_1654 : i32 to vector<16xi32>
    %add3A_1656 = arith.addi %gather3A_1653, %add3A_1655 : vector<16xi32>
    %gather3A_1657 = tpu.vector_load_idx %arg19[%add3A_1656] : memref<28128xf32, #tpu.memory_space<vmem>>[vector<16xi32>], vector<16xf32>,
    %add3A_1658 = arith.addf %broadcast_in_dim3A_7, %gather3A_1657 : vector<16xf32>
    %mul3A_1659 = arith.constant 7 : i32
    %mul3A_1660 = vector.broadcast %mul3A_1659 : i32 to vector<16xi32>
    %mul3A_1661 = arith.muli %gather3A_1653, %mul3A_1660 : vector<16xi32>
    %add3A_1662 = arith.addi %mul3A_1661, %rem3A_1646 : vector<16xi32>
    %min3A_1663 = arith.constant 1 : i32
    %min3A_1664 = vector.broadcast %min3A_1663 : i32 to vector<16xi32>
    %min3A_1665 = arith.minsi %gather3A_1653, %min3A_1664 : vector<16xi32>
    %mul3A_1666 = arith.muli %add3A_1662, %min3A_1665 : vector<16xi32>
    %add3A_1667 = arith.constant 21002 : i32
    %add3A_1668 = vector.broadcast %add3A_1667 : i32 to vector<16xi32>
    %add3A_1669 = arith.addi %mul3A_1666, %add3A_1668 : vector<16xi32>
    %gather3A_1670 = tpu.vector_load_idx %arg19[%add3A_1669] : memref<28128xf32, #tpu.memory_space<vmem>>[vector<16xi32>], vector<16xf32>,
    %add3A_1671 = arith.addf %broadcast_in_dim3A_7, %gather3A_1670 : vector<16xf32>
    %add3A_1672 = arith.constant 1 : i32
    %add3A_1673 = vector.broadcast %add3A_1672 : i32 to vector<16xi32>
    %add3A_1674 = arith.addi %mul3A_1649, %add3A_1673 : vector<16xi32>
    %gather3A_1675 = tpu.vector_load_idx %arg16[%add3A_1674] : memref<1024xi32, #tpu.memory_space<vmem>>[vector<16xi32>], vector<16xi32>,
    %add3A_1676 = arith.constant 20002 : i32
    %add3A_1677 = vector.broadcast %add3A_1676 : i32 to vector<16xi32>
    %add3A_1678 = arith.addi %gather3A_1675, %add3A_1677 : vector<16xi32>
    %gather3A_1679 = tpu.vector_load_idx %arg19[%add3A_1678] : memref<28128xf32, #tpu.memory_space<vmem>>[vector<16xi32>], vector<16xf32>,
    %add3A_1680 = arith.addf %add3A_1658, %gather3A_1679 : vector<16xf32>
    %mul3A_1681 = arith.constant 7 : i32
    %mul3A_1682 = vector.broadcast %mul3A_1681 : i32 to vector<16xi32>
    %mul3A_1683 = arith.muli %gather3A_1675, %mul3A_1682 : vector<16xi32>
    %add3A_1684 = arith.addi %mul3A_1683, %rem3A_1646 : vector<16xi32>
    %min3A_1685 = arith.constant 1 : i32
    %min3A_1686 = vector.broadcast %min3A_1685 : i32 to vector<16xi32>
    %min3A_1687 = arith.minsi %gather3A_1675, %min3A_1686 : vector<16xi32>
    %mul3A_1688 = arith.muli %add3A_1684, %min3A_1687 : vector<16xi32>
    %add3A_1689 = arith.constant 21002 : i32
    %add3A_1690 = vector.broadcast %add3A_1689 : i32 to vector<16xi32>
    %add3A_1691 = arith.addi %mul3A_1688, %add3A_1690 : vector<16xi32>
    %gather3A_1692 = tpu.vector_load_idx %arg19[%add3A_1691] : memref<28128xf32, #tpu.memory_space<vmem>>[vector<16xi32>], vector<16xf32>,
    %add3A_1693 = arith.addf %add3A_1671, %gather3A_1692 : vector<16xf32>
    %add3A_1694 = arith.constant 2 : i32
    %add3A_1695 = vector.broadcast %add3A_1694 : i32 to vector<16xi32>
    %add3A_1696 = arith.addi %mul3A_1649, %add3A_1695 : vector<16xi32>
    %gather3A_1697 = tpu.vector_load_idx %arg16[%add3A_1696] : memref<1024xi32, #tpu.memory_space<vmem>>[vector<16xi32>], vector<16xi32>,
    %add3A_1698 = arith.constant 20002 : i32
    %add3A_1699 = vector.broadcast %add3A_1698 : i32 to vector<16xi32>
    %add3A_1700 = arith.addi %gather3A_1697, %add3A_1699 : vector<16xi32>
    %gather3A_1701 = tpu.vector_load_idx %arg19[%add3A_1700] : memref<28128xf32, #tpu.memory_space<vmem>>[vector<16xi32>], vector<16xf32>,
    %add3A_1702 = arith.addf %add3A_1680, %gather3A_1701 : vector<16xf32>
    %mul3A_1703 = arith.constant 7 : i32
    %mul3A_1704 = vector.broadcast %mul3A_1703 : i32 to vector<16xi32>
    %mul3A_1705 = arith.muli %gather3A_1697, %mul3A_1704 : vector<16xi32>
    %add3A_1706 = arith.addi %mul3A_1705, %rem3A_1646 : vector<16xi32>
    %min3A_1707 = arith.constant 1 : i32
    %min3A_1708 = vector.broadcast %min3A_1707 : i32 to vector<16xi32>
    %min3A_1709 = arith.minsi %gather3A_1697, %min3A_1708 : vector<16xi32>
    %mul3A_1710 = arith.muli %add3A_1706, %min3A_1709 : vector<16xi32>
    %add3A_1711 = arith.constant 21002 : i32
    %add3A_1712 = vector.broadcast %add3A_1711 : i32 to vector<16xi32>
    %add3A_1713 = arith.addi %mul3A_1710, %add3A_1712 : vector<16xi32>
    %gather3A_1714 = tpu.vector_load_idx %arg19[%add3A_1713] : memref<28128xf32, #tpu.memory_space<vmem>>[vector<16xi32>], vector<16xf32>,
    %add3A_1715 = arith.addf %add3A_1693, %gather3A_1714 : vector<16xf32>
    %add3A_1716 = arith.constant 3 : i32
    %add3A_1717 = vector.broadcast %add3A_1716 : i32 to vector<16xi32>
    %add3A_1718 = arith.addi %mul3A_1649, %add3A_1717 : vector<16xi32>
    %gather3A_1719 = tpu.vector_load_idx %arg16[%add3A_1718] : memref<1024xi32, #tpu.memory_space<vmem>>[vector<16xi32>], vector<16xi32>,
    %add3A_1720 = arith.constant 20002 : i32
    %add3A_1721 = vector.broadcast %add3A_1720 : i32 to vector<16xi32>
    %add3A_1722 = arith.addi %gather3A_1719, %add3A_1721 : vector<16xi32>
    %gather3A_1723 = tpu.vector_load_idx %arg19[%add3A_1722] : memref<28128xf32, #tpu.memory_space<vmem>>[vector<16xi32>], vector<16xf32>,
    %add3A_1724 = arith.addf %add3A_1702, %gather3A_1723 : vector<16xf32>
    %mul3A_1725 = arith.constant 7 : i32
    %mul3A_1726 = vector.broadcast %mul3A_1725 : i32 to vector<16xi32>
    %mul3A_1727 = arith.muli %gather3A_1719, %mul3A_1726 : vector<16xi32>
    %add3A_1728 = arith.addi %mul3A_1727, %rem3A_1646 : vector<16xi32>
    %min3A_1729 = arith.constant 1 : i32
    %min3A_1730 = vector.broadcast %min3A_1729 : i32 to vector<16xi32>
    %min3A_1731 = arith.minsi %gather3A_1719, %min3A_1730 : vector<16xi32>
    %mul3A_1732 = arith.muli %add3A_1728, %min3A_1731 : vector<16xi32>
    %add3A_1733 = arith.constant 21002 : i32
    %add3A_1734 = vector.broadcast %add3A_1733 : i32 to vector<16xi32>
    %add3A_1735 = arith.addi %mul3A_1732, %add3A_1734 : vector<16xi32>
    %gather3A_1736 = tpu.vector_load_idx %arg19[%add3A_1735] : memref<28128xf32, #tpu.memory_space<vmem>>[vector<16xi32>], vector<16xf32>,
    %add3A_1737 = arith.addf %add3A_1715, %gather3A_1736 : vector<16xf32>
    %add3A_1738 = arith.constant 4 : i32
    %add3A_1739 = vector.broadcast %add3A_1738 : i32 to vector<16xi32>
    %add3A_1740 = arith.addi %mul3A_1649, %add3A_1739 : vector<16xi32>
    %gather3A_1741 = tpu.vector_load_idx %arg16[%add3A_1740] : memref<1024xi32, #tpu.memory_space<vmem>>[vector<16xi32>], vector<16xi32>,
    %add3A_1742 = arith.constant 20002 : i32
    %add3A_1743 = vector.broadcast %add3A_1742 : i32 to vector<16xi32>
    %add3A_1744 = arith.addi %gather3A_1741, %add3A_1743 : vector<16xi32>
    %gather3A_1745 = tpu.vector_load_idx %arg19[%add3A_1744] : memref<28128xf32, #tpu.memory_space<vmem>>[vector<16xi32>], vector<16xf32>,
    %add3A_1746 = arith.addf %add3A_1724, %gather3A_1745 : vector<16xf32>
    %mul3A_1747 = arith.constant 7 : i32
    %mul3A_1748 = vector.broadcast %mul3A_1747 : i32 to vector<16xi32>
    %mul3A_1749 = arith.muli %gather3A_1741, %mul3A_1748 : vector<16xi32>
    %add3A_1750 = arith.addi %mul3A_1749, %rem3A_1646 : vector<16xi32>
    %min3A_1751 = arith.constant 1 : i32
    %min3A_1752 = vector.broadcast %min3A_1751 : i32 to vector<16xi32>
    %min3A_1753 = arith.minsi %gather3A_1741, %min3A_1752 : vector<16xi32>
    %mul3A_1754 = arith.muli %add3A_1750, %min3A_1753 : vector<16xi32>
    %add3A_1755 = arith.constant 21002 : i32
    %add3A_1756 = vector.broadcast %add3A_1755 : i32 to vector<16xi32>
    %add3A_1757 = arith.addi %mul3A_1754, %add3A_1756 : vector<16xi32>
    %gather3A_1758 = tpu.vector_load_idx %arg19[%add3A_1757] : memref<28128xf32, #tpu.memory_space<vmem>>[vector<16xi32>], vector<16xf32>,
    %add3A_1759 = arith.addf %add3A_1737, %gather3A_1758 : vector<16xf32>
    %add3A_1760 = arith.constant 5 : i32
    %add3A_1761 = vector.broadcast %add3A_1760 : i32 to vector<16xi32>
    %add3A_1762 = arith.addi %mul3A_1649, %add3A_1761 : vector<16xi32>
    %gather3A_1763 = tpu.vector_load_idx %arg16[%add3A_1762] : memref<1024xi32, #tpu.memory_space<vmem>>[vector<16xi32>], vector<16xi32>,
    %add3A_1764 = arith.constant 20002 : i32
    %add3A_1765 = vector.broadcast %add3A_1764 : i32 to vector<16xi32>
    %add3A_1766 = arith.addi %gather3A_1763, %add3A_1765 : vector<16xi32>
    %gather3A_1767 = tpu.vector_load_idx %arg19[%add3A_1766] : memref<28128xf32, #tpu.memory_space<vmem>>[vector<16xi32>], vector<16xf32>,
    %add3A_1768 = arith.addf %add3A_1746, %gather3A_1767 : vector<16xf32>
    %mul3A_1769 = arith.constant 7 : i32
    %mul3A_1770 = vector.broadcast %mul3A_1769 : i32 to vector<16xi32>
    %mul3A_1771 = arith.muli %gather3A_1763, %mul3A_1770 : vector<16xi32>
    %add3A_1772 = arith.addi %mul3A_1771, %rem3A_1646 : vector<16xi32>
    %min3A_1773 = arith.constant 1 : i32
    %min3A_1774 = vector.broadcast %min3A_1773 : i32 to vector<16xi32>
    %min3A_1775 = arith.minsi %gather3A_1763, %min3A_1774 : vector<16xi32>
    %mul3A_1776 = arith.muli %add3A_1772, %min3A_1775 : vector<16xi32>
    %add3A_1777 = arith.constant 21002 : i32
    %add3A_1778 = vector.broadcast %add3A_1777 : i32 to vector<16xi32>
    %add3A_1779 = arith.addi %mul3A_1776, %add3A_1778 : vector<16xi32>
    %gather3A_1780 = tpu.vector_load_idx %arg19[%add3A_1779] : memref<28128xf32, #tpu.memory_space<vmem>>[vector<16xi32>], vector<16xf32>,
    %add3A_1781 = arith.addf %add3A_1759, %gather3A_1780 : vector<16xf32>
    %add3A_1782 = arith.constant 6 : i32
    %add3A_1783 = vector.broadcast %add3A_1782 : i32 to vector<16xi32>
    %add3A_1784 = arith.addi %mul3A_1649, %add3A_1783 : vector<16xi32>
    %gather3A_1785 = tpu.vector_load_idx %arg16[%add3A_1784] : memref<1024xi32, #tpu.memory_space<vmem>>[vector<16xi32>], vector<16xi32>,
    %add3A_1786 = arith.constant 20002 : i32
    %add3A_1787 = vector.broadcast %add3A_1786 : i32 to vector<16xi32>
    %add3A_1788 = arith.addi %gather3A_1785, %add3A_1787 : vector<16xi32>
    %gather3A_1789 = tpu.vector_load_idx %arg19[%add3A_1788] : memref<28128xf32, #tpu.memory_space<vmem>>[vector<16xi32>], vector<16xf32>,
    %add3A_1790 = arith.addf %add3A_1768, %gather3A_1789 : vector<16xf32>
    %mul3A_1791 = arith.constant 7 : i32
    %mul3A_1792 = vector.broadcast %mul3A_1791 : i32 to vector<16xi32>
    %mul3A_1793 = arith.muli %gather3A_1785, %mul3A_1792 : vector<16xi32>
    %add3A_1794 = arith.addi %mul3A_1793, %rem3A_1646 : vector<16xi32>
    %min3A_1795 = arith.constant 1 : i32
    %min3A_1796 = vector.broadcast %min3A_1795 : i32 to vector<16xi32>
    %min3A_1797 = arith.minsi %gather3A_1785, %min3A_1796 : vector<16xi32>
    %mul3A_1798 = arith.muli %add3A_1794, %min3A_1797 : vector<16xi32>
    %add3A_1799 = arith.constant 21002 : i32
    %add3A_1800 = vector.broadcast %add3A_1799 : i32 to vector<16xi32>
    %add3A_1801 = arith.addi %mul3A_1798, %add3A_1800 : vector<16xi32>
    %gather3A_1802 = tpu.vector_load_idx %arg19[%add3A_1801] : memref<28128xf32, #tpu.memory_space<vmem>>[vector<16xi32>], vector<16xf32>,
    %add3A_1803 = arith.addf %add3A_1781, %gather3A_1802 : vector<16xf32>
    %add3A_1804 = arith.constant 7 : i32
    %add3A_1805 = vector.broadcast %add3A_1804 : i32 to vector<16xi32>
    %add3A_1806 = arith.addi %mul3A_1649, %add3A_1805 : vector<16xi32>
    %gather3A_1807 = tpu.vector_load_idx %arg16[%add3A_1806] : memref<1024xi32, #tpu.memory_space<vmem>>[vector<16xi32>], vector<16xi32>,
    %add3A_1808 = arith.constant 20002 : i32
    %add3A_1809 = vector.broadcast %add3A_1808 : i32 to vector<16xi32>
    %add3A_1810 = arith.addi %gather3A_1807, %add3A_1809 : vector<16xi32>
    %gather3A_1811 = tpu.vector_load_idx %arg19[%add3A_1810] : memref<28128xf32, #tpu.memory_space<vmem>>[vector<16xi32>], vector<16xf32>,
    %add3A_1812 = arith.addf %add3A_1790, %gather3A_1811 : vector<16xf32>
    %mul3A_1813 = arith.constant 7 : i32
    %mul3A_1814 = vector.broadcast %mul3A_1813 : i32 to vector<16xi32>
    %mul3A_1815 = arith.muli %gather3A_1807, %mul3A_1814 : vector<16xi32>
    %add3A_1816 = arith.addi %mul3A_1815, %rem3A_1646 : vector<16xi32>
    %min3A_1817 = arith.constant 1 : i32
    %min3A_1818 = vector.broadcast %min3A_1817 : i32 to vector<16xi32>
    %min3A_1819 = arith.minsi %gather3A_1807, %min3A_1818 : vector<16xi32>
    %mul3A_1820 = arith.muli %add3A_1816, %min3A_1819 : vector<16xi32>
    %add3A_1821 = arith.constant 21002 : i32
    %add3A_1822 = vector.broadcast %add3A_1821 : i32 to vector<16xi32>
    %add3A_1823 = arith.addi %mul3A_1820, %add3A_1822 : vector<16xi32>
    %gather3A_1824 = tpu.vector_load_idx %arg19[%add3A_1823] : memref<28128xf32, #tpu.memory_space<vmem>>[vector<16xi32>], vector<16xf32>,
    %add3A_1825 = arith.addf %add3A_1803, %gather3A_1824 : vector<16xf32>
    %mul3A_1826 = arith.constant 50 : i32
    %mul3A_1827 = vector.broadcast %mul3A_1826 : i32 to vector<16xi32>
    %mul3A_1828 = arith.muli %add3A_1629, %mul3A_1827 : vector<16xi32>
    %gather3A_1829 = tpu.vector_load_idx %arg17[%mul3A_1828] : memref<6400xf32, #tpu.memory_space<vmem>>[vector<16xi32>], vector<16xf32>,
    %swap3A_1830 = arith.constant 112 : index
    %swap3A_1831 = tpu.vector_load %arg20[%swap3A_1830] {strides = array<i32>} : memref<128xf32, #tpu.memory_space<vmem>>, vector<16xf32>,
    tpu.vector_store %arg20[%swap3A_1830], %gather3A_1829 {strides = array<i32>} : memref<128xf32, #tpu.memory_space<vmem>>, vector<16xf32>,
    %add3A_1832 = arith.addf %gather3A_1639, %gather3A_1643 : vector<16xf32>
    %add3A_1833 = arith.addf %add3A_1832, %get3A_1631 : vector<16xf32>
    %add3A_1834 = arith.addf %add3A_1833, %get3A_8 : vector<16xf32>
    %max3A_1835 = arith.constant 0.000000e+00 : f32
    %max3A_1836 = vector.broadcast %max3A_1835 : f32 to vector<16xf32>
    %max3A_1837 = arith.maximumf %add3A_1834, %max3A_1836 : vector<16xf32>
    %swap3A_1838 = arith.constant 112 : index
    %swap3A_1839 = tpu.vector_load %arg21[%swap3A_1838] {strides = array<i32>} : memref<128xf32, #tpu.memory_space<vmem>>, vector<16xf32>,
    tpu.vector_store %arg21[%swap3A_1838], %max3A_1837 {strides = array<i32>} : memref<128xf32, #tpu.memory_space<vmem>>, vector<16xf32>,
    %mul3A_1840 = arith.constant 1.250000e-01 : f32
    %mul3A_1841 = vector.broadcast %mul3A_1840 : f32 to vector<16xf32>
    %mul3A_1842 = arith.mulf %add3A_1812, %mul3A_1841 : vector<16xf32>
    %add3A_1843 = arith.addf %mul3A_1842, %get3A_10 : vector<16xf32>
    %max3A_1844 = arith.constant 0.000000e+00 : f32
    %max3A_1845 = vector.broadcast %max3A_1844 : f32 to vector<16xf32>
    %max3A_1846 = arith.maximumf %add3A_1843, %max3A_1845 : vector<16xf32>
    %swap3A_1847 = arith.constant 112 : index
    %swap3A_1848 = tpu.vector_load %arg22[%swap3A_1847] {strides = array<i32>} : memref<128xf32, #tpu.memory_space<vmem>>, vector<16xf32>,
    tpu.vector_store %arg22[%swap3A_1847], %max3A_1846 {strides = array<i32>} : memref<128xf32, #tpu.memory_space<vmem>>, vector<16xf32>,
    %mul3A_1849 = arith.constant 1.250000e-01 : f32
    %mul3A_1850 = vector.broadcast %mul3A_1849 : f32 to vector<16xf32>
    %mul3A_1851 = arith.mulf %add3A_1825, %mul3A_1850 : vector<16xf32>
    %add3A_1852 = arith.addf %mul3A_1851, %get3A_12 : vector<16xf32>
    %max3A_1853 = arith.constant 0.000000e+00 : f32
    %max3A_1854 = vector.broadcast %max3A_1853 : f32 to vector<16xf32>
    %max3A_1855 = arith.maximumf %add3A_1852, %max3A_1854 : vector<16xf32>
    %swap3A_1856 = arith.constant 112 : index
    %swap3A_1857 = tpu.vector_load %arg23[%swap3A_1856] {strides = array<i32>} : memref<128xf32, #tpu.memory_space<vmem>>, vector<16xf32>,
    tpu.vector_store %arg23[%swap3A_1856], %max3A_1855 {strides = array<i32>} : memref<128xf32, #tpu.memory_space<vmem>>, vector<16xf32>,
    "tpu.region"() ({
      %run_scoped3A = tpu.sem_alloc : memref<!tpu.dma_semaphore, #tpu.memory_space<semaphore_mem>>
      %dma_start3A_1858 = tpu.memref_slice %arg9[%mul3A_2] : memref<4096xf32, #tpu.memory_space<hbm>> -> memref<128xf32, #tpu.memory_space<hbm>>
      %dma_start3A_1859 = tpu.memref_slice %arg9[%mul3A_2] : memref<4096xf32, #tpu.memory_space<hbm>> -> memref<128xf32, #tpu.memory_space<hbm>>
      tpu.enqueue_dma source(%arg20 : memref<128xf32, #tpu.memory_space<vmem>>) target(%dma_start3A_1859 : memref<128xf32, #tpu.memory_space<hbm>>) target_semaphore(%run_scoped3A : memref<!tpu.dma_semaphore, #tpu.memory_space<semaphore_mem>>)
      %dma_wait3A_1860 = tpu.memref_slice %arg9[%mul3A_2] : memref<4096xf32, #tpu.memory_space<hbm>> -> memref<128xf32, #tpu.memory_space<hbm>>
      %dma_wait3A_1861 = tpu.memref_slice %arg9[%mul3A_2] : memref<4096xf32, #tpu.memory_space<hbm>> -> memref<128xf32, #tpu.memory_space<hbm>>
      tpu.wait_dma2 semaphore(%run_scoped3A : memref<!tpu.dma_semaphore, #tpu.memory_space<semaphore_mem>>) src(%arg20 : memref<128xf32, #tpu.memory_space<vmem>>) dst(%dma_wait3A_1861 : memref<128xf32, #tpu.memory_space<hbm>>)
      tpu.yield
    }) : () -> ()
    "tpu.region"() ({
      %run_scoped3A = tpu.sem_alloc : memref<!tpu.dma_semaphore, #tpu.memory_space<semaphore_mem>>
      %dma_start3A_1858 = tpu.memref_slice %arg10[%mul3A_2] : memref<4096xf32, #tpu.memory_space<hbm>> -> memref<128xf32, #tpu.memory_space<hbm>>
      %dma_start3A_1859 = tpu.memref_slice %arg10[%mul3A_2] : memref<4096xf32, #tpu.memory_space<hbm>> -> memref<128xf32, #tpu.memory_space<hbm>>
      tpu.enqueue_dma source(%arg21 : memref<128xf32, #tpu.memory_space<vmem>>) target(%dma_start3A_1859 : memref<128xf32, #tpu.memory_space<hbm>>) target_semaphore(%run_scoped3A : memref<!tpu.dma_semaphore, #tpu.memory_space<semaphore_mem>>)
      %dma_wait3A_1860 = tpu.memref_slice %arg10[%mul3A_2] : memref<4096xf32, #tpu.memory_space<hbm>> -> memref<128xf32, #tpu.memory_space<hbm>>
      %dma_wait3A_1861 = tpu.memref_slice %arg10[%mul3A_2] : memref<4096xf32, #tpu.memory_space<hbm>> -> memref<128xf32, #tpu.memory_space<hbm>>
      tpu.wait_dma2 semaphore(%run_scoped3A : memref<!tpu.dma_semaphore, #tpu.memory_space<semaphore_mem>>) src(%arg21 : memref<128xf32, #tpu.memory_space<vmem>>) dst(%dma_wait3A_1861 : memref<128xf32, #tpu.memory_space<hbm>>)
      tpu.yield
    }) : () -> ()
    "tpu.region"() ({
      %run_scoped3A = tpu.sem_alloc : memref<!tpu.dma_semaphore, #tpu.memory_space<semaphore_mem>>
      %dma_start3A_1858 = tpu.memref_slice %arg11[%mul3A_2] : memref<4096xf32, #tpu.memory_space<hbm>> -> memref<128xf32, #tpu.memory_space<hbm>>
      %dma_start3A_1859 = tpu.memref_slice %arg11[%mul3A_2] : memref<4096xf32, #tpu.memory_space<hbm>> -> memref<128xf32, #tpu.memory_space<hbm>>
      tpu.enqueue_dma source(%arg22 : memref<128xf32, #tpu.memory_space<vmem>>) target(%dma_start3A_1859 : memref<128xf32, #tpu.memory_space<hbm>>) target_semaphore(%run_scoped3A : memref<!tpu.dma_semaphore, #tpu.memory_space<semaphore_mem>>)
      %dma_wait3A_1860 = tpu.memref_slice %arg11[%mul3A_2] : memref<4096xf32, #tpu.memory_space<hbm>> -> memref<128xf32, #tpu.memory_space<hbm>>
      %dma_wait3A_1861 = tpu.memref_slice %arg11[%mul3A_2] : memref<4096xf32, #tpu.memory_space<hbm>> -> memref<128xf32, #tpu.memory_space<hbm>>
      tpu.wait_dma2 semaphore(%run_scoped3A : memref<!tpu.dma_semaphore, #tpu.memory_space<semaphore_mem>>) src(%arg22 : memref<128xf32, #tpu.memory_space<vmem>>) dst(%dma_wait3A_1861 : memref<128xf32, #tpu.memory_space<hbm>>)
      tpu.yield
    }) : () -> ()
    "tpu.region"() ({
      %run_scoped3A = tpu.sem_alloc : memref<!tpu.dma_semaphore, #tpu.memory_space<semaphore_mem>>
      %dma_start3A_1858 = tpu.memref_slice %arg12[%mul3A_2] : memref<4096xf32, #tpu.memory_space<hbm>> -> memref<128xf32, #tpu.memory_space<hbm>>
      %dma_start3A_1859 = tpu.memref_slice %arg12[%mul3A_2] : memref<4096xf32, #tpu.memory_space<hbm>> -> memref<128xf32, #tpu.memory_space<hbm>>
      tpu.enqueue_dma source(%arg23 : memref<128xf32, #tpu.memory_space<vmem>>) target(%dma_start3A_1859 : memref<128xf32, #tpu.memory_space<hbm>>) target_semaphore(%run_scoped3A : memref<!tpu.dma_semaphore, #tpu.memory_space<semaphore_mem>>)
      %dma_wait3A_1860 = tpu.memref_slice %arg12[%mul3A_2] : memref<4096xf32, #tpu.memory_space<hbm>> -> memref<128xf32, #tpu.memory_space<hbm>>
      %dma_wait3A_1861 = tpu.memref_slice %arg12[%mul3A_2] : memref<4096xf32, #tpu.memory_space<hbm>> -> memref<128xf32, #tpu.memory_space<hbm>>
      tpu.wait_dma2 semaphore(%run_scoped3A : memref<!tpu.dma_semaphore, #tpu.memory_space<semaphore_mem>>) src(%arg23 : memref<128xf32, #tpu.memory_space<vmem>>) dst(%dma_wait3A_1861 : memref<128xf32, #tpu.memory_space<hbm>>)
      tpu.yield
    }) : () -> ()
    return
  }
}

module attributes {stable_mosaic.version = 14 : i64} {
  func.func @_proj_item_body(%arg0: i32, %arg1: memref<64x32768xf32, #tpu.memory_space<vmem>>, %arg2: memref<1x64xf32, #tpu.memory_space<vmem>>, %arg3: memref<32768xf32, #tpu.memory_space<vmem>>) attributes {dimension_semantics = [#tpu.dimension_semantics<arbitrary>], iteration_bounds = array<i64: 31>, scalar_prefetch = 0 : i64, scratch_operands = 0 : i64, tpu.core_type = #tpu.core_type<tc>, window_params = [{transform_indices = @transform_0, window_bounds = array<i64: 64, 32768>}, {pipeline_mode = #tpu.pipeline_mode<synchronous>, transform_indices = @transform_1, window_bounds = array<i64: 1, 64>}, {transform_indices = @transform_2, window_bounds = array<i64: 32768>}]} {
    %get3A = arith.constant 0 : index
    %get3A_0 = arith.constant 0 : index
    %get3A_1 = vector.load %arg2[%get3A, %get3A_0] : memref<1x64xf32, #tpu.memory_space<vmem>>, vector<1x64xf32>
    %get3A_2 = arith.constant 0 : index
    %get3A_3 = arith.constant 0 : index
    %get3A_4 = vector.load %arg1[%get3A_2, %get3A_3] : memref<64x32768xf32, #tpu.memory_space<vmem>>, vector<64x32768xf32>
    %dot_general3A = arith.constant dense<0.000000e+00> : vector<1x32768xf32>
    %dot_general3A_5 = tpu.matmul %get3A_1, %get3A_4, %dot_general3A {dimension_numbers = #tpu.dot_dimension_numbers<[1], [0], [0], [1], [0, 0, 1, 1], [], []>, precision = #tpu.contract_precision<fp32>, transpose_lhs_hint = false} : vector<1x64xf32>, vector<64x32768xf32>, vector<1x32768xf32> -> vector<1x32768xf32>
    %squeeze3A = vector.shape_cast %dot_general3A_5 : vector<1x32768xf32> to vector<32768xf32>
    %swap3A = arith.constant 0 : index
    %swap3A_6 = vector.load %arg3[%swap3A] : memref<32768xf32, #tpu.memory_space<vmem>>, vector<32768xf32>
    tpu.vector_store %arg3[%swap3A], %squeeze3A {strides = array<i32>} : memref<32768xf32, #tpu.memory_space<vmem>>, vector<32768xf32>,
    return
  }
  func.func @transform_0(%arg0: i32) -> (i32, i32) {
    %c0_i32 = arith.constant 0 : i32
    %c0_i32_0 = arith.constant 0 : i32
    return %c0_i32, %arg0 : i32, i32
  }
  func.func @transform_1(%arg0: i32) -> (i32, i32) {
    %c0_i32 = arith.constant 0 : i32
    %c0_i32_0 = arith.constant 0 : i32
    %c0_i32_1 = arith.constant 0 : i32
    return %c0_i32, %c0_i32_0 : i32, i32
  }
  func.func @transform_2(%arg0: i32) -> i32 {
    %c0_i32 = arith.constant 0 : i32
    return %arg0 : i32
  }
}

module attributes {stable_mosaic.version = 14 : i64} {
  func.func @_proj_body(%arg0: memref<64x10001xf32, #tpu.memory_space<vmem>>, %arg1: memref<64x1000xf32, #tpu.memory_space<vmem>>, %arg2: memref<64x7000xf32, #tpu.memory_space<vmem>>, %arg3: memref<1x256xf32, #tpu.memory_space<vmem>>, %arg4: memref<1x64xf32, #tpu.memory_space<vmem>>, %arg5: memref<1x64xf32, #tpu.memory_space<vmem>>, %arg6: memref<10001xf32, #tpu.memory_space<vmem>>, %arg7: memref<10001xf32, #tpu.memory_space<vmem>>, %arg8: memref<1000xf32, #tpu.memory_space<vmem>>, %arg9: memref<7000xf32, #tpu.memory_space<vmem>>) attributes {dimension_semantics = [], scalar_prefetch = 0 : i64, scratch_operands = 0 : i64, tpu.core_type = #tpu.core_type<tc>} {
    %get3A = arith.constant 0 : index
    %get3A_0 = arith.constant 0 : index
    %get3A_1 = vector.load %arg3[%get3A, %get3A_0] : memref<1x256xf32, #tpu.memory_space<vmem>>, vector<1x64xf32>
    %get3A_2 = arith.constant 0 : index
    %get3A_3 = arith.constant 192 : index
    %get3A_4 = vector.load %arg3[%get3A_2, %get3A_3] : memref<1x256xf32, #tpu.memory_space<vmem>>, vector<1x64xf32>
    %add3A = arith.addf %get3A_1, %get3A_4 : vector<1x64xf32>
    %get3A_5 = arith.constant 0 : index
    %get3A_6 = arith.constant 128 : index
    %get3A_7 = vector.load %arg3[%get3A_5, %get3A_6] : memref<1x256xf32, #tpu.memory_space<vmem>>, vector<1x64xf32>
    %get3A_8 = arith.constant 0 : index
    %get3A_9 = arith.constant 0 : index
    %get3A_10 = vector.load %arg3[%get3A_8, %get3A_9] : memref<1x256xf32, #tpu.memory_space<vmem>>, vector<1x64xf32>
    %sub3A = arith.subf %get3A_7, %get3A_10 : vector<1x64xf32>
    %concatenate3A = tpu.concatenate %add3A, %sub3A in 0 : vector<1x64xf32>, vector<1x64xf32> -> vector<2x64xf32>
    %get3A_11 = arith.constant 0 : index
    %get3A_12 = arith.constant 0 : index
    %get3A_13 = vector.load %arg0[%get3A_11, %get3A_12] : memref<64x10001xf32, #tpu.memory_space<vmem>>, vector<64x10001xf32>
    %dot_general3A = arith.constant dense<0.000000e+00> : vector<2x10001xf32>
    %dot_general3A_14 = tpu.matmul %concatenate3A, %get3A_13, %dot_general3A {dimension_numbers = #tpu.dot_dimension_numbers<[1], [0], [0], [1], [0, 0, 1, 1], [], []>, precision = #tpu.contract_precision<fp32>, transpose_lhs_hint = false} : vector<2x64xf32>, vector<64x10001xf32>, vector<2x10001xf32> -> vector<2x10001xf32>
    %slice3A = vector.extract_strided_slice %dot_general3A_14 {offsets = [0, 0], sizes = [1, 10001], strides = [1, 1]} : vector<2x10001xf32> to vector<1x10001xf32>
    %squeeze3A = vector.shape_cast %slice3A : vector<1x10001xf32> to vector<10001xf32>
    %swap3A = arith.constant 0 : index
    %swap3A_15 = vector.load %arg6[%swap3A] : memref<10001xf32, #tpu.memory_space<vmem>>, vector<10001xf32>
    tpu.vector_store %arg6[%swap3A], %squeeze3A {strides = array<i32>} : memref<10001xf32, #tpu.memory_space<vmem>>, vector<10001xf32>,
    %slice3A_16 = vector.extract_strided_slice %dot_general3A_14 {offsets = [1, 0], sizes = [1, 10001], strides = [1, 1]} : vector<2x10001xf32> to vector<1x10001xf32>
    %squeeze3A_17 = vector.shape_cast %slice3A_16 : vector<1x10001xf32> to vector<10001xf32>
    %swap3A_18 = arith.constant 0 : index
    %swap3A_19 = vector.load %arg7[%swap3A_18] : memref<10001xf32, #tpu.memory_space<vmem>>, vector<10001xf32>
    tpu.vector_store %arg7[%swap3A_18], %squeeze3A_17 {strides = array<i32>} : memref<10001xf32, #tpu.memory_space<vmem>>, vector<10001xf32>,
    %get3A_20 = arith.constant 0 : index
    %get3A_21 = arith.constant 0 : index
    %get3A_22 = vector.load %arg4[%get3A_20, %get3A_21] : memref<1x64xf32, #tpu.memory_space<vmem>>, vector<1x64xf32>
    %get3A_23 = arith.constant 0 : index
    %get3A_24 = arith.constant 0 : index
    %get3A_25 = vector.load %arg1[%get3A_23, %get3A_24] : memref<64x1000xf32, #tpu.memory_space<vmem>>, vector<64x1000xf32>
    %dot_general3A_26 = arith.constant dense<0.000000e+00> : vector<1x1000xf32>
    %dot_general3A_27 = tpu.matmul %get3A_22, %get3A_25, %dot_general3A_26 {dimension_numbers = #tpu.dot_dimension_numbers<[1], [0], [0], [1], [0, 0, 1, 1], [], []>, precision = #tpu.contract_precision<fp32>, transpose_lhs_hint = false} : vector<1x64xf32>, vector<64x1000xf32>, vector<1x1000xf32> -> vector<1x1000xf32>
    %squeeze3A_28 = vector.shape_cast %dot_general3A_27 : vector<1x1000xf32> to vector<1000xf32>
    %swap3A_29 = arith.constant 0 : index
    %swap3A_30 = vector.load %arg8[%swap3A_29] : memref<1000xf32, #tpu.memory_space<vmem>>, vector<1000xf32>
    tpu.vector_store %arg8[%swap3A_29], %squeeze3A_28 {strides = array<i32>} : memref<1000xf32, #tpu.memory_space<vmem>>, vector<1000xf32>,
    %get3A_31 = arith.constant 0 : index
    %get3A_32 = arith.constant 0 : index
    %get3A_33 = vector.load %arg5[%get3A_31, %get3A_32] : memref<1x64xf32, #tpu.memory_space<vmem>>, vector<1x64xf32>
    %get3A_34 = arith.constant 0 : index
    %get3A_35 = arith.constant 0 : index
    %get3A_36 = vector.load %arg2[%get3A_34, %get3A_35] : memref<64x7000xf32, #tpu.memory_space<vmem>>, vector<64x7000xf32>
    %dot_general3A_37 = arith.constant dense<0.000000e+00> : vector<1x7000xf32>
    %dot_general3A_38 = tpu.matmul %get3A_33, %get3A_36, %dot_general3A_37 {dimension_numbers = #tpu.dot_dimension_numbers<[1], [0], [0], [1], [0, 0, 1, 1], [], []>, precision = #tpu.contract_precision<fp32>, transpose_lhs_hint = false} : vector<1x64xf32>, vector<64x7000xf32>, vector<1x7000xf32> -> vector<1x7000xf32>
    %squeeze3A_39 = vector.shape_cast %dot_general3A_38 : vector<1x7000xf32> to vector<7000xf32>
    %swap3A_40 = arith.constant 0 : index
    %swap3A_41 = vector.load %arg9[%swap3A_40] : memref<7000xf32, #tpu.memory_space<vmem>>, vector<7000xf32>
    tpu.vector_store %arg9[%swap3A_40], %squeeze3A_39 {strides = array<i32>} : memref<7000xf32, #tpu.memory_space<vmem>>, vector<7000xf32>,
    return
  }
}

</mosaic_0001>

<sc_bundles>
// kernel: kernel.5.cloned.1.call-start
scs
__scs_entry_jumppad:
0x0: {  	(pc) =	sbr.rel $0x88, $3  }
0x1: {  	(tag) =	ssettag $0x0;
	lr =	simm.s32 $0x1  }
0x2: {  	[smem:$0x3F91] =	sst lr;
	_ =	strace $0xD0000000  }
0x3: {  	_ = 	snop  }
0x4: {  	_ = 	snop  }
0x5: {  	_ = 	snop  }
0x6: {  	_ = 	snop  }
0x7: {  	_ = 	snop  }
__scs_overlays_trampoline_lowered:
0x8: {  	[smem:$0x3FA0] =	sst s0  }
0x9: {  	[smem:$0x3FA1] =	sst s1  }
0xa: {  	[smem:$0x3FA2] =	sst s2  }
0xb: {  	[smem:$0x3FA3] =	sst s3  }
0xc: {  	[smem:$0x3FA4] =	sst s4  }
0xd: {  	[smem:$0x3FA5] =	sst s5  }
0xe: {  	[smem:$0x3FA6] =	sst s6  }
0xf: {  	[smem:$0x3FA7] =	sst s7  }
0x10: {  	[smem:$0x3FA8] =	sst s8  }
0x11: {  	[smem:$0x3FA9] =	sst s9;
	s0 =	simm.s32 @!p0 $0x0  }
0x12: {  	s1 =	sld [smem:$0x3F8F];
	s0 =	simm.s32 @p0 $0x1  }
0x13: {  	[smem:$0x3FAA] =	sst s0;
	s0 =	simm.s32 @!p1 $0x0  }
0x14: {  	s2 =	sld [smem:$0x3F8E];
	s0 =	simm.s32 @p1 $0x1  }
0x15: {  	[smem:$0x3FAB] =	sst s0;
	s0 =	simm.s32 @!p2 $0x0  }
0x16: {  	s3 =	sld [smem:$0x3FDB];
	s0 =	simm.s32 @p2 $0x1  }
0x17: {  	s4 =	simm.s32 $0x1BF5;
	[smem:$0x3FAD] =	sst s0  }
0x18: {  	s0 =	sld [smem:$0x3F90];
	_ =	swait.ge [sflag:s4], $0x0  }
0x19: {  	s7 =	sld [smem:$0x3F91]  }
0x1a: {  	s8 =	sadd.s32 $0xFFFFE003, lr  }
0x1b: {  	s9 =	sadd.s32 $0xFFFFFEF7, lr;
	s5 =	simm.s32 $0xFFFFFFFF;
	p2 =	slt.u32 s8, $0xFFFFF086  }
0x1c: {  	p1 =	slt.u32 s9, $0xF7A;
	s5 =	simm.s32 @!p2 $0x0  }
0x1d: {  	s5 =	simm.s32 @p1 $0x1;
	p0 =	seq.s32 s7, s2  }
0x1e: {  	s7 =	smul.u32 @!p0 $0xF7A, s2;
	p2 =	seq.s32 @!p0 s5, $0x0  }
0x1f: {  	s9 =	smul.u32 $0xF7A, s1;
	s8 =	simm.s32 @!p0 $0x1BF5;
	p2 =	por !p2, p0  }
0x20: {  	[sflag:s8] =	ssyncset.s32 @!p0 $0xFFFFF086;
	s6 =	sadd.s32 @!p0 s3, s7;
	s7 =	simm.s32 @!p0 $0x108  }
0x21: {  	s3 =	sadd.s32 s3, s9;
	s6 =	sadd.s32 @!p0 $0x88, s6;
	s7 =	simm.s32 @p2 $0x1082  }
0x22: {  	[simem:s7], [sflag:s8] =	dma.local @!p0 [hbm:s6], $0xF7A  }
0x23: {  	s9 =	sor.u32 $0xD0000000, s2;
	s6 =	simm.s32 $0x108;
	_ =	swait.ge @!p0 [sflag:s8], $0x0  }
0x24: {  	s3 =	sadd.s32 $0x88, s3;
	s6 =	simm.s32 @!p1 $0x1082;
	[sflag:s4] =	ssyncset.s32 $0xFFFFF086  }
0x25: {  	[simem:s6], [sflag:s4] =	dma.local [hbm:s3], $0xF7A  }
0x26: {  	[smem:$0x3F91] =	sst s1;
	(tag) =	ssettag s2;
	_ =	strace s9  }
0x27: {  	s1 =	sld [smem:$0x3FA1]  }
0x28: {  	s2 =	sld [smem:$0x3FA2]  }
0x29: {  	s4 =	sld [smem:$0x3FA4]  }
0x2a: {  	p0 =	seq.s32 s5, $0x0;
	s5 =	sld [smem:$0x3FA5]  }
0x2b: {  	s6 =	sld [smem:$0x3FA6]  }
0x2c: {  	s7 =	sld [smem:$0x3FA7]  }
0x2d: {  	s3 =	simm.s32 $0x108;
	s8 =	sld [smem:$0x3FA8]  }
0x2e: {  	s3 =	simm.s32 @!p0 $0x1082;
	s9 =	sld [smem:$0x3FA9]  }
0x2f: {  	lr =	sadd.s32 s0, s3;
	s0 =	sld [smem:$0x3FA0]  }
0x30: {  	s3 =	sld [smem:$0x3FA3]  }
0x31: {  	[smem:$0x3FAC] =	sst s10  }
0x32: {  	s10 =	sld [smem:$0x3FAA];
	_ =	sdelay $0x3  }
0x33: {  	p0 =	seq.s32 s10, $0x1;
	s10 =	sld [smem:$0x3FAC];
	_ =	sdelay $0x3  }
0x34: {  	[smem:$0x3FAC] =	sst s10  }
0x35: {  	s10 =	sld [smem:$0x3FAB];
	_ =	sdelay $0x3  }
0x36: {  	p1 =	seq.s32 s10, $0x1;
	s10 =	sld [smem:$0x3FAC];
	_ =	sdelay $0x3  }
0x37: {  	[smem:$0x3FAC] =	sst s10  }
0x38: {  	s10 =	sld [smem:$0x3FAD]  }
0x39: {  	_ = 	snop;
	(pc) =	sbr.ind lr, $3  }
0x3a: {  	_ = 	snop  }
0x3b: {  	_ = 	snop  }
0x3c: {  	p2 =	seq.s32 s10, $0x1;
	s10 =	sld [smem:$0x3FAC]  }
0x3d: {  	_ =	shalt  }
0x3e: {  	_ =	shalt  }
0x3f: {  	_ =	shalt  }
0x40: {  	_ =	shalt  }
0x41: {  	_ =	shalt  }
0x42: {  	_ =	shalt  }
0x43: {  	_ =	shalt  }
0x44: {  	_ =	shalt  }
0x45: {  	_ =	shalt  }
0x46: {  	_ =	shalt  }
0x47: {  	_ =	shalt  }
0x48: {  	_ =	shalt  }
0x49: {  	_ =	shalt  }
0x4a: {  	_ =	shalt  }
0x4b: {  	_ =	shalt  }
0x4c: {  	_ =	shalt  }
0x4d: {  	_ =	shalt  }
0x4e: {  	_ =	shalt  }
0x4f: {  	_ =	shalt  }
0x50: {  	_ =	shalt  }
0x51: {  	_ =	shalt  }
0x52: {  	_ =	shalt  }
0x53: {  	_ =	shalt  }
0x54: {  	_ =	shalt  }
0x55: {  	_ =	shalt  }
0x56: {  	_ =	shalt  }
0x57: {  	_ =	shalt  }
0x58: {  	_ =	shalt  }
0x59: {  	_ =	shalt  }
0x5a: {  	_ =	shalt  }
0x5b: {  	_ =	shalt  }
0x5c: {  	_ =	shalt  }
0x5d: {  	_ =	shalt  }
0x5e: {  	_ =	shalt  }
0x5f: {  	_ =	shalt  }
0x60: {  	_ =	shalt  }
0x61: {  	_ =	shalt  }
0x62: {  	_ =	shalt  }
0x63: {  	_ =	shalt  }
0x64: {  	_ =	shalt  }
0x65: {  	_ =	shalt  }
0x66: {  	_ =	shalt  }
0x67: {  	_ =	shalt  }
0x68: {  	_ =	shalt  }
0x69: {  	_ =	shalt  }
0x6a: {  	_ =	shalt  }
0x6b: {  	_ =	shalt  }
0x6c: {  	_ =	shalt  }
0x6d: {  	_ =	shalt  }
0x6e: {  	_ =	shalt  }
0x6f: {  	_ =	shalt  }
0x70: {  	_ =	shalt  }
0x71: {  	_ =	shalt  }
0x72: {  	_ =	shalt  }
0x73: {  	_ =	shalt  }
0x74: {  	_ =	shalt  }
0x75: {  	_ =	shalt  }
0x76: {  	_ =	shalt  }
0x77: {  	_ =	shalt  }
0x78: {  	_ =	shalt  }
0x79: {  	_ =	shalt  }
0x7a: {  	_ =	shalt  }
0x7b: {  	_ =	shalt  }
0x7c: {  	_ =	shalt  }
0x7d: {  	_ =	shalt  }
0x7e: {  	_ =	shalt  }
0x7f: {  	_ =	shalt  }
0x80: {  	_ =	shalt  }
0x81: {  	_ =	shalt  }
0x82: {  	_ =	shalt  }
0x83: {  	_ =	shalt  }
0x84: {  	_ =	shalt  }
0x85: {  	_ =	shalt  }
0x86: {  	_ =	shalt  }
0x87: {  	_ =	shalt  }
.Lfunc_end0:
.L_simem_size_0:
called_computation_lowered:
.L_overlay_start_0:
0x88: {  	s2 =	sld [smem:$0x3FD9]  }
0x89: {  	s3 =	sld [smem:$0x3FFE];
	_ =	sdelay $0x1  }
0x8a: {  	s1 =	srdreg.scid  }
0x8b: {  	s0 =	sand.u32 $0x1, s1  }
0x8c: {  	s14 =	sshll.u32 s0, $0xA;
	s2 =	sadd.s32 s3, s2  }
0x8d: {  	s2 =	sadd.s32 s2, s14  }
0x8e: {  	[smem:$0x3FB8] =	sst s2  }
0x8f: {  	_ = 	snop  }
0x90: {  	s2 =	sld [smem:$0x3FD0]  }
0x91: {  	s15 =	sld [smem:$0x3FC9]  }
0x92: {  	s4 =	sld [smem:$0x3FC8]  }
0x93: {  	s6 =	simm.s32 $0xA;
	s7 =	simm.s32 $0x10;
	s5 =	sld [smem:$0x3FC6]  }
0x94: {  	[smem:s7], [sflag:s6] =	dma.local [hbm:s2], $0x1  }
0x95: {  	_ =	swait.eq [sflag:s6], $0x1  }
0x96: {  	s16 =	sld [smem:$0x10]  }
0x97: {  	s17 =	sld [smem:$0x11];
	[sflag:s6] =	ssyncset.done $0x0  }
0x98: {  	s8 =	sld [smem:$0x12];
	[sflag:s6] =	ssyncadd.s32 $0xFFFFFFFF  }
0x99: {  	s18 =	sld [smem:$0x13];
	(tm) =	ssettm $0x1  }
0x9a: {  	s9 =	sld [smem:$0x3FFB];
	_ =	sdelay $0x3  }
0x9b: {  	_ =	strace s9  }
0x9c: {  	s9 =	sld [smem:$0x3FFC];
	_ =	sdelay $0x3  }
0x9d: {  	_ =	strace s9  }
0x9e: {  	s9 =	sld [smem:$0x3FFD];
	_ =	sdelay $0x3  }
0x9f: {  	_ =	strace s9  }
0xa0: {  	_ =	strace $0x8FFFFFFF  }
0xa1: {  	s19 =	sld [smem:$0x3FDB];
	_ =	sdelay $0x1  }
0xa2: {  	s10 =	simm.s32 $_scs_section_size  }
0xa3: {  	s11 =	simm.s32 $_size__tile_overlayer_lowered;
	s12 =	simm.s32 $_tile_overlayer_lowered  }
0xa4: {  	s22 =	simm.s32 $0x1BFF;
	s21 =	sshll.u32 s12, $0x1;
	s9 =	sadd.s32 s10, s19  }
0xa5: {  	s13 =	simm.s32 $0x0;
	s20 =	sshll.u32 s11, $0x1;
	s11 =	sadd.s32 s21, s9  }
0xa6: {  	[timem:s13], [sflag:s22] =	dma.local [hbm:s11], s20  }
0xa7: {  	_ =	swait.ge [sflag:s22], s20  }
0xa8: {  	s10 =	ssub.s32 $0x0, s20;
	[sflag:s22] =	ssyncset.done $0x0  }
0xa9: {  	[sflag:s22] =	ssyncadd.s32 s10;
	_ =	sdelay $0x1  }
0xaa: {  	s23 =	simm.s32 $0x1B8B  }
0xab: {  	_ =	swait.ge [sflag:s23], $0x1  }
0xac: {  	[sflag:s23] =	ssyncset.done $0x0  }
0xad: {  	s25 =	simm.s32 $0x1B8E;
	s24 =	sld [smem:$0x3FFE];
	[sflag:s23] =	ssyncadd.s32 $0xFFFFFFFF  }
0xae: {  	s26 =	simm.s32 $execute0_lowered;
	[smem:$0x3FD2] =	sst s25  }
0xaf: {  	s11 =	sshll.u32 s26, $0x1;
	_ =	strace $0x80000046;
	[dreg:$0x1] =	wrdreg $0xFFFFFFFF  }
0xb0: {  	s28 =	simm.s32 $_size_execute0_lowered;
	s9 =	sadd.s32 s9, s11;
	[dreg:$0x0] =	wrdreg $0x0  }
0xb1: {  	s11 =	sshll.u32 s28, $0x1;
	[dreg:$0x2] =	wrdreg s9  }
0xb2: {  	[dreg:$0x3] =	wrdreg s11  }
0xb3: {  	[dreg:$0x4] =	wrdreg $0xC0  }
0xb4: {  	_ =	task [dreg:s13], $0x5FFFF  }
0xb5: {  	[dreg:$0x1] =	wrdreg $0xFFFFFFFF  }
0xb6: {  	[dreg:$0x0] =	wrdreg $0x60  }
0xb7: {  	[dreg:$0x2] =	wrdreg s15  }
0xb8: {  	[dreg:$0x3] =	wrdreg s4  }
0xb9: {  	[dreg:$0x4] =	wrdreg s5  }
0xba: {  	[dreg:$0x5] =	wrdreg s24  }
0xbb: {  	[dreg:$0x6] =	wrdreg s16  }
0xbc: {  	[dreg:$0x7] =	wrdreg s17  }
0xbd: {  	[dreg:$0x8] =	wrdreg s8  }
0xbe: {  	[dreg:$0x9] =	wrdreg s18  }
0xbf: {  	[dreg:$0xa] =	wrdreg $0x9  }
0xc0: {  	_ =	task.clear_ibuf [dreg:s13], $0xBFFFF;
	_ =	strace $0x90000046  }
0xc1: {  	s29 =	simm.s32 $0x9;
	_ =	strace $0x80000048  }
0xc2: {  	_ =	swait.ge [sflag:s29], $0x1  }
0xc3: {  	[sflag:s29] =	ssyncadd.s32 $0xFFFFFFFF  }
0xc4: {  	_ =	strace $0x90000048  }
0xc5: {  	_ =	sfence  }
0xc6: {  	s30 =	sld [smem:$0x0];
	_ =	sdelay $0x2  }
0xc7: {  	s31 =	sshll.u32 s1, $0xD;
	s1 =	sshrl.u32 s1, $0x2  }
0xc8: {  	s3 =	sand.u32 $0x4000, s31;
	s1 =	sadd.s32 s1, s30  }
0xc9: {  	s0 =	sor.u32 s3, s0;
	s1 =	sshll.u32 s1, $0x11  }
0xca: {  	s0 =	sor.u32 s1, s0  }
0xcb: {  	s0 =	sadd.s32 $0x8F2B, s0  }
0xcc: {  	[sflag:s0] =	ssyncadd.remote.s32 $0x1  }
0xcd: {  	_ =	sfence.sel $0xFFFF  }
0xce: {  	[dreg:$0x0] =	wrdreg $0xFFFFFFFF;
	(pc) =	sbr.abs _section_cstart, $3  }
0xcf: {  	[dreg:$0x1] =	wrdreg $0xFFFFFFFF  }
0xd0: {  	_ =	task.clear_ibuf [dreg:s13], $0x2FFFF;
	_ =	strace $0x9FFFFFFF  }
0xd1: {  	(tm) =	ssettm $0x7FFFFFFF  }
tec
execute0_lowered:
.L_overlay_start_1:
0x0: {  	(tag) =	ssettag $0x1  }
0x1: {  	s7 =	rddreg [dreg:$0x0]  }
0x2: {  	s8 =	rddreg [dreg:$0x1]  }
0x3: {  	s9 =	rddreg [dreg:$0x2];
	v3 =	vlaneseq.u32  }
0x4: {  	s10 =	rddreg [dreg:$0x3];
	v1 =	vmul.u32 $0x8, v3  }
0x5: {  	v0 =	vimm.s32 $0xECA86420;
	s6 =	rddreg [dreg:$0x4]  }
0x6: {  	vm0 =	vcmask $0xB08;
	s5 =	rddreg [dreg:$0x5];
	vm1 =	vcmask $0x1310;
	v4 =	vor.u32 $0x1, v1  }
0x7: {  	vm2 =	vcmask $0x1B18;
	s4 =	rddreg [dreg:$0x6];
	vm3 =	vcmask $0x300;
	v58 =	vor.u32 $0x2, v1;
	[tilespmem:$0x1FEB0] =	vst v4  }
0x8: {  	vm4 =	vcmask $0x2320;
	s3 =	rddreg [dreg:$0x7];
	vm5 =	vcmask $0x2B28;
	v59 =	vor.u32 $0x3, v1;
	[tilespmem:$0x1FEC0] =	vst v58  }
0x9: {  	vm6 =	vcmask $0x3330;
	s0 =	rddreg [dreg:$0x8];
	vm7 =	vcmask $0x3B38;
	v60 =	vor.u32 $0x4, v1;
	[tilespmem:$0x1FED0] =	vst v59  }
0xa: {  	vm8 =	vmmov $0xff;
	s2 =	simm.s32 $0x0;
	s11 =	srdreg.scid;
	s1 =	stileid.u32;
	v0 =	vunpack.c.l.s4.s8 v0;
	v61 =	vor.u32 $0x5, v1;
	[tilespmem:$0x1FEE0] =	vst v60  }
0xb: {  	v2 =	vmul.u32 $0x2, v3;
	[smem:$0x7FF] =	sst s2;
	s11 =	sand.u32 $0x1, s11;
	s12 =	sshll.u32 s1, $0x1;
	v10 =	vmul.u32 $0x32, v3;
	v62 =	vor.u32 $0x6, v1;
	[tilespmem:$0x1FEF0] =	vst v61  }
0xc: {  	s13 =	sadd.s32 $0x9200, s10;
	s31 =	sadd.s32 $0x27C00, s10;
	s12 =	sor.u32 s11, s12;
	v0 =	vunpack.c.0.s8.s32 v0;
	v63 =	vor.u32 $0x7, v1;
	v3 =	vor.u32 $0x80, v1;
	[tilespmem:$0x1FF00] =	vst v62  }
0xd: {  	s14 =	sshll.u32 s12, $0x4;
	v25 =	vor.u32 $0x105, v1;
	v26 =	vor.u32 $0x106, v1;
	v27 =	vor.u32 $0x107, v1;
	_ =	strace $0x80000047;
	[dreg:$0x9] =	wrdreg s13  }
0xe: {  	v28 =	vadd.s32 $0x640, v10;
	v29 =	vor.u32 $0x180, v1;
	v30 =	vor.u32 $0x181, v1;
	s7 =	sadd.s32 s7, s14;
	[dreg:$0xa] =	wrdreg s31  }
0xf: {  	v31 =	vor.u32 $0x182, v1;
	v32 =	vor.u32 $0x183, v1;
	v33 =	vor.u32 $0x184, v1;
	s16 =	sadd.s32 s8, s14;
	[tilespmem:$0x1FF10] =	vst v63;
	[dreg:$0xb] =	wrdreg s7  }
0x10: {  	v34 =	vor.u32 $0x185, v1;
	v35 =	vor.u32 $0x186, v1;
	s18 =	sadd.s32 s9, s14;
	[tilespmem:$0x1FF20] =	vst v3;
	v3 =	vor.u32 $0x81, v1;
	[dreg:$0xc] =	wrdreg s16  }
0x11: {  	s25 =	simm.s32 $0x100;
	v36 =	vor.u32 $0x187, v1;
	v37 =	vadd.s32 $0x960, v10;
	s6 =	sadd.s32 s6, s14;
	[dreg:$0xd] =	wrdreg s18;
	[tilespmem:$0x1FF30] =	vst v3;
	v3 =	vor.u32 $0x82, v1  }
0x12: {  	s26 =	simm.s32 $0x1E80;
	v38 =	vor.u32 $0x200, v1;
	v39 =	vor.u32 $0x201, v1;
	s5 =	sadd.s32 s5, s14;
	[dreg:$0x10] =	wrdreg s6;
	[tilespmem:$0x1FF40] =	vst v3;
	v3 =	vor.u32 $0x83, v1  }
0x13: {  	s28 =	simm.s32 $0x8D00;
	v40 =	vor.u32 $0x202, v1;
	v41 =	vor.u32 $0x203, v1;
	s4 =	sadd.s32 s4, s14;
	[dreg:$0x11] =	wrdreg s5;
	[tilespmem:$0x1FF50] =	vst v3;
	v3 =	vor.u32 $0x84, v1  }
0x14: {  	s29 =	simm.s32 $0x8D80;
	v42 =	vor.u32 $0x204, v1;
	v43 =	vor.u32 $0x205, v1;
	s3 =	sadd.s32 s3, s14;
	[dreg:$0x12] =	wrdreg s4;
	[tilespmem:$0x1FF60] =	vst v3;
	v3 =	vor.u32 $0x85, v1  }
0x15: {  	s30 =	simm.s32 $0x8E00;
	s22 =	ssub.s32 $0x2, s11;
	v44 =	vor.u32 $0x206, v1;
	v45 =	vor.u32 $0x207, v1;
	[dreg:$0x13] =	wrdreg s3;
	[tilespmem:$0x1FF70] =	vst v3;
	v3 =	vor.u32 $0x86, v1  }
0x16: {  	s15 =	sshll.u32 s12, $0x7;
	s12 =	smul.u32 $0x320, s12;
	v46 =	vadd.s32 $0xC80, v10;
	v47 =	vor.u32 $0x280, v1;
	[dreg:$0x14] =	wrdreg s25;
	[tilespmem:$0x1FF80] =	vst v3;
	v3 =	vor.u32 $0x87, v1  }
0x17: {  	s23 =	sshrl.u32 s22, $0x1;
	v48 =	vor.u32 $0x281, v1;
	v49 =	vor.u32 $0x282, v1;
	s17 =	sadd.s32 s15, s10;
	[dreg:$0x15] =	wrdreg s26;
	[tilespmem:$0x1FF90] =	vst v3;
	v3 =	vadd.s32 $0x320, v10  }
0x18: {  	v50 =	vor.u32 $0x283, v1;
	v51 =	vor.u32 $0x284, v1;
	s24 =	ssub.s32 s22, s23;
	s8 =	simm.s32 $0x1F00;
	[dreg:$0x16] =	wrdreg s28;
	[tilespmem:$0x1FFA0] =	vst v3;
	v3 =	vor.u32 $0x100, v1  }
0x19: {  	v52 =	vor.u32 $0x285, v1;
	v53 =	vor.u32 $0x286, v1;
	s9 =	simm.s32 $0x1;
	s19 =	sadd.s32 s12, s10;
	[dreg:$0x17] =	wrdreg s29;
	[tilespmem:$0x1FFB0] =	vst v3;
	v3 =	vor.u32 $0x101, v1  }
0x1a: {  	v54 =	vor.u32 $0x287, v1;
	v55 =	vadd.s32 $0xFA0, v10;
	s20 =	sadd.s32 $0x1E00, s17;
	s3 =	smax.u32 s24, $0x1;
	[dreg:$0x18] =	wrdreg s30;
	[tilespmem:$0x1FFC0] =	vst v3;
	v3 =	vor.u32 $0x102, v1  }
0x1b: {  	v56 =	vor.u32 $0x300, v1;
	v57 =	vor.u32 $0x301, v1;
	s4 =	simm.s32 $0x2;
	s31 =	simm.s32 $0x8E80;
	[dreg:$0xe] =	wrdreg s20;
	[tilespmem:$0x1FFD0] =	vst v3;
	v3 =	vor.u32 $0x103, v1  }
0x1c: {  	v58 =	vor.u32 $0x302, v1;
	v59 =	vor.u32 $0x303, v1;
	s5 =	simm.s32 $0x80;
	s21 =	sadd.s32 $0x2E00, s19;
	[dreg:$0x19] =	wrdreg s31;
	[tilespmem:$0x1FFE0] =	vst v3;
	v3 =	vor.u32 $0x104, v1  }
0x1d: {  	v60 =	vor.u32 $0x304, v1;
	v61 =	vor.u32 $0x305, v1;
	v62 =	vor.u32 $0x306, v1;
	s6 =	simm.s32 $0x180;
	s7 =	simm.s32 $0x580;
	[dreg:$0xf] =	wrdreg s21;
	[tilespmem:$0x1FFF0] =	vst v3  }
.LBB2_1:
0x1e: {  	s10 =	rddreg [dreg:$0xb]  }
0x1f: {  	[tilespmem:s2], [sflag:$0x2] =	stream.linear.gather [hbm4b:s10+s2], $0x80, $0x38;
	[tilespmem:$0x8F00] =	vst v63  }
0x20: {  	_ =	swait.ge [sflag:s4], $0x80  }
0x21: {  	[sflag:s4] =	ssyncset.done $0x0  }
0x22: {  	s19 =	rddreg [dreg:$0xc];
	[sflag:s4] =	ssyncadd.s32 $0xFFFFFF80  }
0x23: {  	[tilespmem:s5], [sflag:$0x2] =	stream.linear.gather [hbm4b:s19+s2], $0x80, $0x38;
	[tilespmem:$0x8F00] =	vst v63  }
0x24: {  	_ =	swait.ge [sflag:s4], $0x80  }
0x25: {  	s20 =	rddreg [dreg:$0xd];
	[sflag:s4] =	ssyncset.done $0x0  }
0x26: {  	s11 =	rddreg [dreg:$0x14];
	[sflag:s4] =	ssyncadd.s32 $0xFFFFFF80  }
0x27: {  	[tilespmem:s11], [sflag:$0x2] =	stream.linear.gather [hbm4b:s20+s2], $0x80, $0x38;
	[tilespmem:$0x8F00] =	vst v63  }
0x28: {  	_ =	swait.ge [sflag:s4], $0x80  }
0x29: {  	[sflag:s4] =	ssyncset.done $0x0  }
0x2a: {  	s21 =	rddreg [dreg:$0xe];
	[sflag:s4] =	ssyncadd.s32 $0xFFFFFF80  }
0x2b: {  	[tilespmem:s6], [sflag:$0x2] =	stream.linear.gather [hbm4b:s21+s2], $0x400, $0x38;
	[tilespmem:$0x8F00] =	vst v63  }
0x2c: {  	_ =	swait.ge [sflag:s4], $0x400  }
0x2d: {  	[sflag:s4] =	ssyncset.done $0x0  }
0x2e: {  	s22 =	rddreg [dreg:$0xf];
	[sflag:s4] =	ssyncadd.s32 $0xFFFFFC00  }
0x2f: {  	[tilespmem:s7], [sflag:$0x2] =	stream.linear.gather [hbm4b:s22+s2], $0x1900, $0x38;
	[tilespmem:$0x8F00] =	vst v63  }
0x30: {  	_ =	swait.ge [sflag:s4], $0x1900  }
0x31: {  	[sflag:s4] =	ssyncset.done $0x0  }
0x32: {  	s23 =	rddreg [dreg:$0xa];
	[sflag:s4] =	ssyncadd.s32 $0xFFFFE700  }
0x33: {  	[tilespmem:s8], [sflag:$0x2] =	stream.linear.gather [hbm4b:s23+s2], $0x6E00, $0x38;
	[tilespmem:$0x8F00] =	vst v63  }
0x34: {  	_ =	swait.ge [sflag:s4], $0x6E00  }
0x35: {  	[sflag:s4] =	ssyncset.done $0x0  }
0x36: {  	[sflag:s4] =	ssyncadd.s32 $0xFFFF9200  }
0x37: {  	s24 =	rddreg [dreg:$0x9];
	v3 =	vld [tilespmem:$0x8CB0]  }
0x38: {  	s25 =	rddreg [dreg:$0x15];
	v4 =	vld [tilespmem:$0x8CC0]  }
0x39: {  	v63 =	vld [tilespmem:$0x8CD0];
	[tilespmem:s25], [sflag:$0x1] =	stream.indirect.gather [hbm4b:s24+s5], $0x1, s2, s5, $0xb8  }
0x3a: {  	_ =	swait.ge [sflag:s9], $0x80  }
0x3b: {  	[sflag:s9] =	ssyncset.done $0x0  }
0x3c: {  	[sflag:s9] =	ssyncadd.s32 $0xFFFFFF80  }
0x3d: {  	v5 =	vld [tilespmem:$0x100];
	_ =	sdelay $0x4  }
0x3e: {  	(v2sf) =	vpush v5, $0xD;
	_ =	sdelay $0x1  }
0x3f: {  	(v2sf) =	vpush v5, $0xC;
	_ =	sdelay $0x1  }
0x40: {  	(v2sf) =	vpush v5, $0xE;
	_ =	sdelay $0x1  }
0x41: {  	(v2sf) =	vpush v5, $0xF;
	_ =	sdelay $0x1  }
0x42: {  	(v2sf) =	vpush v5, $0x9;
	_ =	sdelay $0x1  }
0x43: {  	(v2sf) =	vpush v5, $0x8;
	_ =	sdelay $0x1  }
0x44: {  	(v2sf) =	vpush v5, $0xA;
	_ =	sdelay $0x1  }
0x45: {  	(v2sf) =	vpush v5, $0xB  }
0x46: {  	s26 =	spop (v2sf)  }
0x47: {  	(v2sf) =	vpush v5, $0x1;
	s28 =	smulhi.u32 $0x92492493, s26;
	s12 =	sshra.s32 s26, $0x1F  }
0x48: {  	s13 =	spop (v2sf);
	s12 =	smul.u32 $0x92492493, s12  }
0x49: {  	(v2sf) =	vpush v5, $0x0;
	s14 =	smulhi.u32 $0x92492493, s13;
	s15 =	sshra.s32 s13, $0x1F  }
0x4a: {  	s16 =	spop (v2sf);
	s15 =	smul.u32 $0x92492493, s15  }
0x4b: {  	(v2sf) =	vpush v5, $0x2;
	s10 =	ssub.s32 s28, s26;
	s29 =	smulhi.u32 $0x92492493, s16;
	s17 =	sshra.s32 s16, $0x1F  }
0x4c: {  	s31 =	spop (v2sf);
	s10 =	sadd.s32 s12, s10;
	s30 =	smul.u32 $0x92492493, s17  }
0x4d: {  	(v2sf) =	vpush v5, $0x3;
	s13 =	ssub.s32 s14, s13;
	s21 =	smulhi.u32 $0x92492493, s31;
	s18 =	sshra.s32 s31, $0x1F  }
0x4e: {  	s23 =	spop (v2sf);
	s13 =	sadd.s32 s15, s13;
	s22 =	smul.u32 $0x92492493, s18  }
0x4f: {  	(v2sf) =	vpush v5, $0x4;
	s11 =	ssub.s32 s29, s16;
	s24 =	smulhi.u32 $0x92492493, s23;
	s19 =	sshra.s32 s23, $0x1F  }
0x50: {  	s20 =	spop (v2sf);
	s11 =	sadd.s32 s30, s11;
	s19 =	smul.u32 $0x92492493, s19  }
0x51: {  	(v2sf) =	vpush v5, $0x5;
	s25 =	ssub.s32 s21, s31;
	s26 =	smulhi.u32 $0x92492493, s20;
	s28 =	sshra.s32 s20, $0x1F  }
0x52: {  	s30 =	spop (v2sf);
	s12 =	sadd.s32 s22, s25;
	s29 =	smul.u32 $0x92492493, s28  }
0x53: {  	(v2sf) =	vpush v5, $0x6;
	s16 =	ssub.s32 s24, s23;
	s31 =	smulhi.u32 $0x92492493, s30;
	s21 =	sshra.s32 s30, $0x1F  }
0x54: {  	s24 =	spop (v2sf);
	s16 =	sadd.s32 s19, s16;
	s21 =	smul.u32 $0x92492493, s21  }
0x55: {  	(v2sf) =	vpush v5, $0x7;
	s14 =	ssub.s32 s26, s20;
	s25 =	smulhi.u32 $0x92492493, s24;
	s22 =	sshra.s32 s24, $0x1F  }
0x56: {  	s14 =	sadd.s32 s29, s14;
	s28 =	smul.u32 $0x92492493, s22;
	s29 =	spop (v2sf)  }
0x57: {  	s17 =	ssub.s32 s31, s30;
	s30 =	smulhi.u32 $0x92492493, s29;
	s23 =	sshra.s32 s29, $0x1F  }
0x58: {  	s17 =	sadd.s32 s21, s17;
	s26 =	spop (v2sf);
	s23 =	smul.u32 $0x92492493, s23  }
0x59: {  	s20 =	ssub.s32 s25, s24;
	s31 =	smulhi.u32 $0x92492493, s26;
	s24 =	sshra.s32 s26, $0x1F  }
0x5a: {  	s15 =	sadd.s32 s28, s20;
	s28 =	spop (v2sf);
	s24 =	smul.u32 $0x92492493, s24  }
0x5b: {  	s18 =	ssub.s32 s30, s29;
	s29 =	smulhi.u32 $0x92492493, s28;
	s25 =	sshra.s32 s28, $0x1F  }
0x5c: {  	s30 =	spop (v2sf);
	s18 =	sadd.s32 s23, s18;
	s25 =	smul.u32 $0x92492493, s25  }
0x5d: {  	s21 =	ssub.s32 s31, s26;
	s31 =	smulhi.u32 $0x92492493, s30;
	s26 =	sshra.s32 s30, $0x1F  }
0x5e: {  	s20 =	sadd.s32 s24, s21;
	s21 =	smul.u32 $0x92492493, s26;
	s26 =	spop (v2sf)  }
0x5f: {  	s22 =	ssub.s32 s29, s28;
	s29 =	smulhi.u32 $0x92492493, s26;
	s28 =	sshra.s32 s26, $0x1F  }
0x60: {  	s19 =	sadd.s32 s25, s22;
	s22 =	smul.u32 $0x92492493, s28;
	s28 =	spop (v2sf)  }
0x61: {  	v6 =	vmov s20;
	s30 =	ssub.s32 s31, s30;
	s23 =	smulhi.u32 $0x92492493, s28;
	s31 =	sshra.s32 s28, $0x1F  }
0x62: {  	v6 =	vnsel vm3, $0x0, v6;
	s20 =	sadd.s32 s21, s30;
	s25 =	spop (v2sf);
	s21 =	smul.u32 $0x92492493, s31  }
0x63: {  	v6 =	vsel vm0, s18, v6;
	s29 =	ssub.s32 s29, s26;
	s30 =	smulhi.u32 $0x92492493, s25;
	s31 =	sshra.s32 s25, $0x1F  }
0x64: {  	v7 =	vmov s13;
	v8 =	vmov s14;
	v6 =	vsel vm1, s19, v6;
	s14 =	sadd.s32 s22, s29;
	s22 =	spop (v2sf);
	s18 =	smul.u32 $0x92492493, s31  }
0x65: {  	v7 =	vsel vm0, s10, v7;
	v8 =	vsel vm0, s16, v8;
	v6 =	vsel vm2, s20, v6;
	s26 =	ssub.s32 s23, s28;
	s28 =	smulhi.u32 $0x92492493, s22;
	s29 =	sshra.s32 s22, $0x1F  }
0x66: {  	v7 =	vsel vm1, s11, v7;
	v8 =	vsel vm1, s17, v8;
	v6 =	vsel vm4, s14, v6;
	s10 =	sadd.s32 s21, s26;
	s30 =	ssub.s32 s30, s25;
	s31 =	smul.u32 $0x92492493, s29  }
0x67: {  	v7 =	vsel vm2, s12, v7;
	v8 =	vsel vm2, s15, v8;
	v6 =	vsel vm5, s10, v6;
	s17 =	sadd.s32 s18, s30;
	s18 =	ssub.s32 s28, s22  }
0x68: {  	v7 =	vcombine.low v8, v7;
	v6 =	vsel vm6, s17, v6;
	s19 =	sadd.s32 s31, s18  }
0x69: {  	v6 =	vsel vm7, s19, v6  }
0x6a: {  	v7 =	vperm.xlane v7, v0;
	v6 =	vperm.xlane v6, v2;
	_ =	sdelay $0x1  }
0x6b: {  	v6 =	vsel vm8, v6, v7  }
0x6c: {  	v6 =	vadd.s32 v5, v6  }
0x6d: {  	v8 =	vshrl.u32 v6, $0x1F;
	v6 =	vshra.s32 v6, $0x2  }
0x6e: {  	v6 =	vadd.s32 v8, v6;
	v8 =	vld [tilespmem:$0x1FEB0]  }
0x6f: {  	v18 =	vld [tilespmem:$0x1FEC0];
	_ =	sdelay $0x5  }
0x70: {  	v17 =	vld.idx.msk [tilespmem:v1+s6+$0x0], $0xffff;
	v6 =	vmul.u32 $0x7, v6  }
0x71: {  	v8 =	vld.idx.msk [tilespmem:v8+s6+$0x0], $0xffff  }
0x72: {  	v12 =	vsub.s32 v5, v6;
	v6 =	vld.idx.msk [tilespmem:v18+s6+$0x0], $0xffff;
	_ =	sdelay $0x2  }
0x73: {  	vm9 =	vlt.s32 v17, $0x1  }
0x74: {  	v13 =	vnsel vm9, $0x1, v17;
	vm9 =	vlt.s32 v8, $0x1  }
0x75: {  	v21 =	vnsel vm9, $0x1, v8;
	vm9 =	vlt.s32 v6, $0x1  }
0x76: {  	v16 =	vmul.u32 $0x7, v6;
	v18 =	vnsel vm9, $0x1, v6;
	v6 =	vadd.s32 $0x4E22, v6;
	_ =	sdelay $0x2  }
0x77: {  	v19 =	vld [tilespmem:$0x1FED0]  }
0x78: {  	v16 =	vadd.s32 v12, v16  }
0x79: {  	v16 =	vmul.u32 v18, v16;
	v18 =	vld.idx.msk [tilespmem:v6+s8+$0x0], $0xffff  }
0x7a: {  	v11 =	vmul.u32 $0x7, v17;
	v6 =	vld [tilespmem:$0x110]  }
0x7b: {  	v9 =	vld [tilespmem:$0x80]  }
0x7c: {  	v11 =	vadd.s32 v12, v11  }
0x7d: {  	v15 =	vadd.s32 $0x4E22, v17;
	v11 =	vmul.u32 v13, v11;
	_ =	sdelay $0x1  }
0x7e: {  	v13 =	vld.idx.msk [tilespmem:v19+s6+$0x0], $0xffff;
	v11 =	vadd.s32 $0x520A, v11;
	(v2sf) =	vpush v6, $0xD  }
0x7f: {  	(v2sf) =	vpush v6, $0xC  }
0x80: {  	v20 =	vmul.u32 $0x7, v8  }
0x81: {  	v15 =	vld.idx.msk [tilespmem:v15+s8+$0x0], $0xffff  }
0x82: {  	v14 =	vadd.s32 $0x2711, v5;
	v7 =	vld.idx.msk [tilespmem:v9+s8+$0x0], $0xffff;
	v5 =	vadd.s32 v12, v20  }
0x83: {  	v11 =	vld.idx.msk [tilespmem:v11+s8+$0x0], $0xffff;
	v17 =	vadd.s32 $0x4E22, v8;
	vm9 =	vlt.s32 v13, $0x1;
	v8 =	vmul.u32 v21, v5  }
0x84: {  	v19 =	vmul.u32 $0x7, v13;
	v20 =	vld [tilespmem:$0x1FEF0];
	v23 =	vnsel vm9, $0x1, v13;
	v13 =	vadd.s32 $0x4E22, v13  }
0x85: {  	v21 =	vld [tilespmem:$0x1FEE0];
	v9 =	vadd.s32 $0x520A, v8  }
0x86: {  	v22 =	vadd.s32 v12, v19;
	v5 =	vld [tilespmem:$0x1E80];
	v16 =	vadd.s32 $0x520A, v16;
	(v2sf) =	vpush v6, $0xE  }
0x87: {  	v8 =	vld.idx.msk [tilespmem:v14+s8+$0x0], $0xffff;
	v14 =	vmul.u32 v23, v22  }
0x88: {  	v17 =	vld.idx.msk [tilespmem:v17+s8+$0x0], $0xffff;
	(v2sf) =	vpush v6, $0xF  }
0x89: {  	v14 =	vadd.s32 $0x520A, v14;
	v13 =	vld.idx.msk [tilespmem:v13+s8+$0x0], $0xffff;
	(v2sf) =	vpush v6, $0x9  }
0x8a: {  	v9 =	vld.idx.msk [tilespmem:v9+s8+$0x0], $0xffff;
	(v2sf) =	vpush v6, $0x8  }
0x8b: {  	v16 =	vld.idx.msk [tilespmem:v16+s8+$0x0], $0xffff;
	(v2sf) =	vpush v6, $0xA  }
0x8c: {  	v20 =	vld.idx.msk [tilespmem:v20+s6+$0x0], $0xffff;
	(v2sf) =	vpush v6, $0xB  }
0x8d: {  	v19 =	vld.idx.msk [tilespmem:v21+s6+$0x0], $0xffff;
	(v2sf) =	vpush v6, $0x1;
	s20 =	spop (v2sf)  }
0x8e: {  	v14 =	vld.idx.msk [tilespmem:v14+s8+$0x0], $0xffff;
	(v2sf) =	vpush v6, $0x0;
	s23 =	spop (v2sf)  }
0x8f: {  	v22 =	vld [tilespmem:$0x1FF00];
	_ =	sdelay $0x2  }
0x90: {  	s21 =	smulhi.u32 $0x92492493, s20;
	s22 =	sshra.s32 s20, $0x1F  }
0x91: {  	v15 =	vadd.f32 $0.0e+00, v15;
	s12 =	smul.u32 $0x92492493, s22;
	v23 =	vld [tilespmem:$0x1FF10]  }
0x92: {  	s24 =	smulhi.u32 $0x92492493, s23;
	s25 =	sshra.s32 s23, $0x1F  }
0x93: {  	v15 =	vadd.f32 v17, v15;
	s26 =	spop (v2sf);
	s15 =	smul.u32 $0x92492493, s25  }
0x94: {  	v11 =	vadd.f32 $0.0e+00, v11;
	(v2sf) =	vpush v6, $0x2;
	s10 =	ssub.s32 s21, s20;
	s28 =	smulhi.u32 $0x92492493, s26;
	s29 =	sshra.s32 s26, $0x1F  }
0x95: {  	v15 =	vadd.f32 v18, v15;
	v21 =	vmul.u32 $0x7, v19;
	s31 =	spop (v2sf);
	s10 =	sadd.s32 s12, s10;
	s30 =	smul.u32 $0x92492493, s29;
	v17 =	vld.idx.msk [tilespmem:v22+s6+$0x0], $0xffff  }
0x96: {  	v9 =	vadd.f32 v9, v11;
	vm9 =	vlt.s32 v19, $0x1;
	(v2sf) =	vpush v6, $0x3;
	s20 =	ssub.s32 s24, s23;
	s21 =	smulhi.u32 $0x92492493, s31;
	s22 =	sshra.s32 s31, $0x1F  }
0x97: {  	v21 =	vadd.s32 v12, v21;
	s23 =	spop (v2sf);
	(v2sf) =	vpush v6, $0x4;
	s11 =	sadd.s32 s15, s20;
	s14 =	smul.u32 $0x92492493, s22;
	v22 =	vnsel vm9, $0x1, v19  }
0x98: {  	s16 =	ssub.s32 s28, s26;
	s24 =	smulhi.u32 $0x92492493, s23;
	s25 =	sshra.s32 s23, $0x1F;
	(v2sf) =	vpush v6, $0x5;
	v11 =	vmul.u32 v22, v21;
	v21 =	vmul.u32 $0x7, v20  }
0x99: {  	v18 =	vadd.s32 $0x4E22, v19;
	s28 =	spop (v2sf);
	s12 =	sadd.s32 s30, s16;
	s26 =	smul.u32 $0x92492493, s25;
	(v2sf) =	vpush v6, $0x6;
	v19 =	vld.idx.msk [tilespmem:v23+s6+$0x0], $0xffff;
	vm9 =	vlt.s32 v20, $0x1  }
0x9a: {  	s13 =	ssub.s32 s21, s31;
	s29 =	smulhi.u32 $0x92492493, s28;
	s30 =	sshra.s32 s28, $0x1F;
	v22 =	vnsel vm9, $0x1, v20;
	v21 =	vadd.s32 v12, v21;
	v23 =	vmul.u32 $0x7, v17  }
0x9b: {  	s31 =	spop (v2sf);
	s13 =	sadd.s32 s14, s13;
	s20 =	smul.u32 $0x92492493, s30;
	v20 =	vadd.s32 $0x4E22, v20;
	v21 =	vmul.u32 v22, v21;
	vm9 =	vlt.s32 v17, $0x1  }
0x9c: {  	s22 =	ssub.s32 s24, s23;
	s23 =	smulhi.u32 $0x92492493, s31;
	s24 =	sshra.s32 s31, $0x1F;
	v11 =	vadd.s32 $0x520A, v11;
	v22 =	vadd.s32 v12, v23;
	v23 =	vnsel vm9, $0x1, v17  }
0x9d: {  	s25 =	spop (v2sf);
	s14 =	sadd.s32 s26, s22;
	s17 =	smul.u32 $0x92492493, s24;
	v21 =	vadd.s32 $0x520A, v21;
	v22 =	vmul.u32 v23, v22  }
0x9e: {  	(v2sf) =	vpush v6, $0x7;
	s28 =	ssub.s32 s29, s28;
	s29 =	smulhi.u32 $0x92492493, s25;
	s30 =	sshra.s32 s25, $0x1F;
	v17 =	vadd.s32 $0x4E22, v17;
	v23 =	vmul.u32 $0x7, v19  }
0x9f: {  	v18 =	vld.idx.msk [tilespmem:v18+s8+$0x0], $0xffff;
	s16 =	sadd.s32 s20, s28;
	s19 =	smul.u32 $0x92492493, s30;
	s20 =	spop (v2sf);
	vm9 =	vlt.s32 v19, $0x1;
	v22 =	vadd.s32 $0x520A, v22  }
0xa0: {  	s15 =	ssub.s32 s23, s31;
	s31 =	smulhi.u32 $0x92492493, s20;
	s26 =	sshra.s32 s20, $0x1F;
	v20 =	vld.idx.msk [tilespmem:v20+s8+$0x0], $0xffff;
	v12 =	vadd.s32 v12, v23;
	v23 =	vnsel vm9, $0x1, v19;
	v19 =	vadd.s32 $0x4E22, v19  }
0xa1: {  	s15 =	sadd.s32 s17, s15;
	s23 =	smul.u32 $0x92492493, s26;
	s24 =	spop (v2sf);
	v11 =	vld.idx.msk [tilespmem:v11+s8+$0x0], $0xffff  }
0xa2: {  	v13 =	vadd.f32 v13, v15;
	v9 =	vadd.f32 v16, v9;
	s28 =	ssub.s32 s29, s25;
	s29 =	smulhi.u32 $0x92492493, s24;
	s25 =	sshra.s32 s24, $0x1F;
	v12 =	vmul.u32 v23, v12;
	v15 =	vld.idx.msk [tilespmem:v21+s8+$0x0], $0xffff  }
0xa3: {  	s17 =	sadd.s32 s19, s28;
	s26 =	smul.u32 $0x92492493, s25;
	s30 =	spop (v2sf);
	v21 =	vld.idx.msk [tilespmem:v17+s8+$0x0], $0xffff  }
0xa4: {  	v9 =	vadd.f32 v14, v9;
	v13 =	vadd.f32 v18, v13;
	s20 =	ssub.s32 s31, s20;
	s31 =	smulhi.u32 $0x92492493, s30;
	s28 =	sshra.s32 s30, $0x1F;
	v12 =	vadd.s32 $0x520A, v12;
	v22 =	vld.idx.msk [tilespmem:v22+s8+$0x0], $0xffff  }
0xa5: {  	s20 =	sadd.s32 s23, s20;
	s25 =	spop (v2sf);
	s23 =	smul.u32 $0x92492493, s28;
	v23 =	vld.idx.msk [tilespmem:v19+s8+$0x0], $0xffff  }
0xa6: {  	s18 =	ssub.s32 s29, s24;
	s24 =	smulhi.u32 $0x92492493, s25;
	s29 =	sshra.s32 s25, $0x1F;
	v9 =	vadd.f32 v11, v9;
	v11 =	vadd.f32 v20, v13  }
0xa7: {  	v7 =	vadd.f32 v8, v7;
	s18 =	sadd.s32 s26, s18;
	s26 =	spop (v2sf);
	s19 =	smul.u32 $0x92492493, s29  }
0xa8: {  	s21 =	ssub.s32 s31, s30;
	s30 =	smulhi.u32 $0x92492493, s26;
	s31 =	sshra.s32 s26, $0x1F;
	v8 =	vadd.f32 v15, v9;
	v9 =	vadd.f32 v21, v11  }
0xa9: {  	v5 =	vadd.f32 v7, v5;
	s28 =	spop (v2sf);
	s21 =	sadd.s32 s23, s21;
	s23 =	smul.u32 $0x92492493, s31;
	v12 =	vld.idx.msk [tilespmem:v12+s8+$0x0], $0xffff  }
0xaa: {  	s25 =	ssub.s32 s24, s25;
	s24 =	smulhi.u32 $0x92492493, s28;
	s29 =	sshra.s32 s28, $0x1F;
	v21 =	vadd.f32 v22, v8;
	v8 =	vadd.f32 v23, v9;
	v9 =	vmov s18  }
0xab: {  	v5 =	vadd.f32 v5, v3;
	s18 =	sadd.s32 s19, s25;
	s19 =	smul.u32 $0x92492493, s29;
	s25 =	spop (v2sf);
	v9 =	vnsel vm3, $0x0, v9  }
0xac: {  	s30 =	ssub.s32 s30, s26;
	v22 =	vmov s11;
	v23 =	vmov s16;
	s22 =	smulhi.u32 $0x92492493, s25;
	s31 =	sshra.s32 s25, $0x1F;
	v9 =	vsel vm0, s20, v9  }
0xad: {  	v11 =	vld.idx.msk [tilespmem:v10+s7+$0x0], $0xffff;
	s26 =	spop (v2sf);
	v13 =	vsel vm0, s14, v23;
	v8 =	vmul.f32 $1.250000000e-01, v8;
	v9 =	vsel vm1, s21, v9;
	s21 =	sadd.s32 s23, s30;
	s23 =	smul.u32 $0x92492493, s31  }
0xae: {  	s29 =	ssub.s32 s24, s28;
	v7 =	vadd.f32 v12, v21;
	v12 =	vsel vm0, s10, v22;
	s30 =	smulhi.u32 $0x92492493, s26;
	s31 =	sshra.s32 s26, $0x1F;
	v9 =	vsel vm2, s18, v9  }
0xaf: {  	v13 =	vsel vm1, s15, v13;
	s10 =	sadd.s32 s19, s29;
	v12 =	vsel vm1, s12, v12;
	s12 =	ssub.s32 s22, s25;
	s15 =	smul.u32 $0x92492493, s31;
	v9 =	vsel vm4, s21, v9  }
0xb0: {  	v16 =	vld [tilespmem:$0x1FF20];
	v13 =	vsel vm2, s17, v13;
	v8 =	vadd.f32 v8, v4;
	s17 =	sadd.s32 s23, s12;
	s18 =	ssub.s32 s30, s26;
	v9 =	vsel vm5, s10, v9  }
0xb1: {  	v7 =	vmul.f32 $1.250000000e-01, v7;
	v12 =	vsel vm2, s13, v12;
	s19 =	sadd.s32 s15, s18;
	v9 =	vsel vm6, s17, v9  }
0xb2: {  	[tilespmem:$0x8D00] =	vst v11;
	v11 =	vcombine.low v13, v12;
	v12 =	vmax.f32 v8, $0.0e+00;
	v8 =	vsel vm7, s19, v9;
	v9 =	vld [tilespmem:$0x1FF30]  }
0xb3: {  	v19 =	vld [tilespmem:$0x1FF40]  }
0xb4: {  	v5 =	vmax.f32 v5, $0.0e+00;
	v7 =	vadd.f32 v7, v63  }
0xb5: {  	[tilespmem:$0x8D80] =	vst v5  }
0xb6: {  	[tilespmem:$0x8E00] =	vst v12;
	v14 =	vperm.xlane v11, v0;
	v13 =	vmax.f32 v7, $0.0e+00;
	v8 =	vperm.xlane v8, v2  }
0xb7: {  	[tilespmem:$0x8E80] =	vst v13  }
0xb8: {  	v15 =	vsel vm8, v8, v14;
	v7 =	vld.idx.msk [tilespmem:v16+s6+$0x0], $0xffff  }
0xb9: {  	v22 =	vld [tilespmem:$0x1FF50];
	v5 =	vadd.s32 v6, v15  }
0xba: {  	v8 =	vshrl.u32 v5, $0x1F;
	v5 =	vshra.s32 v5, $0x2;
	v9 =	vld.idx.msk [tilespmem:v9+s6+$0x0], $0xffff  }
0xbb: {  	v12 =	vld.idx.msk [tilespmem:v19+s6+$0x0], $0xffff;
	v5 =	vadd.s32 v8, v5  }
0xbc: {  	v8 =	vmul.u32 $0x7, v5  }
0xbd: {  	v11 =	vmul.u32 $0x7, v7;
	vm9 =	vlt.s32 v7, $0x1  }
0xbe: {  	v8 =	vsub.s32 v6, v8;
	v17 =	vnsel vm9, $0x1, v7  }
0xbf: {  	v5 =	vld [tilespmem:$0x120];
	v7 =	vadd.s32 $0x4E22, v7;
	v11 =	vadd.s32 v8, v11;
	v18 =	vmul.u32 $0x7, v9  }
0xc0: {  	v21 =	vadd.s32 $0x4E22, v12;
	v11 =	vmul.u32 v17, v11;
	vm9 =	vlt.s32 v9, $0x1  }
0xc1: {  	v20 =	vnsel vm9, $0x1, v9;
	v9 =	vadd.s32 $0x4E22, v9;
	v13 =	vadd.s32 v8, v18  }
0xc2: {  	v11 =	vadd.s32 $0x520A, v11;
	v13 =	vmul.u32 v20, v13  }
0xc3: {  	v15 =	vld.idx.msk [tilespmem:v22+s6+$0x0], $0xffff  }
0xc4: {  	(v2sf) =	vpush v5, $0xD;
	v7 =	vld.idx.msk [tilespmem:v7+s8+$0x0], $0xffff;
	v13 =	vadd.s32 $0x520A, v13  }
0xc5: {  	v14 =	vld.idx.msk [tilespmem:v21+s8+$0x0], $0xffff  }
0xc6: {  	(v2sf) =	vpush v5, $0xC;
	v9 =	vld.idx.msk [tilespmem:v9+s8+$0x0], $0xffff  }
0xc7: {  	v11 =	vld.idx.msk [tilespmem:v11+s8+$0x0], $0xffff  }
0xc8: {  	v21 =	vld [tilespmem:$0x1FF70];
	(v2sf) =	vpush v5, $0xE  }
0xc9: {  	v7 =	vadd.f32 $0.0e+00, v7;
	v13 =	vld.idx.msk [tilespmem:v13+s8+$0x0], $0xffff  }
0xca: {  	v23 =	vmul.u32 $0x7, v12;
	(v2sf) =	vpush v5, $0xF  }
0xcb: {  	vm9 =	vlt.s32 v12, $0x1;
	v20 =	vmul.u32 $0x7, v15;
	v7 =	vadd.f32 v9, v7;
	v9 =	vld [tilespmem:$0x1FF60]  }
0xcc: {  	v12 =	vnsel vm9, $0x1, v12;
	(v2sf) =	vpush v5, $0x9;
	v11 =	vadd.f32 $0.0e+00, v11  }
0xcd: {  	vm9 =	vlt.s32 v15, $0x1;
	(v2sf) =	vpush v5, $0x8;
	v22 =	vadd.s32 v8, v20  }
0xce: {  	v11 =	vadd.f32 v13, v11;
	v13 =	vadd.s32 v8, v23;
	v23 =	vnsel vm9, $0x1, v15  }
0xcf: {  	v12 =	vmul.u32 v12, v13;
	v13 =	vmul.u32 v23, v22;
	v22 =	vld [tilespmem:$0x1FF80]  }
0xd0: {  	(v2sf) =	vpush v5, $0xA  }
0xd1: {  	v17 =	vld.idx.msk [tilespmem:v21+s6+$0x0], $0xffff  }
0xd2: {  	v20 =	vld [tilespmem:$0x1FF90];
	(v2sf) =	vpush v5, $0xB  }
0xd3: {  	s20 =	spop (v2sf);
	v9 =	vld.idx.msk [tilespmem:v9+s6+$0x0], $0xffff  }
0xd4: {  	(v2sf) =	vpush v5, $0x1;
	s21 =	smulhi.u32 $0x92492493, s20;
	s22 =	sshra.s32 s20, $0x1F  }
0xd5: {  	s23 =	spop (v2sf);
	s12 =	smul.u32 $0x92492493, s22  }
0xd6: {  	v19 =	vmul.u32 $0x7, v17;
	(v2sf) =	vpush v5, $0x0;
	s24 =	smulhi.u32 $0x92492493, s23;
	s25 =	sshra.s32 s23, $0x1F  }
0xd7: {  	v7 =	vadd.f32 v14, v7;
	v15 =	vadd.s32 $0x4E22, v15;
	s26 =	spop (v2sf);
	s15 =	smul.u32 $0x92492493, s25;
	v14 =	vld.idx.msk [tilespmem:v22+s6+$0x0], $0xffff  }
0xd8: {  	v19 =	vadd.s32 v8, v19;
	(v2sf) =	vpush v5, $0x2;
	s10 =	ssub.s32 s21, s20;
	s28 =	smulhi.u32 $0x92492493, s26;
	s29 =	sshra.s32 s26, $0x1F;
	v21 =	vmul.u32 $0x7, v9  }
0xd9: {  	s31 =	spop (v2sf);
	(v2sf) =	vpush v5, $0x3;
	v12 =	vadd.s32 $0x520A, v12;
	s10 =	sadd.s32 s12, s10;
	s30 =	smul.u32 $0x92492493, s29;
	vm9 =	vlt.s32 v9, $0x1  }
0xda: {  	v20 =	vld.idx.msk [tilespmem:v20+s6+$0x0], $0xffff;
	v13 =	vadd.s32 $0x520A, v13;
	s20 =	ssub.s32 s24, s23;
	s21 =	smulhi.u32 $0x92492493, s31;
	s22 =	sshra.s32 s31, $0x1F;
	v23 =	vnsel vm9, $0x1, v9;
	v18 =	vadd.s32 v8, v21  }
0xdb: {  	s23 =	spop (v2sf);
	(v2sf) =	vpush v5, $0x4;
	s11 =	sadd.s32 s15, s20;
	s14 =	smul.u32 $0x92492493, s22;
	vm9 =	vlt.s32 v17, $0x1;
	v18 =	vmul.u32 v23, v18  }
0xdc: {  	s16 =	ssub.s32 s28, s26;
	s24 =	smulhi.u32 $0x92492493, s23;
	s25 =	sshra.s32 s23, $0x1F;
	v9 =	vadd.s32 $0x4E22, v9;
	v22 =	vnsel vm9, $0x1, v17;
	v23 =	vmul.u32 $0x7, v14  }
0xdd: {  	v16 =	vld [tilespmem:$0x90];
	s28 =	spop (v2sf);
	s12 =	sadd.s32 s30, s16;
	s26 =	smul.u32 $0x92492493, s25;
	v19 =	vmul.u32 v22, v19;
	v18 =	vadd.s32 $0x520A, v18;
	vm9 =	vlt.s32 v14, $0x1  }
0xde: {  	(v2sf) =	vpush v5, $0x5;
	s13 =	ssub.s32 s21, s31;
	s29 =	smulhi.u32 $0x92492493, s28;
	s30 =	sshra.s32 s28, $0x1F;
	v12 =	vld.idx.msk [tilespmem:v12+s8+$0x0], $0xffff;
	v22 =	vadd.s32 v8, v23;
	v23 =	vnsel vm9, $0x1, v14  }
0xdf: {  	v15 =	vld.idx.msk [tilespmem:v15+s8+$0x0], $0xffff;
	s31 =	spop (v2sf);
	s13 =	sadd.s32 s14, s13;
	s20 =	smul.u32 $0x92492493, s30;
	v19 =	vadd.s32 $0x520A, v19;
	v22 =	vmul.u32 v23, v22;
	v23 =	vmul.u32 $0x7, v20  }
0xe0: {  	(v2sf) =	vpush v5, $0x6;
	s22 =	ssub.s32 s24, s23;
	s23 =	smulhi.u32 $0x92492493, s31;
	s24 =	sshra.s32 s31, $0x1F;
	v13 =	vld.idx.msk [tilespmem:v13+s8+$0x0], $0xffff;
	vm9 =	vlt.s32 v20, $0x1  }
0xe1: {  	s25 =	spop (v2sf);
	s14 =	sadd.s32 s26, s22;
	s17 =	smul.u32 $0x92492493, s24;
	v9 =	vld.idx.msk [tilespmem:v9+s8+$0x0], $0xffff;
	v22 =	vadd.s32 $0x520A, v22;
	v8 =	vadd.s32 v8, v23;
	v23 =	vnsel vm9, $0x1, v20  }
0xe2: {  	(v2sf) =	vpush v5, $0x7;
	s28 =	ssub.s32 s29, s28;
	s29 =	smulhi.u32 $0x92492493, s25;
	s30 =	sshra.s32 s25, $0x1F;
	v18 =	vld.idx.msk [tilespmem:v18+s8+$0x0], $0xffff;
	v8 =	vmul.u32 v23, v8  }
0xe3: {  	v6 =	vadd.s32 $0x2711, v6;
	s16 =	sadd.s32 s20, s28;
	s19 =	smul.u32 $0x92492493, s30;
	v11 =	vadd.f32 v12, v11;
	s20 =	spop (v2sf)  }
0xe4: {  	s15 =	ssub.s32 s23, s31;
	v7 =	vadd.f32 v15, v7;
	s31 =	smulhi.u32 $0x92492493, s20;
	s26 =	sshra.s32 s20, $0x1F;
	v19 =	vld.idx.msk [tilespmem:v19+s8+$0x0], $0xffff;
	v8 =	vadd.s32 $0x520A, v8  }
0xe5: {  	s15 =	sadd.s32 s17, s15;
	v17 =	vadd.s32 $0x4E22, v17;
	s24 =	spop (v2sf);
	v11 =	vadd.f32 v13, v11;
	s23 =	smul.u32 $0x92492493, s26  }
0xe6: {  	s28 =	ssub.s32 s29, s25;
	s29 =	smulhi.u32 $0x92492493, s24;
	s25 =	sshra.s32 s24, $0x1F;
	v7 =	vadd.f32 v9, v7;
	v9 =	vld.idx.msk [tilespmem:v22+s8+$0x0], $0xffff  }
0xe7: {  	v16 =	vld.idx.msk [tilespmem:v16+s8+$0x0], $0xffff;
	s17 =	sadd.s32 s19, s28;
	v14 =	vadd.s32 $0x4E22, v14;
	s30 =	spop (v2sf);
	s26 =	smul.u32 $0x92492493, s25;
	v11 =	vadd.f32 v18, v11  }
0xe8: {  	v6 =	vld.idx.msk [tilespmem:v6+s8+$0x0], $0xffff;
	s20 =	ssub.s32 s31, s20;
	s31 =	smulhi.u32 $0x92492493, s30;
	s28 =	sshra.s32 s30, $0x1F  }
0xe9: {  	s25 =	spop (v2sf);
	s20 =	sadd.s32 s23, s20;
	s23 =	smul.u32 $0x92492493, s28;
	v20 =	vadd.s32 $0x4E22, v20;
	v11 =	vadd.f32 v19, v11;
	v8 =	vld.idx.msk [tilespmem:v8+s8+$0x0], $0xffff  }
0xea: {  	v17 =	vld.idx.msk [tilespmem:v17+s8+$0x0], $0xffff;
	s18 =	ssub.s32 s29, s24;
	s24 =	smulhi.u32 $0x92492493, s25;
	s29 =	sshra.s32 s25, $0x1F  }
0xeb: {  	s18 =	sadd.s32 s26, s18;
	s19 =	smul.u32 $0x92492493, s29;
	s26 =	spop (v2sf);
	v9 =	vadd.f32 v9, v11;
	v11 =	vld [tilespmem:$0x1FFA0]  }
0xec: {  	s21 =	ssub.s32 s31, s30;
	s30 =	smulhi.u32 $0x92492493, s26;
	s31 =	sshra.s32 s26, $0x1F;
	v14 =	vld.idx.msk [tilespmem:v14+s8+$0x0], $0xffff  }
0xed: {  	s21 =	sadd.s32 s23, s21;
	s28 =	spop (v2sf);
	s23 =	smul.u32 $0x92492493, s31  }
0xee: {  	v6 =	vadd.f32 v6, v16;
	s25 =	ssub.s32 s24, s25;
	s24 =	smulhi.u32 $0x92492493, s28;
	s29 =	sshra.s32 s28, $0x1F;
	v23 =	vld.idx.msk [tilespmem:v20+s8+$0x0], $0xffff;
	v8 =	vadd.f32 v8, v9;
	v9 =	vmov s18  }
0xef: {  	v16 =	vmov s11;
	v21 =	vld [tilespmem:$0x1E90];
	v7 =	vadd.f32 v17, v7;
	s18 =	sadd.s32 s19, s25;
	s19 =	smul.u32 $0x92492493, s29;
	s25 =	spop (v2sf);
	v9 =	vnsel vm3, $0x0, v9  }
0xf0: {  	v12 =	vsel vm0, s10, v16;
	s30 =	ssub.s32 s30, s26;
	s22 =	smulhi.u32 $0x92492493, s25;
	s31 =	sshra.s32 s25, $0x1F;
	v9 =	vsel vm0, s20, v9  }
0xf1: {  	v17 =	vmov s16;
	v7 =	vadd.f32 v14, v7;
	s26 =	spop (v2sf);
	v9 =	vsel vm1, s21, v9;
	s21 =	sadd.s32 s23, s30;
	s23 =	smul.u32 $0x92492493, s31  }
0xf2: {  	v12 =	vsel vm1, s12, v12;
	v13 =	vsel vm0, s14, v17;
	s29 =	ssub.s32 s24, s28;
	s30 =	smulhi.u32 $0x92492493, s26;
	s31 =	sshra.s32 s26, $0x1F;
	v9 =	vsel vm2, s18, v9  }
0xf3: {  	v13 =	vsel vm1, s15, v13;
	v7 =	vadd.f32 v23, v7;
	s10 =	sadd.s32 s19, s29;
	s12 =	ssub.s32 s22, s25;
	s15 =	smul.u32 $0x92492493, s31;
	v11 =	vld.idx.msk [tilespmem:v11+s7+$0x0], $0xffff;
	v9 =	vsel vm4, s21, v9  }
0xf4: {  	v6 =	vadd.f32 v6, v21;
	v22 =	vld [tilespmem:$0x1FFB0];
	v13 =	vsel vm2, s17, v13;
	s17 =	sadd.s32 s23, s12;
	s18 =	ssub.s32 s30, s26;
	v9 =	vsel vm5, s10, v9  }
0xf5: {  	v7 =	vmul.f32 $1.250000000e-01, v7;
	s19 =	sadd.s32 s15, s18;
	v9 =	vsel vm6, s17, v9  }
0xf6: {  	v6 =	vadd.f32 v6, v3;
	v8 =	vmul.f32 $1.250000000e-01, v8;
	v19 =	vsel vm7, s19, v9;
	v9 =	vld [tilespmem:$0x1FFC0]  }
0xf7: {  	v12 =	vsel vm2, s13, v12;
	v7 =	vadd.f32 v7, v4  }
0xf8: {  	v6 =	vmax.f32 v6, $0.0e+00;
	v8 =	vadd.f32 v8, v63;
	[tilespmem:$0x8D10] =	vst v11;
	v11 =	vcombine.low v13, v12  }
0xf9: {  	v18 =	vmax.f32 v7, $0.0e+00;
	[tilespmem:$0x8D90] =	vst v6  }
0xfa: {  	[tilespmem:$0x8E10] =	vst v18;
	v20 =	vmax.f32 v8, $0.0e+00;
	v7 =	vperm.xlane v19, v2;
	v8 =	vperm.xlane v11, v0  }
0xfb: {  	[tilespmem:$0x8E90] =	vst v20  }
0xfc: {  	v21 =	vsel vm8, v7, v8;
	v7 =	vld.idx.msk [tilespmem:v22+s6+$0x0], $0xffff;
	_ =	sdelay $0x1  }
0xfd: {  	v6 =	vadd.s32 v5, v21;
	v9 =	vld.idx.msk [tilespmem:v9+s6+$0x0], $0xffff  }
0xfe: {  	v8 =	vshrl.u32 v6, $0x1F;
	v6 =	vshra.s32 v6, $0x2  }
0xff: {  	v17 =	vld [tilespmem:$0x1FFD0];
	v6 =	vadd.s32 v8, v6  }
0x100: {  	v8 =	vmul.u32 $0x7, v6;
	v6 =	vld [tilespmem:$0x130];
	vm9 =	vlt.s32 v7, $0x1  }
0x101: {  	v11 =	vmul.u32 $0x7, v7;
	v23 =	vnsel vm9, $0x1, v7;
	v7 =	vadd.s32 $0x4E22, v7  }
0x102: {  	vm9 =	vlt.s32 v9, $0x1  }
0x103: {  	v16 =	vmul.u32 $0x7, v9;
	v18 =	vnsel vm9, $0x1, v9;
	v9 =	vadd.s32 $0x4E22, v9  }
0x104: {  	v20 =	vld [tilespmem:$0x1FFE0]  }
0x105: {  	(v2sf) =	vpush v6, $0xD  }
0x106: {  	v8 =	vsub.s32 v5, v8;
	v7 =	vld.idx.msk [tilespmem:v7+s8+$0x0], $0xffff  }
0x107: {  	v12 =	vld.idx.msk [tilespmem:v17+s6+$0x0], $0xffff;
	v11 =	vadd.s32 v8, v11;
	(v2sf) =	vpush v6, $0xC  }
0x108: {  	v11 =	vmul.u32 v23, v11;
	v9 =	vld.idx.msk [tilespmem:v9+s8+$0x0], $0xffff  }
0x109: {  	(v2sf) =	vpush v6, $0xE  }
0x10a: {  	v13 =	vadd.s32 v8, v16;
	v11 =	vadd.s32 $0x520A, v11  }
0x10b: {  	v13 =	vmul.u32 v18, v13;
	(v2sf) =	vpush v6, $0xF;
	v7 =	vadd.f32 $0.0e+00, v7  }
0x10c: {  	v15 =	vld.idx.msk [tilespmem:v20+s6+$0x0], $0xffff;
	v19 =	vadd.s32 $0x4E22, v12;
	(v2sf) =	vpush v6, $0x9  }
0x10d: {  	v13 =	vadd.s32 $0x520A, v13;
	v7 =	vadd.f32 v9, v7;
	v9 =	vld [tilespmem:$0x1FFF0];
	_ =	sdelay $0x1  }
0x10e: {  	v17 =	vld.idx.msk [tilespmem:v25+s6+$0x0], $0xffff;
	(v2sf) =	vpush v6, $0x8  }
0x10f: {  	v11 =	vld.idx.msk [tilespmem:v11+s8+$0x0], $0xffff  }
0x110: {  	v14 =	vld.idx.msk [tilespmem:v19+s8+$0x0], $0xffff;
	(v2sf) =	vpush v6, $0xA  }
0x111: {  	v22 =	vmul.u32 $0x7, v15;
	v13 =	vld.idx.msk [tilespmem:v13+s8+$0x0], $0xffff  }
0x112: {  	v21 =	vmul.u32 $0x7, v12;
	v5 =	vadd.s32 $0x2711, v5;
	(v2sf) =	vpush v6, $0xB  }
0x113: {  	v19 =	vmul.u32 $0x7, v17;
	vm9 =	vlt.s32 v12, $0x1;
	v23 =	vadd.s32 v8, v22;
	s20 =	spop (v2sf)  }
0x114: {  	v12 =	vnsel vm9, $0x1, v12;
	v11 =	vadd.f32 $0.0e+00, v11;
	(v2sf) =	vpush v6, $0x1;
	s21 =	smulhi.u32 $0x92492493, s20;
	s22 =	sshra.s32 s20, $0x1F;
	v9 =	vld.idx.msk [tilespmem:v9+s6+$0x0], $0xffff  }
0x115: {  	vm9 =	vlt.s32 v15, $0x1;
	v19 =	vadd.s32 v8, v19;
	v7 =	vadd.f32 v14, v7;
	s23 =	spop (v2sf);
	s12 =	smul.u32 $0x92492493, s22  }
0x116: {  	v16 =	vld [tilespmem:$0xA0];
	v11 =	vadd.f32 v13, v11;
	v13 =	vadd.s32 v8, v21;
	(v2sf) =	vpush v6, $0x0;
	s24 =	smulhi.u32 $0x92492493, s23;
	s25 =	sshra.s32 s23, $0x1F  }
0x117: {  	v14 =	vld.idx.msk [tilespmem:v26+s6+$0x0], $0xffff;
	v21 =	vnsel vm9, $0x1, v15;
	v12 =	vmul.u32 v12, v13;
	s26 =	spop (v2sf);
	(v2sf) =	vpush v6, $0x2;
	s15 =	smul.u32 $0x92492493, s25  }
0x118: {  	v15 =	vadd.s32 $0x4E22, v15;
	v13 =	vmul.u32 v21, v23;
	s10 =	ssub.s32 s21, s20;
	s28 =	smulhi.u32 $0x92492493, s26;
	s29 =	sshra.s32 s26, $0x1F;
	(v2sf) =	vpush v6, $0x3  }
0x119: {  	v12 =	vadd.s32 $0x520A, v12;
	s31 =	spop (v2sf);
	s30 =	smul.u32 $0x92492493, s29;
	s20 =	ssub.s32 s24, s23;
	(v2sf) =	vpush v6, $0x4;
	v22 =	vmul.u32 $0x7, v9  }
0x11a: {  	v20 =	vld.idx.msk [tilespmem:v27+s6+$0x0], $0xffff;
	v13 =	vadd.s32 $0x520A, v13;
	s21 =	smulhi.u32 $0x92492493, s31;
	s22 =	sshra.s32 s31, $0x1F;
	s23 =	spop (v2sf);
	(v2sf) =	vpush v6, $0x5;
	vm9 =	vlt.s32 v9, $0x1  }
0x11b: {  	s10 =	sadd.s32 s12, s10;
	s11 =	sadd.s32 s15, s20;
	s14 =	smul.u32 $0x92492493, s22;
	v23 =	vnsel vm9, $0x1, v9;
	vm9 =	vlt.s32 v17, $0x1;
	v18 =	vadd.s32 v8, v22  }
0x11c: {  	s16 =	ssub.s32 s28, s26;
	s24 =	smulhi.u32 $0x92492493, s23;
	s25 =	sshra.s32 s23, $0x1F;
	v22 =	vnsel vm9, $0x1, v17;
	v18 =	vmul.u32 v23, v18;
	v23 =	vmul.u32 $0x7, v14  }
0x11d: {  	v5 =	vld.idx.msk [tilespmem:v5+s8+$0x0], $0xffff;
	s28 =	spop (v2sf);
	s12 =	sadd.s32 s30, s16;
	s26 =	smul.u32 $0x92492493, s25;
	v9 =	vadd.s32 $0x4E22, v9;
	vm9 =	vlt.s32 v14, $0x1;
	v19 =	vmul.u32 v22, v19  }
0x11e: {  	v16 =	vld.idx.msk [tilespmem:v16+s8+$0x0], $0xffff;
	s13 =	ssub.s32 s21, s31;
	s29 =	smulhi.u32 $0x92492493, s28;
	s30 =	sshra.s32 s28, $0x1F;
	v18 =	vadd.s32 $0x520A, v18;
	v22 =	vadd.s32 v8, v23;
	v23 =	vnsel vm9, $0x1, v14  }
0x11f: {  	v12 =	vld.idx.msk [tilespmem:v12+s8+$0x0], $0xffff;
	s31 =	spop (v2sf);
	s13 =	sadd.s32 s14, s13;
	s20 =	smul.u32 $0x92492493, s30;
	v22 =	vmul.u32 v23, v22;
	v23 =	vmul.u32 $0x7, v20  }
0x120: {  	v15 =	vld.idx.msk [tilespmem:v15+s8+$0x0], $0xffff;
	(v2sf) =	vpush v6, $0x6;
	s22 =	ssub.s32 s24, s23;
	s23 =	smulhi.u32 $0x92492493, s31;
	s24 =	sshra.s32 s31, $0x1F;
	v19 =	vadd.s32 $0x520A, v19;
	vm9 =	vlt.s32 v20, $0x1  }
0x121: {  	v13 =	vld.idx.msk [tilespmem:v13+s8+$0x0], $0xffff;
	s25 =	spop (v2sf);
	s14 =	sadd.s32 s26, s22;
	s17 =	smul.u32 $0x92492493, s24;
	v17 =	vadd.s32 $0x4E22, v17;
	v8 =	vadd.s32 v8, v23;
	v23 =	vnsel vm9, $0x1, v20  }
0x122: {  	(v2sf) =	vpush v6, $0x7;
	s28 =	ssub.s32 s29, s28;
	s29 =	smulhi.u32 $0x92492493, s25;
	s30 =	sshra.s32 s25, $0x1F;
	v9 =	vld.idx.msk [tilespmem:v9+s8+$0x0], $0xffff;
	v22 =	vadd.s32 $0x520A, v22;
	v8 =	vmul.u32 v23, v8  }
0x123: {  	s16 =	sadd.s32 s20, s28;
	s19 =	smul.u32 $0x92492493, s30;
	v14 =	vadd.s32 $0x4E22, v14;
	s20 =	spop (v2sf);
	v18 =	vld.idx.msk [tilespmem:v18+s8+$0x0], $0xffff  }
0x124: {  	v21 =	vld [tilespmem:$0x1EA0];
	s15 =	ssub.s32 s23, s31;
	v11 =	vadd.f32 v12, v11;
	s31 =	smulhi.u32 $0x92492493, s20;
	s26 =	sshra.s32 s20, $0x1F;
	v8 =	vadd.s32 $0x520A, v8  }
0x125: {  	v7 =	vadd.f32 v15, v7;
	s15 =	sadd.s32 s17, s15;
	s24 =	spop (v2sf);
	v19 =	vld.idx.msk [tilespmem:v19+s8+$0x0], $0xffff;
	s23 =	smul.u32 $0x92492493, s26  }
0x126: {  	s28 =	ssub.s32 s29, s25;
	v11 =	vadd.f32 v13, v11;
	v17 =	vld.idx.msk [tilespmem:v17+s8+$0x0], $0xffff;
	v20 =	vadd.s32 $0x4E22, v20;
	s29 =	smulhi.u32 $0x92492493, s24;
	s25 =	sshra.s32 s24, $0x1F  }
0x127: {  	s17 =	sadd.s32 s19, s28;
	s30 =	spop (v2sf);
	v7 =	vadd.f32 v9, v7;
	s26 =	smul.u32 $0x92492493, s25;
	v9 =	vld.idx.msk [tilespmem:v22+s8+$0x0], $0xffff  }
0x128: {  	v14 =	vld.idx.msk [tilespmem:v14+s8+$0x0], $0xffff;
	s20 =	ssub.s32 s31, s20;
	s31 =	smulhi.u32 $0x92492493, s30;
	s28 =	sshra.s32 s30, $0x1F;
	v11 =	vadd.f32 v18, v11  }
0x129: {  	s25 =	spop (v2sf);
	s20 =	sadd.s32 s23, s20;
	s23 =	smul.u32 $0x92492493, s28;
	v8 =	vld.idx.msk [tilespmem:v8+s8+$0x0], $0xffff  }
0x12a: {  	s18 =	ssub.s32 s29, s24;
	s24 =	smulhi.u32 $0x92492493, s25;
	s29 =	sshra.s32 s25, $0x1F;
	v11 =	vadd.f32 v19, v11  }
0x12b: {  	v5 =	vadd.f32 v5, v16;
	v20 =	vld.idx.msk [tilespmem:v20+s8+$0x0], $0xffff;
	s18 =	sadd.s32 s26, s18;
	s19 =	smul.u32 $0x92492493, s29;
	s26 =	spop (v2sf)  }
0x12c: {  	v7 =	vadd.f32 v17, v7;
	s21 =	ssub.s32 s31, s30;
	s30 =	smulhi.u32 $0x92492493, s26;
	s31 =	sshra.s32 s26, $0x1F;
	v9 =	vadd.f32 v9, v11  }
0x12d: {  	v5 =	vadd.f32 v5, v21;
	v23 =	vmov s16;
	s21 =	sadd.s32 s23, s21;
	s28 =	spop (v2sf);
	s23 =	smul.u32 $0x92492493, s31  }
0x12e: {  	s25 =	ssub.s32 s24, s25;
	v7 =	vadd.f32 v14, v7;
	s24 =	smulhi.u32 $0x92492493, s28;
	s29 =	sshra.s32 s28, $0x1F;
	v8 =	vadd.f32 v8, v9;
	v9 =	vmov s18  }
0x12f: {  	v5 =	vadd.f32 v5, v3;
	v13 =	vsel vm0, s14, v23;
	s18 =	sadd.s32 s19, s25;
	s19 =	smul.u32 $0x92492493, s29;
	s25 =	spop (v2sf);
	v9 =	vnsel vm3, $0x0, v9  }
0x130: {  	v13 =	vsel vm1, s15, v13;
	s30 =	ssub.s32 s30, s26;
	v7 =	vadd.f32 v20, v7;
	v11 =	vld.idx.msk [tilespmem:v28+s7+$0x0], $0xffff;
	s22 =	smulhi.u32 $0x92492493, s25;
	s31 =	sshra.s32 s25, $0x1F;
	v9 =	vsel vm0, s20, v9  }
0x131: {  	v13 =	vsel vm2, s17, v13;
	v22 =	vmov s11;
	s26 =	spop (v2sf);
	v9 =	vsel vm1, s21, v9;
	s21 =	sadd.s32 s23, s30;
	s23 =	smul.u32 $0x92492493, s31  }
0x132: {  	v12 =	vsel vm0, s10, v22;
	v7 =	vmul.f32 $1.250000000e-01, v7;
	s29 =	ssub.s32 s24, s28;
	s30 =	smulhi.u32 $0x92492493, s26;
	s31 =	sshra.s32 s26, $0x1F;
	v9 =	vsel vm2, s18, v9  }
0x133: {  	v12 =	vsel vm1, s12, v12;
	v8 =	vmul.f32 $1.250000000e-01, v8;
	s10 =	sadd.s32 s19, s29;
	s12 =	ssub.s32 s22, s25;
	s15 =	smul.u32 $0x92492493, s31;
	v9 =	vsel vm4, s21, v9  }
0x134: {  	v12 =	vsel vm2, s13, v12;
	v7 =	vadd.f32 v7, v4;
	s17 =	sadd.s32 s23, s12;
	s18 =	ssub.s32 s30, s26;
	v9 =	vsel vm5, s10, v9  }
0x135: {  	[tilespmem:$0x8D20] =	vst v11;
	v11 =	vcombine.low v13, v12;
	v8 =	vadd.f32 v8, v63;
	s19 =	sadd.s32 s15, s18;
	v9 =	vsel vm6, s17, v9  }
0x136: {  	v5 =	vmax.f32 v5, $0.0e+00;
	v16 =	vmax.f32 v7, $0.0e+00;
	v17 =	vsel vm7, s19, v9  }
0x137: {  	v18 =	vmax.f32 v8, $0.0e+00;
	v8 =	vperm.xlane v11, v0;
	v7 =	vperm.xlane v17, v2  }
0x138: {  	[tilespmem:$0x8DA0] =	vst v5  }
0x139: {  	[tilespmem:$0x8E20] =	vst v16;
	v19 =	vsel vm8, v7, v8  }
0x13a: {  	[tilespmem:$0x8EA0] =	vst v18;
	v5 =	vadd.s32 v6, v19  }
0x13b: {  	v20 =	vld.idx.msk [tilespmem:v29+s6+$0x0], $0xffff;
	v8 =	vshrl.u32 v5, $0x1F;
	v5 =	vshra.s32 v5, $0x2  }
0x13c: {  	v9 =	vld.idx.msk [tilespmem:v30+s6+$0x0], $0xffff;
	v5 =	vadd.s32 v8, v5  }
0x13d: {  	v8 =	vmul.u32 $0x7, v5;
	v5 =	vld [tilespmem:$0x140];
	_ =	sdelay $0x3  }
0x13e: {  	vm9 =	vlt.s32 v20, $0x1;
	v7 =	vadd.s32 $0x4E22, v20  }
0x13f: {  	v21 =	vnsel vm9, $0x1, v20;
	vm9 =	vlt.s32 v9, $0x1;
	(v2sf) =	vpush v5, $0xD  }
0x140: {  	v22 =	vmul.u32 $0x7, v9;
	v19 =	vnsel vm9, $0x1, v9;
	v9 =	vadd.s32 $0x4E22, v9  }
0x141: {  	v11 =	vmul.u32 $0x7, v20;
	(v2sf) =	vpush v5, $0xC  }
0x142: {  	v23 =	vld.idx.msk [tilespmem:v31+s6+$0x0], $0xffff;
	v8 =	vsub.s32 v6, v8  }
0x143: {  	v11 =	vadd.s32 v8, v11;
	v7 =	vld.idx.msk [tilespmem:v7+s8+$0x0], $0xffff;
	(v2sf) =	vpush v5, $0xE  }
0x144: {  	v11 =	vmul.u32 v21, v11  }
0x145: {  	v13 =	vadd.s32 v8, v22;
	v9 =	vld.idx.msk [tilespmem:v9+s8+$0x0], $0xffff;
	(v2sf) =	vpush v5, $0xF  }
0x146: {  	v13 =	vmul.u32 v19, v13;
	v11 =	vadd.s32 $0x520A, v11  }
0x147: {  	v20 =	vadd.s32 $0x4E22, v23;
	(v2sf) =	vpush v5, $0x9  }
0x148: {  	v15 =	vld.idx.msk [tilespmem:v32+s6+$0x0], $0xffff;
	v13 =	vadd.s32 $0x520A, v13;
	v7 =	vadd.f32 $0.0e+00, v7  }
0x149: {  	v17 =	vld.idx.msk [tilespmem:v34+s6+$0x0], $0xffff;
	(v2sf) =	vpush v5, $0x8  }
0x14a: {  	v7 =	vadd.f32 v9, v7;
	v9 =	vld.idx.msk [tilespmem:v33+s6+$0x0], $0xffff  }
0x14b: {  	v11 =	vld.idx.msk [tilespmem:v11+s8+$0x0], $0xffff;
	(v2sf) =	vpush v5, $0xA  }
0x14c: {  	vm9 =	vlt.s32 v23, $0x1;
	v14 =	vld.idx.msk [tilespmem:v20+s8+$0x0], $0xffff  }
0x14d: {  	v12 =	vnsel vm9, $0x1, v23;
	v22 =	vmul.u32 $0x7, v15;
	v13 =	vld.idx.msk [tilespmem:v13+s8+$0x0], $0xffff;
	(v2sf) =	vpush v5, $0xB  }
0x14e: {  	vm9 =	vlt.s32 v15, $0x1;
	v21 =	vmul.u32 $0x7, v23;
	v19 =	vmul.u32 $0x7, v17;
	s20 =	spop (v2sf)  }
0x14f: {  	v23 =	vadd.s32 v8, v22;
	v22 =	vmul.u32 $0x7, v9;
	(v2sf) =	vpush v5, $0x1;
	s21 =	smulhi.u32 $0x92492493, s20;
	s22 =	sshra.s32 s20, $0x1F  }
0x150: {  	v16 =	vld [tilespmem:$0xB0];
	v6 =	vadd.s32 $0x2711, v6;
	v19 =	vadd.s32 v8, v19;
	v11 =	vadd.f32 $0.0e+00, v11;
	s23 =	spop (v2sf);
	s12 =	smul.u32 $0x92492493, s22  }
0x151: {  	v7 =	vadd.f32 v14, v7;
	v18 =	vadd.s32 v8, v22;
	(v2sf) =	vpush v5, $0x0;
	s24 =	smulhi.u32 $0x92492493, s23;
	s25 =	sshra.s32 s23, $0x1F  }
0x152: {  	v14 =	vld.idx.msk [tilespmem:v35+s6+$0x0], $0xffff;
	v11 =	vadd.f32 v13, v11;
	v13 =	vadd.s32 v8, v21;
	v21 =	vnsel vm9, $0x1, v15;
	s26 =	spop (v2sf);
	s15 =	smul.u32 $0x92492493, s25  }
0x153: {  	vm9 =	vlt.s32 v9, $0x1;
	v12 =	vmul.u32 v12, v13;
	(v2sf) =	vpush v5, $0x2;
	s10 =	ssub.s32 s21, s20;
	s28 =	smulhi.u32 $0x92492493, s26;
	s29 =	sshra.s32 s26, $0x1F  }
0x154: {  	v15 =	vadd.s32 $0x4E22, v15;
	v13 =	vmul.u32 v21, v23;
	v23 =	vnsel vm9, $0x1, v9;
	s31 =	spop (v2sf);
	s10 =	sadd.s32 s12, s10;
	s30 =	smul.u32 $0x92492493, s29  }
0x155: {  	v20 =	vld.idx.msk [tilespmem:v36+s6+$0x0], $0xffff;
	vm9 =	vlt.s32 v17, $0x1;
	v12 =	vadd.s32 $0x520A, v12;
	(v2sf) =	vpush v5, $0x3;
	s20 =	ssub.s32 s24, s23;
	s21 =	smulhi.u32 $0x92492493, s31;
	s22 =	sshra.s32 s31, $0x1F  }
0x156: {  	v9 =	vadd.s32 $0x4E22, v9;
	v18 =	vmul.u32 v23, v18;
	v22 =	vnsel vm9, $0x1, v17;
	s23 =	spop (v2sf);
	s11 =	sadd.s32 s15, s20;
	s14 =	smul.u32 $0x92492493, s22  }
0x157: {  	v23 =	vmul.u32 $0x7, v14;
	v13 =	vadd.s32 $0x520A, v13;
	(v2sf) =	vpush v5, $0x4;
	s16 =	ssub.s32 s28, s26;
	s24 =	smulhi.u32 $0x92492493, s23;
	s25 =	sshra.s32 s23, $0x1F  }
0x158: {  	v16 =	vld.idx.msk [tilespmem:v16+s8+$0x0], $0xffff;
	vm9 =	vlt.s32 v14, $0x1;
	v19 =	vmul.u32 v22, v19;
	v18 =	vadd.s32 $0x520A, v18;
	s28 =	spop (v2sf);
	s12 =	sadd.s32 s30, s16;
	s26 =	smul.u32 $0x92492493, s25  }
0x159: {  	v6 =	vld.idx.msk [tilespmem:v6+s8+$0x0], $0xffff;
	v22 =	vadd.s32 v8, v23;
	v23 =	vnsel vm9, $0x1, v14;
	(v2sf) =	vpush v5, $0x5;
	s13 =	ssub.s32 s21, s31;
	s29 =	smulhi.u32 $0x92492493, s28;
	s30 =	sshra.s32 s28, $0x1F  }
0x15a: {  	v22 =	vmul.u32 v23, v22;
	v23 =	vmul.u32 $0x7, v20;
	v12 =	vld.idx.msk [tilespmem:v12+s8+$0x0], $0xffff;
	s31 =	spop (v2sf);
	s13 =	sadd.s32 s14, s13;
	s20 =	smul.u32 $0x92492493, s30  }
0x15b: {  	vm9 =	vlt.s32 v20, $0x1;
	v15 =	vld.idx.msk [tilespmem:v15+s8+$0x0], $0xffff;
	v19 =	vadd.s32 $0x520A, v19;
	(v2sf) =	vpush v5, $0x6;
	s22 =	ssub.s32 s24, s23;
	s23 =	smulhi.u32 $0x92492493, s31;
	s24 =	sshra.s32 s31, $0x1F  }
0x15c: {  	v17 =	vadd.s32 $0x4E22, v17;
	v8 =	vadd.s32 v8, v23;
	v23 =	vnsel vm9, $0x1, v20;
	v13 =	vld.idx.msk [tilespmem:v13+s8+$0x0], $0xffff;
	s25 =	spop (v2sf);
	s14 =	sadd.s32 s26, s22;
	s17 =	smul.u32 $0x92492493, s24  }
0x15d: {  	v9 =	vld.idx.msk [tilespmem:v9+s8+$0x0], $0xffff;
	v22 =	vadd.s32 $0x520A, v22;
	v8 =	vmul.u32 v23, v8;
	(v2sf) =	vpush v5, $0x7;
	s28 =	ssub.s32 s29, s28;
	s29 =	smulhi.u32 $0x92492493, s25;
	s30 =	sshra.s32 s25, $0x1F  }
0x15e: {  	v14 =	vadd.s32 $0x4E22, v14;
	v18 =	vld.idx.msk [tilespmem:v18+s8+$0x0], $0xffff;
	s16 =	sadd.s32 s20, s28;
	s19 =	smul.u32 $0x92492493, s30;
	s20 =	spop (v2sf)  }
0x15f: {  	v21 =	vld [tilespmem:$0x1EB0];
	v8 =	vadd.s32 $0x520A, v8;
	s15 =	ssub.s32 s23, s31;
	v11 =	vadd.f32 v12, v11;
	s31 =	smulhi.u32 $0x92492493, s20;
	s26 =	sshra.s32 s20, $0x1F  }
0x160: {  	v7 =	vadd.f32 v15, v7;
	v19 =	vld.idx.msk [tilespmem:v19+s8+$0x0], $0xffff;
	s15 =	sadd.s32 s17, s15;
	s24 =	spop (v2sf);
	s23 =	smul.u32 $0x92492493, s26  }
0x161: {  	v20 =	vadd.s32 $0x4E22, v20;
	v17 =	vld.idx.msk [tilespmem:v17+s8+$0x0], $0xffff;
	s28 =	ssub.s32 s29, s25;
	v11 =	vadd.f32 v13, v11;
	s29 =	smulhi.u32 $0x92492493, s24;
	s25 =	sshra.s32 s24, $0x1F  }
0x162: {  	v7 =	vadd.f32 v9, v7;
	v9 =	vld.idx.msk [tilespmem:v22+s8+$0x0], $0xffff;
	s17 =	sadd.s32 s19, s28;
	s30 =	spop (v2sf);
	s26 =	smul.u32 $0x92492493, s25  }
0x163: {  	v14 =	vld.idx.msk [tilespmem:v14+s8+$0x0], $0xffff;
	v11 =	vadd.f32 v18, v11;
	s20 =	ssub.s32 s31, s20;
	s31 =	smulhi.u32 $0x92492493, s30;
	s28 =	sshra.s32 s30, $0x1F  }
0x164: {  	v8 =	vld.idx.msk [tilespmem:v8+s8+$0x0], $0xffff;
	s25 =	spop (v2sf);
	s20 =	sadd.s32 s23, s20;
	s23 =	smul.u32 $0x92492493, s28  }
0x165: {  	v11 =	vadd.f32 v19, v11;
	s18 =	ssub.s32 s29, s24;
	s24 =	smulhi.u32 $0x92492493, s25;
	s29 =	sshra.s32 s25, $0x1F  }
0x166: {  	v6 =	vadd.f32 v6, v16;
	v20 =	vld.idx.msk [tilespmem:v20+s8+$0x0], $0xffff;
	s18 =	sadd.s32 s26, s18;
	s19 =	smul.u32 $0x92492493, s29;
	s26 =	spop (v2sf)  }
0x167: {  	v7 =	vadd.f32 v17, v7;
	v9 =	vadd.f32 v9, v11;
	s21 =	ssub.s32 s31, s30;
	s30 =	smulhi.u32 $0x92492493, s26;
	s31 =	sshra.s32 s26, $0x1F  }
0x168: {  	v6 =	vadd.f32 v6, v21;
	s21 =	sadd.s32 s23, s21;
	s28 =	spop (v2sf);
	s23 =	smul.u32 $0x92492493, s31  }
0x169: {  	v7 =	vadd.f32 v14, v7;
	v8 =	vadd.f32 v8, v9;
	v9 =	vmov s18;
	s25 =	ssub.s32 s24, s25;
	s24 =	smulhi.u32 $0x92492493, s28;
	s29 =	sshra.s32 s28, $0x1F  }
0x16a: {  	v22 =	vmov s11;
	v23 =	vmov s16;
	v9 =	vnsel vm3, $0x0, v9;
	s18 =	sadd.s32 s19, s25;
	s25 =	spop (v2sf);
	s19 =	smul.u32 $0x92492493, s29  }
0x16b: {  	v12 =	vsel vm0, s10, v22;
	v7 =	vadd.f32 v20, v7;
	v11 =	vld.idx.msk [tilespmem:v37+s7+$0x0], $0xffff;
	v9 =	vsel vm0, s20, v9;
	s30 =	ssub.s32 s30, s26;
	s22 =	smulhi.u32 $0x92492493, s25;
	s31 =	sshra.s32 s25, $0x1F  }
0x16c: {  	v12 =	vsel vm1, s12, v12;
	v13 =	vsel vm0, s14, v23;
	s26 =	spop (v2sf);
	v9 =	vsel vm1, s21, v9;
	s21 =	sadd.s32 s23, s30;
	s23 =	smul.u32 $0x92492493, s31  }
0x16d: {  	v12 =	vsel vm2, s13, v12;
	v7 =	vmul.f32 $1.250000000e-01, v7;
	s29 =	ssub.s32 s24, s28;
	s30 =	smulhi.u32 $0x92492493, s26;
	s31 =	sshra.s32 s26, $0x1F;
	v9 =	vsel vm2, s18, v9  }
0x16e: {  	v13 =	vsel vm1, s15, v13;
	v8 =	vmul.f32 $1.250000000e-01, v8;
	s10 =	sadd.s32 s19, s29;
	s12 =	ssub.s32 s22, s25;
	s15 =	smul.u32 $0x92492493, s31;
	v9 =	vsel vm4, s21, v9  }
0x16f: {  	v13 =	vsel vm2, s17, v13;
	v7 =	vadd.f32 v7, v4;
	s17 =	sadd.s32 s23, s12;
	s18 =	ssub.s32 s30, s26;
	v9 =	vsel vm5, s10, v9  }
0x170: {  	[tilespmem:$0x8D30] =	vst v11;
	v11 =	vcombine.low v13, v12;
	v8 =	vadd.f32 v8, v63;
	s19 =	sadd.s32 s15, s18;
	v9 =	vsel vm6, s17, v9  }
0x171: {  	v6 =	vadd.f32 v6, v3;
	v13 =	vmax.f32 v7, $0.0e+00;
	v14 =	vsel vm7, s19, v9  }
0x172: {  	v15 =	vmax.f32 v8, $0.0e+00;
	v8 =	vperm.xlane v11, v0;
	v7 =	vperm.xlane v14, v2  }
0x173: {  	v6 =	vmax.f32 v6, $0.0e+00  }
0x174: {  	[tilespmem:$0x8DB0] =	vst v6;
	v16 =	vsel vm8, v7, v8  }
0x175: {  	[tilespmem:$0x8E30] =	vst v13;
	v6 =	vadd.s32 v5, v16  }
0x176: {  	[tilespmem:$0x8EB0] =	vst v15;
	v8 =	vshrl.u32 v6, $0x1F;
	v6 =	vshra.s32 v6, $0x2  }
0x177: {  	v17 =	vld.idx.msk [tilespmem:v38+s6+$0x0], $0xffff;
	v6 =	vadd.s32 v8, v6  }
0x178: {  	v6 =	vmul.u32 $0x7, v6  }
0x179: {  	v11 =	vld.idx.msk [tilespmem:v39+s6+$0x0], $0xffff  }
0x17a: {  	v9 =	vsub.s32 v5, v6;
	v6 =	vld [tilespmem:$0x150];
	_ =	sdelay $0x1  }
0x17b: {  	v7 =	vadd.s32 $0x4E22, v17;
	_ =	sdelay $0x1  }
0x17c: {  	v20 =	vadd.s32 $0x4E22, v11  }
0x17d: {  	v8 =	vmul.u32 $0x7, v17;
	(v2sf) =	vpush v6, $0xD  }
0x17e: {  	vm9 =	vlt.s32 v17, $0x1;
	v19 =	vmul.u32 $0x7, v11  }
0x17f: {  	v18 =	vnsel vm9, $0x1, v17;
	v8 =	vadd.s32 v9, v8;
	v7 =	vld.idx.msk [tilespmem:v7+s8+$0x0], $0xffff;
	(v2sf) =	vpush v6, $0xC  }
0x180: {  	v14 =	vld.idx.msk [tilespmem:v41+s6+$0x0], $0xffff;
	vm9 =	vlt.s32 v11, $0x1;
	v8 =	vmul.u32 v18, v8  }
0x181: {  	v11 =	vnsel vm9, $0x1, v11;
	v12 =	vadd.s32 v9, v19;
	v13 =	vld.idx.msk [tilespmem:v20+s8+$0x0], $0xffff;
	(v2sf) =	vpush v6, $0xE  }
0x182: {  	v19 =	vld.idx.msk [tilespmem:v43+s6+$0x0], $0xffff;
	v11 =	vmul.u32 v11, v12;
	v8 =	vadd.s32 $0x520A, v8  }
0x183: {  	v12 =	vld.idx.msk [tilespmem:v40+s6+$0x0], $0xffff;
	(v2sf) =	vpush v6, $0xF  }
0x184: {  	v11 =	vadd.s32 $0x520A, v11;
	v7 =	vadd.f32 $0.0e+00, v7  }
0x185: {  	v22 =	vmul.u32 $0x7, v14;
	(v2sf) =	vpush v6, $0x9  }
0x186: {  	v7 =	vadd.f32 v13, v7;
	v13 =	vld.idx.msk [tilespmem:v42+s6+$0x0], $0xffff  }
0x187: {  	v5 =	vadd.s32 $0x2711, v5;
	v17 =	vadd.s32 v9, v22;
	v8 =	vld.idx.msk [tilespmem:v8+s8+$0x0], $0xffff;
	(v2sf) =	vpush v6, $0x8  }
0x188: {  	v16 =	vld [tilespmem:$0xC0];
	v20 =	vmul.u32 $0x7, v19;
	v21 =	vmul.u32 $0x7, v12;
	vm9 =	vlt.s32 v12, $0x1  }
0x189: {  	v23 =	vnsel vm9, $0x1, v12;
	vm9 =	vlt.s32 v14, $0x1;
	v11 =	vld.idx.msk [tilespmem:v11+s8+$0x0], $0xffff;
	(v2sf) =	vpush v6, $0xA  }
0x18a: {  	v12 =	vadd.s32 $0x4E22, v12;
	v20 =	vadd.s32 v9, v20;
	v15 =	vadd.s32 v9, v21  }
0x18b: {  	v21 =	vnsel vm9, $0x1, v14;
	v15 =	vmul.u32 v23, v15;
	(v2sf) =	vpush v6, $0xB  }
0x18c: {  	v14 =	vadd.s32 $0x4E22, v14;
	v22 =	vmul.u32 $0x7, v13;
	v8 =	vadd.f32 $0.0e+00, v8;
	s20 =	spop (v2sf)  }
0x18d: {  	v18 =	vld.idx.msk [tilespmem:v44+s6+$0x0], $0xffff;
	v15 =	vadd.s32 $0x520A, v15;
	(v2sf) =	vpush v6, $0x1;
	vm9 =	vlt.s32 v13, $0x1;
	s21 =	smulhi.u32 $0x92492493, s20;
	s22 =	sshra.s32 s20, $0x1F  }
0x18e: {  	v8 =	vadd.f32 v11, v8;
	v11 =	vmul.u32 v21, v17;
	v17 =	vadd.s32 v9, v22;
	s23 =	spop (v2sf);
	s12 =	smul.u32 $0x92492493, s22  }
0x18f: {  	v21 =	vnsel vm9, $0x1, v13;
	vm9 =	vlt.s32 v19, $0x1;
	v22 =	vld.idx.msk [tilespmem:v45+s6+$0x0], $0xffff;
	(v2sf) =	vpush v6, $0x0;
	s24 =	smulhi.u32 $0x92492493, s23;
	s25 =	sshra.s32 s23, $0x1F  }
0x190: {  	v13 =	vadd.s32 $0x4E22, v13;
	v17 =	vmul.u32 v21, v17;
	v21 =	vnsel vm9, $0x1, v19;
	s26 =	spop (v2sf);
	s15 =	smul.u32 $0x92492493, s25  }
0x191: {  	v16 =	vld.idx.msk [tilespmem:v16+s8+$0x0], $0xffff;
	v19 =	vadd.s32 $0x4E22, v19;
	v11 =	vadd.s32 $0x520A, v11;
	(v2sf) =	vpush v6, $0x2;
	s10 =	ssub.s32 s21, s20;
	s28 =	smulhi.u32 $0x92492493, s26;
	s29 =	sshra.s32 s26, $0x1F  }
0x192: {  	v5 =	vld.idx.msk [tilespmem:v5+s8+$0x0], $0xffff;
	vm9 =	vlt.s32 v18, $0x1;
	v20 =	vmul.u32 v21, v20;
	v21 =	vmul.u32 $0x7, v18;
	s31 =	spop (v2sf);
	s10 =	sadd.s32 s12, s10;
	s30 =	smul.u32 $0x92492493, s29  }
0x193: {  	v12 =	vld.idx.msk [tilespmem:v12+s8+$0x0], $0xffff;
	v23 =	vnsel vm9, $0x1, v18;
	v17 =	vadd.s32 $0x520A, v17;
	(v2sf) =	vpush v6, $0x3;
	s19 =	ssub.s32 s24, s23;
	s20 =	smulhi.u32 $0x92492493, s31;
	s21 =	sshra.s32 s31, $0x1F  }
0x194: {  	v15 =	vld.idx.msk [tilespmem:v15+s8+$0x0], $0xffff;
	v20 =	vadd.s32 $0x520A, v20;
	v21 =	vadd.s32 v9, v21;
	v24 =	vmul.u32 $0x7, v22;
	s22 =	spop (v2sf);
	s11 =	sadd.s32 s15, s19;
	s14 =	smul.u32 $0x92492493, s21  }
0x195: {  	v14 =	vld.idx.msk [tilespmem:v14+s8+$0x0], $0xffff;
	v21 =	vmul.u32 v23, v21;
	vm9 =	vlt.s32 v22, $0x1;
	(v2sf) =	vpush v6, $0x4;
	s16 =	ssub.s32 s28, s26;
	s23 =	smulhi.u32 $0x92492493, s22;
	s26 =	sshra.s32 s22, $0x1F  }
0x196: {  	v23 =	vnsel vm9, $0x1, v22;
	v11 =	vld.idx.msk [tilespmem:v11+s8+$0x0], $0xffff;
	v9 =	vadd.s32 v9, v24;
	s29 =	spop (v2sf);
	s12 =	sadd.s32 s30, s16;
	s28 =	smul.u32 $0x92492493, s26  }
0x197: {  	v13 =	vld.idx.msk [tilespmem:v13+s8+$0x0], $0xffff;
	v21 =	vadd.s32 $0x520A, v21;
	v9 =	vmul.u32 v23, v9;
	(v2sf) =	vpush v6, $0x5;
	s13 =	ssub.s32 s20, s31;
	s21 =	smulhi.u32 $0x92492493, s29;
	s24 =	sshra.s32 s29, $0x1F  }
0x198: {  	v18 =	vadd.s32 $0x4E22, v18;
	v7 =	vadd.f32 v12, v7;
	v12 =	vld.idx.msk [tilespmem:v17+s8+$0x0], $0xffff;
	s25 =	spop (v2sf);
	s13 =	sadd.s32 s14, s13;
	s20 =	smul.u32 $0x92492493, s24  }
0x199: {  	v8 =	vadd.f32 v15, v8;
	v15 =	vld.idx.msk [tilespmem:v19+s8+$0x0], $0xffff;
	(v2sf) =	vpush v6, $0x6;
	v9 =	vadd.s32 $0x520A, v9;
	s30 =	ssub.s32 s23, s22;
	s31 =	smulhi.u32 $0x92492493, s25;
	s23 =	sshra.s32 s25, $0x1F  }
0x19a: {  	v7 =	vadd.f32 v14, v7;
	v14 =	vld.idx.msk [tilespmem:v20+s8+$0x0], $0xffff;
	s22 =	spop (v2sf);
	s14 =	sadd.s32 s28, s30;
	s24 =	smul.u32 $0x92492493, s23  }
0x19b: {  	v23 =	vadd.s32 $0x4E22, v22;
	v17 =	vld [tilespmem:$0x1EC0];
	(v2sf) =	vpush v6, $0x7;
	v8 =	vadd.f32 v11, v8;
	s26 =	ssub.s32 s21, s29;
	s28 =	smulhi.u32 $0x92492493, s22;
	s29 =	sshra.s32 s22, $0x1F  }
0x19c: {  	v22 =	vld.idx.msk [tilespmem:v21+s8+$0x0], $0xffff;
	s30 =	spop (v2sf);
	s17 =	sadd.s32 s20, s26;
	s19 =	smul.u32 $0x92492493, s29  }
0x19d: {  	v11 =	vld.idx.msk [tilespmem:v18+s8+$0x0], $0xffff;
	s15 =	ssub.s32 s31, s25;
	s31 =	smulhi.u32 $0x92492493, s30;
	s25 =	sshra.s32 s30, $0x1F;
	v8 =	vadd.f32 v12, v8  }
0x19e: {  	s15 =	sadd.s32 s24, s15;
	s23 =	smul.u32 $0x92492493, s25;
	v9 =	vld.idx.msk [tilespmem:v9+s8+$0x0], $0xffff;
	s24 =	spop (v2sf)  }
0x19f: {  	v7 =	vadd.f32 v13, v7;
	s26 =	ssub.s32 s28, s22;
	v8 =	vadd.f32 v14, v8;
	s28 =	smulhi.u32 $0x92492493, s24;
	s25 =	sshra.s32 s24, $0x1F  }
0x1a0: {  	v5 =	vadd.f32 v5, v16;
	v23 =	vld.idx.msk [tilespmem:v23+s8+$0x0], $0xffff;
	s16 =	sadd.s32 s19, s26;
	s22 =	spop (v2sf);
	s26 =	smul.u32 $0x92492493, s25  }
0x1a1: {  	v7 =	vadd.f32 v15, v7;
	s20 =	ssub.s32 s31, s30;
	v8 =	vadd.f32 v22, v8;
	s29 =	smulhi.u32 $0x92492493, s22;
	s31 =	sshra.s32 s22, $0x1F  }
0x1a2: {  	v5 =	vadd.f32 v5, v17;
	s20 =	sadd.s32 s23, s20;
	s30 =	spop (v2sf);
	s25 =	smul.u32 $0x92492493, s31  }
0x1a3: {  	v7 =	vadd.f32 v11, v7;
	v8 =	vadd.f32 v9, v8;
	s18 =	ssub.s32 s28, s24;
	s31 =	smulhi.u32 $0x92492493, s30;
	s28 =	sshra.s32 s30, $0x1F  }
0x1a4: {  	v5 =	vadd.f32 v5, v3;
	v9 =	vld.idx.msk [tilespmem:v46+s7+$0x0], $0xffff;
	s18 =	sadd.s32 s26, s18;
	s19 =	smul.u32 $0x92492493, s28;
	s26 =	spop (v2sf)  }
0x1a5: {  	v7 =	vadd.f32 v23, v7;
	v8 =	vmul.f32 $1.250000000e-01, v8;
	s21 =	ssub.s32 s29, s22;
	s22 =	smulhi.u32 $0x92492493, s26;
	s29 =	sshra.s32 s26, $0x1F  }
0x1a6: {  	v18 =	vmov s11;
	v5 =	vmax.f32 v5, $0.0e+00;
	s21 =	sadd.s32 s25, s21;
	s28 =	spop (v2sf);
	s23 =	smul.u32 $0x92492493, s29  }
0x1a7: {  	v7 =	vmul.f32 $1.250000000e-01, v7;
	v8 =	vadd.f32 v8, v63;
	v11 =	vmov s18;
	s30 =	ssub.s32 s31, s30;
	s24 =	smulhi.u32 $0x92492493, s28;
	s31 =	sshra.s32 s28, $0x1F  }
0x1a8: {  	[tilespmem:$0x8DC0] =	vst v5;
	v5 =	vsel vm0, s10, v18;
	v11 =	vnsel vm3, $0x0, v11;
	s18 =	sadd.s32 s19, s30;
	s25 =	spop (v2sf);
	s19 =	smul.u32 $0x92492493, s31  }
0x1a9: {  	v7 =	vadd.f32 v7, v4;
	[tilespmem:$0x8D40] =	vst v9;
	v8 =	vmax.f32 v8, $0.0e+00;
	v9 =	vsel vm0, s20, v11;
	s29 =	ssub.s32 s22, s26;
	s30 =	smulhi.u32 $0x92492493, s25;
	s31 =	sshra.s32 s25, $0x1F  }
0x1aa: {  	v11 =	vmov s17;
	v9 =	vsel vm1, s21, v9;
	s20 =	sadd.s32 s23, s29;
	s21 =	smul.u32 $0x92492493, s31;
	s23 =	spop (v2sf);
	[tilespmem:$0x8EC0] =	vst v8;
	v8 =	vsel vm1, s12, v5;
	v5 =	vld [tilespmem:$0x160]  }
0x1ab: {  	v7 =	vmax.f32 v7, $0.0e+00;
	v19 =	vsel vm0, s14, v11;
	s26 =	ssub.s32 s24, s28;
	v9 =	vsel vm2, s18, v9;
	s28 =	smulhi.u32 $0x92492493, s23;
	s29 =	sshra.s32 s23, $0x1F  }
0x1ac: {  	[tilespmem:$0x8E40] =	vst v7;
	v7 =	vsel vm1, s15, v19;
	s10 =	sadd.s32 s19, s26;
	s30 =	ssub.s32 s30, s25;
	v9 =	vsel vm4, s20, v9;
	s31 =	smul.u32 $0x92492493, s29  }
0x1ad: {  	v8 =	vsel vm2, s13, v8;
	v11 =	vld.idx.msk [tilespmem:v47+s6+$0x0], $0xffff;
	v7 =	vsel vm2, s16, v7;
	s15 =	sadd.s32 s21, s30;
	v9 =	vsel vm5, s10, v9;
	s16 =	ssub.s32 s28, s23  }
0x1ae: {  	v7 =	vcombine.low v7, v8;
	v8 =	vsel vm6, s15, v9;
	s17 =	sadd.s32 s31, s16  }
0x1af: {  	v9 =	vld.idx.msk [tilespmem:v48+s6+$0x0], $0xffff;
	v8 =	vsel vm7, s17, v8;
	(v2sf) =	vpush v5, $0xD  }
0x1b0: {  	v7 =	vperm.xlane v7, v0;
	v8 =	vperm.xlane v8, v2  }
0x1b1: {  	(v2sf) =	vpush v5, $0xC  }
0x1b2: {  	v7 =	vsel vm8, v8, v7;
	v8 =	vadd.s32 $0x4E22, v11  }
0x1b3: {  	v14 =	vld.idx.msk [tilespmem:v49+s6+$0x0], $0xffff;
	(v2sf) =	vpush v5, $0xE  }
0x1b4: {  	(v2sf) =	vpush v5, $0xF;
	v21 =	vadd.s32 $0x4E22, v9  }
0x1b5: {  	v7 =	vadd.s32 v6, v7  }
0x1b6: {  	(v2sf) =	vpush v5, $0x9;
	v20 =	vshrl.u32 v7, $0x1F;
	v7 =	vshra.s32 v7, $0x2  }
0x1b7: {  	v22 =	vmul.u32 $0x7, v11;
	vm9 =	vlt.s32 v11, $0x1;
	v7 =	vadd.s32 v20, v7;
	v8 =	vld.idx.msk [tilespmem:v8+s8+$0x0], $0xffff  }
0x1b8: {  	v23 =	vadd.s32 $0x4E22, v14;
	(v2sf) =	vpush v5, $0x8;
	v7 =	vmul.u32 $0x7, v7  }
0x1b9: {  	v11 =	vnsel vm9, $0x1, v11;
	vm9 =	vlt.s32 v9, $0x1;
	v20 =	vmul.u32 $0x7, v9;
	v13 =	vld.idx.msk [tilespmem:v21+s8+$0x0], $0xffff  }
0x1ba: {  	v18 =	vld.idx.msk [tilespmem:v51+s6+$0x0], $0xffff;
	(v2sf) =	vpush v5, $0xA;
	v9 =	vnsel vm9, $0x1, v9;
	v7 =	vsub.s32 v6, v7  }
0x1bb: {  	v19 =	vld.idx.msk [tilespmem:v52+s6+$0x0], $0xffff;
	vm9 =	vlt.s32 v14, $0x1;
	(v2sf) =	vpush v5, $0xB;
	v12 =	vadd.s32 v7, v22  }
0x1bc: {  	v21 =	vmul.u32 $0x7, v14;
	v11 =	vmul.u32 v11, v12;
	v12 =	vld.idx.msk [tilespmem:v50+s6+$0x0], $0xffff;
	v8 =	vadd.f32 $0.0e+00, v8  }
0x1bd: {  	v17 =	vld [tilespmem:$0xD0];
	v6 =	vadd.s32 $0x2711, v6;
	v14 =	vnsel vm9, $0x1, v14;
	v16 =	vadd.s32 v7, v20  }
0x1be: {  	v9 =	vmul.u32 v9, v16;
	v22 =	vadd.s32 v7, v21;
	v8 =	vadd.f32 v13, v8;
	v13 =	vld.idx.msk [tilespmem:v23+s8+$0x0], $0xffff;
	s18 =	spop (v2sf)  }
0x1bf: {  	v16 =	vmul.u32 $0x7, v18;
	v14 =	vmul.u32 v14, v22;
	(v2sf) =	vpush v5, $0x1;
	s19 =	smulhi.u32 $0x92492493, s18;
	s20 =	sshra.s32 s18, $0x1F  }
0x1c0: {  	v22 =	vmul.u32 $0x7, v19;
	v11 =	vadd.s32 $0x520A, v11;
	v9 =	vadd.s32 $0x520A, v9;
	s21 =	spop (v2sf);
	s12 =	smul.u32 $0x92492493, s20  }
0x1c1: {  	v16 =	vadd.s32 v7, v16;
	vm9 =	vlt.s32 v12, $0x1;
	(v2sf) =	vpush v5, $0x0;
	s22 =	smulhi.u32 $0x92492493, s21;
	s23 =	sshra.s32 s21, $0x1F  }
0x1c2: {  	v23 =	vmul.u32 $0x7, v12;
	v21 =	vnsel vm9, $0x1, v12;
	v12 =	vadd.s32 $0x4E22, v12;
	s24 =	spop (v2sf);
	s15 =	smul.u32 $0x92492493, s23;
	s10 =	ssub.s32 s19, s18  }
0x1c3: {  	(v2sf) =	vpush v5, $0x2;
	s25 =	smulhi.u32 $0x92492493, s24;
	s26 =	sshra.s32 s24, $0x1F;
	s29 =	spop (v2sf);
	v8 =	vadd.f32 v13, v8;
	v13 =	vadd.s32 $0x520A, v14;
	v14 =	vld.idx.msk [tilespmem:v53+s6+$0x0], $0xffff  }
0x1c4: {  	vm9 =	vlt.s32 v18, $0x1;
	v20 =	vadd.s32 v7, v23;
	(v2sf) =	vpush v5, $0x3;
	s10 =	sadd.s32 s12, s10;
	s28 =	smul.u32 $0x92492493, s26;
	s13 =	ssub.s32 s22, s21  }
0x1c5: {  	v17 =	vld.idx.msk [tilespmem:v17+s8+$0x0], $0xffff;
	v15 =	vmul.u32 v21, v20;
	v21 =	vadd.s32 $0x4E22, v18;
	v18 =	vnsel vm9, $0x1, v18;
	s30 =	smulhi.u32 $0x92492493, s29;
	s31 =	sshra.s32 s29, $0x1F;
	s20 =	spop (v2sf)  }
0x1c6: {  	v23 =	vld.idx.msk [tilespmem:v54+s6+$0x0], $0xffff;
	vm9 =	vlt.s32 v19, $0x1;
	(v2sf) =	vpush v5, $0x4;
	v16 =	vmul.u32 v18, v16;
	s13 =	sadd.s32 s15, s13;
	s18 =	smul.u32 $0x92492493, s31;
	s11 =	ssub.s32 s25, s24  }
0x1c7: {  	v11 =	vld.idx.msk [tilespmem:v11+s8+$0x0], $0xffff;
	v18 =	vadd.s32 v7, v22;
	v22 =	vnsel vm9, $0x1, v19;
	s24 =	smulhi.u32 $0x92492493, s20;
	s25 =	sshra.s32 s20, $0x1F;
	v19 =	vadd.s32 $0x4E22, v19;
	s26 =	spop (v2sf)  }
0x1c8: {  	v6 =	vld.idx.msk [tilespmem:v6+s8+$0x0], $0xffff;
	(v2sf) =	vpush v5, $0x5;
	v15 =	vadd.s32 $0x520A, v15;
	s11 =	sadd.s32 s28, s11;
	s19 =	smul.u32 $0x92492493, s25;
	s17 =	ssub.s32 s30, s29;
	v24 =	vmul.u32 $0x7, v14  }
0x1c9: {  	v9 =	vld.idx.msk [tilespmem:v9+s8+$0x0], $0xffff;
	v18 =	vmul.u32 v22, v18;
	s21 =	smulhi.u32 $0x92492493, s26;
	s22 =	sshra.s32 s26, $0x1F;
	s28 =	spop (v2sf);
	(v2sf) =	vpush v5, $0x6;
	vm9 =	vlt.s32 v14, $0x1  }
0x1ca: {  	v12 =	vld.idx.msk [tilespmem:v12+s8+$0x0], $0xffff;
	v16 =	vadd.s32 $0x520A, v16;
	s12 =	sadd.s32 s18, s17;
	s23 =	smul.u32 $0x92492493, s22;
	s29 =	ssub.s32 s24, s20;
	v22 =	vadd.s32 v7, v24;
	v24 =	vnsel vm9, $0x1, v14  }
0x1cb: {  	s30 =	smulhi.u32 $0x92492493, s28;
	s31 =	sshra.s32 s28, $0x1F;
	s24 =	spop (v2sf);
	(v2sf) =	vpush v5, $0x7;
	v13 =	vld.idx.msk [tilespmem:v13+s8+$0x0], $0xffff;
	v22 =	vmul.u32 v24, v22;
	v24 =	vmul.u32 $0x7, v23  }
0x1cc: {  	v11 =	vadd.f32 $0.0e+00, v11;
	v18 =	vadd.s32 $0x520A, v18;
	s14 =	sadd.s32 s19, s29;
	s22 =	smul.u32 $0x92492493, s31;
	s25 =	ssub.s32 s21, s26;
	v21 =	vld.idx.msk [tilespmem:v21+s8+$0x0], $0xffff;
	vm9 =	vlt.s32 v23, $0x1  }
0x1cd: {  	s26 =	smulhi.u32 $0x92492493, s24;
	s29 =	sshra.s32 s24, $0x1F;
	s16 =	sadd.s32 s23, s25;
	v15 =	vld.idx.msk [tilespmem:v15+s8+$0x0], $0xffff;
	v7 =	vadd.s32 v7, v24;
	v24 =	vadd.s32 $0x4E22, v23;
	v23 =	vnsel vm9, $0x1, v23  }
0x1ce: {  	s20 =	smul.u32 $0x92492493, s29;
	s30 =	ssub.s32 s30, s28;
	v9 =	vadd.f32 v9, v11;
	v11 =	vld.idx.msk [tilespmem:v19+s8+$0x0], $0xffff;
	v19 =	vadd.s32 $0x520A, v22;
	s23 =	spop (v2sf);
	v7 =	vmul.u32 v23, v7  }
0x1cf: {  	s15 =	sadd.s32 s22, s30;
	v14 =	vadd.s32 $0x4E22, v14;
	v8 =	vadd.f32 v12, v8;
	v22 =	vld.idx.msk [tilespmem:v16+s8+$0x0], $0xffff;
	s31 =	smulhi.u32 $0x92492493, s23;
	s28 =	sshra.s32 s23, $0x1F  }
0x1d0: {  	v20 =	vld [tilespmem:$0x1ED0];
	s17 =	ssub.s32 s26, s24;
	v9 =	vadd.f32 v13, v9;
	s21 =	spop (v2sf);
	s29 =	smul.u32 $0x92492493, s28;
	v7 =	vadd.s32 $0x520A, v7  }
0x1d1: {  	s17 =	sadd.s32 s20, s17;
	v18 =	vld.idx.msk [tilespmem:v18+s8+$0x0], $0xffff;
	v8 =	vadd.f32 v21, v8;
	s30 =	smulhi.u32 $0x92492493, s21;
	s25 =	sshra.s32 s21, $0x1F  }
0x1d2: {  	v9 =	vadd.f32 v15, v9;
	s24 =	spop (v2sf);
	s26 =	smul.u32 $0x92492493, s25;
	s18 =	ssub.s32 s31, s23  }
0x1d3: {  	v8 =	vadd.f32 v11, v8;
	s31 =	smulhi.u32 $0x92492493, s24;
	s28 =	sshra.s32 s24, $0x1F;
	s25 =	spop (v2sf);
	v11 =	vld.idx.msk [tilespmem:v19+s8+$0x0], $0xffff  }
0x1d4: {  	v6 =	vadd.f32 v6, v17;
	v23 =	vld.idx.msk [tilespmem:v14+s8+$0x0], $0xffff;
	s18 =	sadd.s32 s29, s18;
	s29 =	smul.u32 $0x92492493, s28;
	s21 =	ssub.s32 s30, s21;
	v9 =	vadd.f32 v22, v9  }
0x1d5: {  	s22 =	smulhi.u32 $0x92492493, s25;
	s30 =	sshra.s32 s25, $0x1F;
	s20 =	sadd.s32 s26, s21;
	v7 =	vld.idx.msk [tilespmem:v7+s8+$0x0], $0xffff  }
0x1d6: {  	v6 =	vadd.f32 v6, v20;
	v21 =	vld.idx.msk [tilespmem:v24+s8+$0x0], $0xffff;
	s21 =	smul.u32 $0x92492493, s30;
	s26 =	spop (v2sf);
	s23 =	ssub.s32 s31, s24;
	v9 =	vadd.f32 v18, v9  }
0x1d7: {  	s24 =	smulhi.u32 $0x92492493, s26;
	s31 =	sshra.s32 s26, $0x1F;
	s19 =	sadd.s32 s29, s23  }
0x1d8: {  	v6 =	vadd.f32 v6, v3;
	s28 =	spop (v2sf);
	s30 =	ssub.s32 s22, s25;
	s29 =	smul.u32 $0x92492493, s31;
	v9 =	vadd.f32 v11, v9  }
0x1d9: {  	v22 =	vmov s13;
	v8 =	vadd.f32 v23, v8;
	s22 =	smulhi.u32 $0x92492493, s28;
	s13 =	sadd.s32 s21, s30;
	s21 =	spop (v2sf);
	v11 =	vmov s20  }
0x1da: {  	v12 =	vsel vm0, s10, v22;
	s25 =	ssub.s32 s24, s26;
	s24 =	smulhi.u32 $0x92492493, s21;
	s26 =	sshra.s32 s21, $0x1F;
	v7 =	vadd.f32 v7, v9;
	v9 =	vnsel vm3, $0x0, v11  }
0x1db: {  	s31 =	sshra.s32 s28, $0x1F;
	v23 =	vmov s16;
	s30 =	smul.u32 $0x92492493, s26;
	v8 =	vadd.f32 v21, v8;
	v11 =	vld.idx.msk [tilespmem:v55+s7+$0x0], $0xffff;
	v9 =	vsel vm0, s18, v9  }
0x1dc: {  	v12 =	vsel vm1, s11, v12;
	v13 =	vsel vm0, s14, v23;
	s29 =	sadd.s32 s29, s25;
	s20 =	smul.u32 $0x92492493, s31;
	s31 =	spop (v2sf);
	v9 =	vsel vm1, s19, v9  }
0x1dd: {  	s14 =	ssub.s32 s22, s28;
	v13 =	vsel vm1, s15, v13;
	s22 =	smulhi.u32 $0x92492493, s31;
	s23 =	sshra.s32 s31, $0x1F;
	v8 =	vmul.f32 $1.250000000e-01, v8;
	v9 =	vsel vm2, s13, v9  }
0x1de: {  	v12 =	vsel vm2, s12, v12;
	s25 =	ssub.s32 s24, s21;
	v13 =	vsel vm2, s17, v13;
	s10 =	sadd.s32 s20, s14;
	s14 =	smul.u32 $0x92492493, s23;
	v9 =	vsel vm4, s29, v9  }
0x1df: {  	s26 =	sadd.s32 s30, s25;
	s28 =	ssub.s32 s22, s31;
	v8 =	vadd.f32 v8, v4;
	v7 =	vmul.f32 $1.250000000e-01, v7;
	v9 =	vsel vm5, s10, v9  }
0x1e0: {  	v6 =	vmax.f32 v6, $0.0e+00;
	s29 =	sadd.s32 s14, s28;
	[tilespmem:$0x8D50] =	vst v11;
	v11 =	vcombine.low v13, v12;
	v9 =	vsel vm6, s26, v9  }
0x1e1: {  	v14 =	vmax.f32 v8, $0.0e+00;
	v7 =	vadd.f32 v7, v63;
	v8 =	vsel vm7, s29, v9  }
0x1e2: {  	[tilespmem:$0x8DD0] =	vst v6;
	v16 =	vperm.xlane v11, v0;
	v8 =	vperm.xlane v8, v2  }
0x1e3: {  	[tilespmem:$0x8E50] =	vst v14;
	v15 =	vmax.f32 v7, $0.0e+00  }
0x1e4: {  	[tilespmem:$0x8ED0] =	vst v15;
	v17 =	vsel vm8, v8, v16  }
0x1e5: {  	v18 =	vld.idx.msk [tilespmem:v56+s6+$0x0], $0xffff;
	v6 =	vadd.s32 v5, v17  }
0x1e6: {  	v9 =	vld.idx.msk [tilespmem:v57+s6+$0x0], $0xffff;
	v8 =	vshrl.u32 v6, $0x1F;
	v6 =	vshra.s32 v6, $0x2  }
0x1e7: {  	v8 =	vadd.s32 v8, v6;
	v6 =	vld [tilespmem:$0x170];
	_ =	sdelay $0x3  }
0x1e8: {  	v11 =	vmul.u32 $0x7, v18;
	vm9 =	vlt.s32 v18, $0x1;
	v8 =	vmul.u32 $0x7, v8  }
0x1e9: {  	v7 =	vadd.s32 $0x4E22, v18;
	v20 =	vmul.u32 $0x7, v9;
	(v2sf) =	vpush v6, $0xD  }
0x1ea: {  	v21 =	vadd.s32 $0x4E22, v9;
	v19 =	vnsel vm9, $0x1, v18;
	v8 =	vsub.s32 v5, v8  }
0x1eb: {  	vm9 =	vlt.s32 v9, $0x1;
	v11 =	vadd.s32 v8, v11;
	(v2sf) =	vpush v6, $0xC  }
0x1ec: {  	v14 =	vld.idx.msk [tilespmem:v59+s6+$0x0], $0xffff;
	v9 =	vnsel vm9, $0x1, v9;
	v12 =	vadd.s32 v8, v20;
	v11 =	vmul.u32 v19, v11  }
0x1ed: {  	v9 =	vmul.u32 v9, v12;
	v12 =	vld.idx.msk [tilespmem:v58+s6+$0x0], $0xffff;
	(v2sf) =	vpush v6, $0xE  }
0x1ee: {  	v18 =	vld.idx.msk [tilespmem:v60+s6+$0x0], $0xffff;
	v11 =	vadd.s32 $0x520A, v11;
	(v2sf) =	vpush v6, $0xF  }
0x1ef: {  	v16 =	vld [tilespmem:$0xE0];
	v9 =	vadd.s32 $0x520A, v9;
	(v2sf) =	vpush v6, $0x9  }
0x1f0: {  	v7 =	vld.idx.msk [tilespmem:v7+s8+$0x0], $0xffff  }
0x1f1: {  	v17 =	vld.idx.msk [tilespmem:v61+s6+$0x0], $0xffff;
	(v2sf) =	vpush v6, $0x8  }
0x1f2: {  	v5 =	vadd.s32 $0x2711, v5;
	v13 =	vld.idx.msk [tilespmem:v21+s8+$0x0], $0xffff;
	v19 =	vor.u32 $0x307, v1;
	v22 =	vmul.u32 $0x7, v12  }
0x1f3: {  	v20 =	vmul.u32 $0x7, v18;
	vm9 =	vlt.s32 v12, $0x1;
	(v2sf) =	vpush v6, $0xA;
	v11 =	vld.idx.msk [tilespmem:v11+s8+$0x0], $0xffff  }
0x1f4: {  	v23 =	vnsel vm9, $0x1, v12;
	v9 =	vld.idx.msk [tilespmem:v9+s8+$0x0], $0xffff;
	(v2sf) =	vpush v6, $0xB;
	v15 =	vadd.s32 v8, v22  }
0x1f5: {  	v20 =	vadd.s32 v8, v20;
	v7 =	vadd.f32 $0.0e+00, v7;
	v21 =	vmul.u32 v23, v15;
	v15 =	vld.idx.msk [tilespmem:v62+s6+$0x0], $0xffff  }
0x1f6: {  	vm9 =	vlt.s32 v14, $0x1;
	v12 =	vadd.s32 $0x4E22, v12;
	(v2sf) =	vpush v6, $0x1  }
0x1f7: {  	v7 =	vadd.f32 v13, v7;
	v22 =	vmul.u32 $0x7, v14;
	v23 =	vnsel vm9, $0x1, v14  }
0x1f8: {  	v14 =	vadd.s32 $0x4E22, v14;
	vm9 =	vlt.s32 v18, $0x1;
	v11 =	vadd.f32 $0.0e+00, v11;
	s30 =	spop (v2sf)  }
0x1f9: {  	v13 =	vadd.s32 $0x520A, v21;
	v21 =	vmul.u32 $0x7, v17;
	(v2sf) =	vpush v6, $0x0;
	s31 =	smulhi.u32 $0x92492493, s30;
	s13 =	sshra.s32 s30, $0x1F  }
0x1fa: {  	v24 =	vmul.u32 $0x7, v15;
	v9 =	vadd.f32 v9, v11;
	v11 =	vadd.s32 v8, v22;
	s14 =	spop (v2sf);
	s12 =	smul.u32 $0x92492493, s13  }
0x1fb: {  	v19 =	vld.idx.msk [tilespmem:v19+s6+$0x0], $0xffff;
	v22 =	vadd.s32 $0x4E22, v18;
	v18 =	vnsel vm9, $0x1, v18;
	v11 =	vmul.u32 v23, v11;
	s16 =	smulhi.u32 $0x92492493, s14;
	s17 =	sshra.s32 s14, $0x1F  }
0x1fc: {  	v16 =	vld.idx.msk [tilespmem:v16+s8+$0x0], $0xffff;
	vm9 =	vlt.s32 v17, $0x1;
	v18 =	vmul.u32 v18, v20;
	v20 =	vadd.s32 v8, v21;
	s18 =	spop (v2sf);
	s15 =	smul.u32 $0x92492493, s17  }
0x1fd: {  	v5 =	vld.idx.msk [tilespmem:v5+s8+$0x0], $0xffff;
	v21 =	vnsel vm9, $0x1, v17;
	(v2sf) =	vpush v6, $0x2;
	v11 =	vadd.s32 $0x520A, v11;
	s17 =	spop (v2sf);
	s26 =	smulhi.u32 $0x92492493, s18;
	s28 =	sshra.s32 s18, $0x1F  }
0x1fe: {  	v12 =	vld.idx.msk [tilespmem:v12+s8+$0x0], $0xffff;
	vm9 =	vlt.s32 v15, $0x1;
	v20 =	vmul.u32 v21, v20;
	v21 =	vadd.s32 v8, v24;
	s10 =	ssub.s32 s31, s30;
	s20 =	spop (v2sf);
	s29 =	smul.u32 $0x92492493, s28  }
0x1ff: {  	v14 =	vld.idx.msk [tilespmem:v14+s8+$0x0], $0xffff;
	v24 =	vnsel vm9, $0x1, v15;
	(v2sf) =	vpush v6, $0x3;
	v18 =	vadd.s32 $0x520A, v18;
	s30 =	smulhi.u32 $0x92492493, s17;
	s31 =	sshra.s32 s17, $0x1F;
	s12 =	sadd.s32 s12, s10  }
0x200: {  	v13 =	vld.idx.msk [tilespmem:v13+s8+$0x0], $0xffff;
	v17 =	vadd.s32 $0x4E22, v17;
	v21 =	vmul.u32 v24, v21;
	v24 =	vmul.u32 $0x7, v19;
	s23 =	ssub.s32 s16, s14;
	s22 =	spop (v2sf);
	s14 =	smul.u32 $0x92492493, s31  }
0x201: {  	v23 =	vld [tilespmem:$0x1EE0];
	vm9 =	vlt.s32 v19, $0x1;
	(v2sf) =	vpush v6, $0x4;
	v20 =	vadd.s32 $0x520A, v20;
	s21 =	smulhi.u32 $0x92492493, s20;
	s25 =	sshra.s32 s20, $0x1F;
	s13 =	sadd.s32 s15, s23  }
0x202: {  	v15 =	vadd.s32 $0x4E22, v15;
	v8 =	vadd.s32 v8, v24;
	v24 =	vnsel vm9, $0x1, v19;
	s26 =	ssub.s32 s26, s18;
	s24 =	spop (v2sf);
	s15 =	smul.u32 $0x92492493, s25;
	v11 =	vld.idx.msk [tilespmem:v11+s8+$0x0], $0xffff  }
0x203: {  	v22 =	vld.idx.msk [tilespmem:v22+s8+$0x0], $0xffff;
	v21 =	vadd.s32 $0x520A, v21;
	v8 =	vmul.u32 v24, v8;
	s16 =	smulhi.u32 $0x92492493, s22;
	s28 =	sshra.s32 s22, $0x1F;
	s23 =	spop (v2sf);
	(v2sf) =	vpush v6, $0x5  }
0x204: {  	v7 =	vadd.f32 v12, v7;
	s10 =	sadd.s32 s29, s26;
	s29 =	ssub.s32 s30, s17;
	s30 =	smul.u32 $0x92492493, s28;
	v12 =	vld.idx.msk [tilespmem:v18+s8+$0x0], $0xffff;
	v18 =	vadd.s32 $0x4E22, v19  }
0x205: {  	v9 =	vadd.f32 v13, v9;
	v13 =	vld.idx.msk [tilespmem:v17+s8+$0x0], $0xffff;
	s18 =	smulhi.u32 $0x92492493, s24;
	s31 =	sshra.s32 s24, $0x1F;
	v8 =	vadd.s32 $0x520A, v8;
	s25 =	spop (v2sf);
	(v2sf) =	vpush v6, $0x6  }
0x206: {  	v7 =	vadd.f32 v14, v7;
	s11 =	sadd.s32 s14, s29;
	s21 =	ssub.s32 s21, s20;
	s19 =	smul.u32 $0x92492493, s31;
	v14 =	vld.idx.msk [tilespmem:v20+s8+$0x0], $0xffff  }
0x207: {  	s20 =	smulhi.u32 $0x92492493, s23;
	s28 =	sshra.s32 s23, $0x1F;
	s14 =	sadd.s32 s15, s21;
	v9 =	vadd.f32 v11, v9;
	v11 =	vld.idx.msk [tilespmem:v15+s8+$0x0], $0xffff  }
0x208: {  	s29 =	ssub.s32 s16, s22;
	s21 =	smul.u32 $0x92492493, s28;
	v7 =	vadd.f32 v22, v7;
	v20 =	vld.idx.msk [tilespmem:v21+s8+$0x0], $0xffff;
	s26 =	spop (v2sf);
	(v2sf) =	vpush v6, $0x7  }
0x209: {  	s16 =	sadd.s32 s30, s29;
	s22 =	smulhi.u32 $0x92492493, s25;
	s30 =	sshra.s32 s25, $0x1F;
	v21 =	vld.idx.msk [tilespmem:v18+s8+$0x0], $0xffff;
	v9 =	vadd.f32 v12, v9  }
0x20a: {  	s31 =	ssub.s32 s18, s24;
	v22 =	vadd.s32 $0x12C0, v10;
	s18 =	smul.u32 $0x92492493, s30;
	s23 =	ssub.s32 s20, s23;
	v7 =	vadd.f32 v13, v7;
	v8 =	vld.idx.msk [tilespmem:v8+s8+$0x0], $0xffff  }
0x20b: {  	v5 =	vadd.f32 v5, v16;
	s17 =	sadd.s32 s19, s31;
	s20 =	smulhi.u32 $0x92492493, s26;
	s24 =	sshra.s32 s26, $0x1F;
	v9 =	vadd.f32 v14, v9  }
0x20c: {  	s15 =	sadd.s32 s21, s23;
	s28 =	spop (v2sf);
	s29 =	smul.u32 $0x92492493, s24;
	v7 =	vadd.f32 v11, v7  }
0x20d: {  	v5 =	vadd.f32 v5, v23;
	s30 =	ssub.s32 s22, s25;
	s31 =	smulhi.u32 $0x92492493, s28;
	s25 =	sshra.s32 s28, $0x1F;
	v9 =	vadd.f32 v20, v9  }
0x20e: {  	s18 =	sadd.s32 s18, s30;
	s24 =	spop (v2sf);
	s21 =	smul.u32 $0x92492493, s25;
	v7 =	vadd.f32 v21, v7  }
0x20f: {  	v5 =	vadd.f32 v5, v3;
	v11 =	vld.idx.msk [tilespmem:v22+s7+$0x0], $0xffff;
	s20 =	ssub.s32 s20, s26;
	s23 =	smulhi.u32 $0x92492493, s24;
	s26 =	sshra.s32 s24, $0x1F;
	v8 =	vadd.f32 v8, v9  }
0x210: {  	s19 =	sadd.s32 s29, s20;
	s20 =	spop (v2sf);
	s25 =	smul.u32 $0x92492493, s26;
	v7 =	vmul.f32 $1.250000000e-01, v7  }
0x211: {  	v5 =	vmax.f32 v5, $0.0e+00;
	s29 =	ssub.s32 s31, s28;
	v21 =	vor.u32 $0x380, v1;
	s30 =	smulhi.u32 $0x92492493, s20;
	s31 =	sshra.s32 s20, $0x1F;
	v8 =	vmul.f32 $1.250000000e-01, v8  }
0x212: {  	v9 =	vmov s13;
	s21 =	sadd.s32 s21, s29;
	v20 =	vmov s19;
	s26 =	smul.u32 $0x92492493, s31;
	s13 =	spop (v2sf);
	v7 =	vadd.f32 v7, v4  }
0x213: {  	v23 =	vmov s16;
	[tilespmem:$0x8DE0] =	vst v5;
	s28 =	ssub.s32 s23, s24;
	v12 =	vnsel vm3, $0x0, v20;
	s23 =	smulhi.u32 $0x92492493, s13;
	s29 =	sshra.s32 s13, $0x1F;
	v8 =	vadd.f32 v8, v63  }
0x214: {  	v22 =	vor.u32 $0x381, v1;
	s19 =	sadd.s32 s25, s28;
	[tilespmem:$0x8D60] =	vst v11;
	v11 =	vsel vm0, s18, v12;
	s25 =	spop (v2sf);
	s24 =	smul.u32 $0x92492493, s29;
	v15 =	vmax.f32 v7, $0.0e+00  }
0x215: {  	v9 =	vsel vm0, s12, v9;
	s30 =	ssub.s32 s30, s20;
	v11 =	vsel vm1, s21, v11;
	s20 =	smulhi.u32 $0x92492493, s25;
	s31 =	sshra.s32 s25, $0x1F;
	[tilespmem:$0x8E60] =	vst v15;
	v17 =	vmax.f32 v8, $0.0e+00  }
0x216: {  	v16 =	vsel vm0, s14, v23;
	v9 =	vsel vm1, s10, v9;
	s26 =	sadd.s32 s26, s30;
	s28 =	smul.u32 $0x92492493, s31;
	s13 =	ssub.s32 s23, s13;
	v8 =	vsel vm2, s19, v11;
	[tilespmem:$0x8EE0] =	vst v17  }
0x217: {  	v18 =	vsel vm2, s11, v9;
	v7 =	vsel vm1, s17, v16;
	s13 =	sadd.s32 s24, s13;
	s17 =	ssub.s32 s20, s25;
	v8 =	vsel vm4, s26, v8;
	v9 =	vld.idx.msk [tilespmem:v21+s6+$0x0], $0xffff;
	s29 =	spop (v2sf)  }
0x218: {  	s20 =	sadd.s32 s28, s17;
	v8 =	vsel vm5, s13, v8;
	s30 =	smulhi.u32 $0x92492493, s29;
	s31 =	sshra.s32 s29, $0x1F  }
0x219: {  	v19 =	vsel vm6, s20, v8;
	v8 =	vld.idx.msk [tilespmem:v22+s6+$0x0], $0xffff;
	s19 =	smul.u32 $0x92492493, s31  }
0x21a: {  	v7 =	vsel vm2, s15, v7;
	v15 =	vor.u32 $0x386, v1;
	s21 =	ssub.s32 s30, s29  }
0x21b: {  	v5 =	vcombine.low v7, v18;
	v22 =	vor.u32 $0x382, v1;
	s22 =	sadd.s32 s19, s21  }
0x21c: {  	v20 =	vadd.s32 $0x4E22, v9;
	v7 =	vsel vm7, s22, v19  }
0x21d: {  	v5 =	vperm.xlane v5, v0;
	v7 =	vperm.xlane v7, v2  }
0x21e: {  	v11 =	vadd.s32 $0x4E22, v8  }
0x21f: {  	v23 =	vor.u32 $0x383, v1;
	v15 =	vld.idx.msk [tilespmem:v15+s6+$0x0], $0xffff;
	v5 =	vsel vm8, v7, v5  }
0x220: {  	v13 =	vld.idx.msk [tilespmem:v22+s6+$0x0], $0xffff;
	v5 =	vadd.s32 v6, v5  }
0x221: {  	v7 =	vld.idx.msk [tilespmem:v20+s8+$0x0], $0xffff;
	v21 =	vshrl.u32 v5, $0x1F;
	v5 =	vshra.s32 v5, $0x2  }
0x222: {  	v16 =	vor.u32 $0x385, v1;
	v17 =	vld [tilespmem:$0xF0];
	v20 =	vor.u32 $0x384, v1;
	v5 =	vadd.s32 v21, v5  }
0x223: {  	vm9 =	vlt.s32 v9, $0x1;
	v19 =	vmul.u32 $0x7, v9;
	v11 =	vld.idx.msk [tilespmem:v11+s8+$0x0], $0xffff;
	v5 =	vmul.u32 $0x7, v5  }
0x224: {  	v12 =	vld.idx.msk [tilespmem:v23+s6+$0x0], $0xffff;
	v9 =	vnsel vm9, $0x1, v9;
	vm9 =	vlt.s32 v8, $0x1;
	v23 =	vmul.u32 $0x7, v15  }
0x225: {  	v18 =	vadd.s32 $0x4E22, v13;
	v21 =	vmul.u32 $0x7, v8;
	v5 =	vsub.s32 v6, v5  }
0x226: {  	v8 =	vnsel vm9, $0x1, v8;
	v7 =	vadd.f32 $0.0e+00, v7;
	v14 =	vadd.s32 v5, v19  }
0x227: {  	vm9 =	vlt.s32 v13, $0x1;
	v6 =	vadd.s32 $0x2711, v6;
	v9 =	vmul.u32 v9, v14;
	v14 =	vld.idx.msk [tilespmem:v20+s6+$0x0], $0xffff  }
0x228: {  	v22 =	vadd.s32 v5, v21;
	v7 =	vadd.f32 v11, v7;
	v11 =	vmul.u32 $0x7, v13  }
0x229: {  	v19 =	vor.u32 $0x387, v1;
	v13 =	vnsel vm9, $0x1, v13;
	v8 =	vmul.u32 v8, v22  }
0x22a: {  	v16 =	vld.idx.msk [tilespmem:v16+s6+$0x0], $0xffff;
	vm9 =	vlt.s32 v12, $0x1;
	v20 =	vmul.u32 $0x7, v12;
	v9 =	vadd.s32 $0x520A, v9  }
0x22b: {  	v22 =	vnsel vm9, $0x1, v12;
	v11 =	vadd.s32 v5, v11;
	v8 =	vadd.s32 $0x520A, v8  }
0x22c: {  	v17 =	vld.idx.msk [tilespmem:v17+s8+$0x0], $0xffff;
	v11 =	vmul.u32 v13, v11;
	v20 =	vadd.s32 v5, v20;
	v13 =	vmul.u32 $0x7, v14  }
0x22d: {  	v18 =	vld.idx.msk [tilespmem:v18+s8+$0x0], $0xffff;
	v23 =	vadd.s32 v5, v23;
	v20 =	vmul.u32 v22, v20;
	vm9 =	vlt.s32 v14, $0x1  }
0x22e: {  	v11 =	vadd.s32 $0x520A, v11;
	v19 =	vld.idx.msk [tilespmem:v19+s6+$0x0], $0xffff;
	v22 =	vnsel vm9, $0x1, v14;
	v13 =	vadd.s32 v5, v13  }
0x22f: {  	v12 =	vadd.s32 $0x4E22, v12;
	v9 =	vld.idx.msk [tilespmem:v9+s8+$0x0], $0xffff;
	v13 =	vmul.u32 v22, v13;
	v22 =	vmul.u32 $0x7, v16  }
0x230: {  	v21 =	vld [tilespmem:$0x1EF0];
	v20 =	vadd.s32 $0x520A, v20;
	v14 =	vadd.s32 $0x4E22, v14;
	vm9 =	vlt.s32 v16, $0x1  }
0x231: {  	v8 =	vld.idx.msk [tilespmem:v8+s8+$0x0], $0xffff;
	v24 =	vnsel vm9, $0x1, v16;
	vm9 =	vlt.s32 v15, $0x1;
	v22 =	vadd.s32 v5, v22  }
0x232: {  	v6 =	vld.idx.msk [tilespmem:v6+s8+$0x0], $0xffff;
	v13 =	vadd.s32 $0x520A, v13;
	v22 =	vmul.u32 v24, v22;
	v24 =	vnsel vm9, $0x1, v15  }
0x233: {  	v16 =	vadd.s32 $0x4E22, v16;
	v11 =	vld.idx.msk [tilespmem:v11+s8+$0x0], $0xffff;
	v23 =	vmul.u32 v24, v23;
	v24 =	vmul.u32 $0x7, v19  }
0x234: {  	v12 =	vld.idx.msk [tilespmem:v12+s8+$0x0], $0xffff;
	vm9 =	vlt.s32 v19, $0x1;
	v9 =	vadd.f32 $0.0e+00, v9;
	v22 =	vadd.s32 $0x520A, v22  }
0x235: {  	v20 =	vld.idx.msk [tilespmem:v20+s8+$0x0], $0xffff;
	v15 =	vadd.s32 $0x4E22, v15;
	v5 =	vadd.s32 v5, v24;
	v24 =	vnsel vm9, $0x1, v19  }
0x236: {  	v8 =	vadd.f32 v8, v9;
	v9 =	vld.idx.msk [tilespmem:v14+s8+$0x0], $0xffff;
	v14 =	vadd.s32 $0x520A, v23;
	v5 =	vmul.u32 v24, v5  }
0x237: {  	v7 =	vadd.f32 v18, v7;
	v23 =	vadd.s32 $0x4E22, v19;
	v13 =	vld.idx.msk [tilespmem:v13+s8+$0x0], $0xffff  }
0x238: {  	v8 =	vadd.f32 v11, v8;
	v11 =	vld.idx.msk [tilespmem:v16+s8+$0x0], $0xffff;
	v5 =	vadd.s32 $0x520A, v5  }
0x239: {  	v7 =	vadd.f32 v12, v7;
	v19 =	vld.idx.msk [tilespmem:v22+s8+$0x0], $0xffff  }
0x23a: {  	v15 =	vld.idx.msk [tilespmem:v15+s8+$0x0], $0xffff;
	v8 =	vadd.f32 v20, v8  }
0x23b: {  	v7 =	vadd.f32 v9, v7;
	v9 =	vld.idx.msk [tilespmem:v14+s8+$0x0], $0xffff  }
0x23c: {  	v22 =	vld.idx.msk [tilespmem:v23+s8+$0x0], $0xffff;
	v8 =	vadd.f32 v13, v8  }
0x23d: {  	v23 =	vadd.s32 $0x15E0, v10;
	v7 =	vadd.f32 v11, v7;
	v5 =	vld.idx.msk [tilespmem:v5+s8+$0x0], $0xffff  }
0x23e: {  	v8 =	vadd.f32 v19, v8  }
0x23f: {  	v6 =	vadd.f32 v6, v17;
	v7 =	vadd.f32 v15, v7  }
0x240: {  	v8 =	vadd.f32 v9, v8  }
0x241: {  	v6 =	vadd.f32 v6, v21;
	v7 =	vadd.f32 v22, v7  }
0x242: {  	v9 =	vld.idx.msk [tilespmem:v23+s7+$0x0], $0xffff;
	v5 =	vadd.f32 v5, v8  }
0x243: {  	v3 =	vadd.f32 v6, v3;
	v7 =	vmul.f32 $1.250000000e-01, v7  }
0x244: {  	v5 =	vmul.f32 $1.250000000e-01, v5  }
0x245: {  	v3 =	vmax.f32 v3, $0.0e+00;
	v4 =	vadd.f32 v7, v4  }
0x246: {  	[tilespmem:$0x8DF0] =	vst v3;
	v5 =	vadd.f32 v5, v63  }
0x247: {  	[tilespmem:$0x8D70] =	vst v9;
	v3 =	vmax.f32 v4, $0.0e+00  }
0x248: {  	s23 =	rddreg [dreg:$0x10];
	[tilespmem:$0x8E70] =	vst v3;
	v3 =	vmax.f32 v5, $0.0e+00  }
0x249: {  	s24 =	rddreg [dreg:$0x16];
	[tilespmem:$0x8EF0] =	vst v3  }
0x24a: {  	[hbm4b:s23+s2] =	stream.linear.scatter [tilespmem:s24], [sflag:$0x2], $0x80, $0x38;
	[tilespmem:$0x8F00] =	vst v63  }
0x24b: {  	_ =	swait.ge [sflag:s4], $0x80  }
0x24c: {  	s25 =	rddreg [dreg:$0x11];
	[sflag:s4] =	ssyncset.done $0x0  }
0x24d: {  	s26 =	rddreg [dreg:$0x17];
	[sflag:s4] =	ssyncadd.s32 $0xFFFFFF80  }
0x24e: {  	[hbm4b:s25+s2] =	stream.linear.scatter [tilespmem:s26], [sflag:$0x2], $0x80, $0x38;
	[tilespmem:$0x8F00] =	vst v63  }
0x24f: {  	_ =	swait.ge [sflag:s4], $0x80  }
0x250: {  	s28 =	rddreg [dreg:$0x12];
	[sflag:s4] =	ssyncset.done $0x0  }
0x251: {  	s29 =	rddreg [dreg:$0x18];
	[sflag:s4] =	ssyncadd.s32 $0xFFFFFF80  }
0x252: {  	[hbm4b:s28+s2] =	stream.linear.scatter [tilespmem:s29], [sflag:$0x2], $0x80, $0x38;
	[tilespmem:$0x8F00] =	vst v63  }
0x253: {  	_ =	swait.ge [sflag:s4], $0x80  }
0x254: {  	p0 =	sne.s32 s3, $0x1;
	s30 =	rddreg [dreg:$0x13];
	[sflag:s4] =	ssyncset.done $0x0  }
.Ltmp0:
0x255: {  	s31 =	rddreg [dreg:$0x19];
	[sflag:s4] =	ssyncadd.s32 $0xFFFFFF80;
	(pc) =	sbr.rel @p0 .LBB2_1-.Ltmp0, $4  }
0x256: {  	[hbm4b:s30+s2] =	stream.linear.scatter [tilespmem:s31], [sflag:$0x2], $0x80, $0x38;
	[tilespmem:$0x8F00] =	vst v63  }
0x257: {  	_ =	swait.ge [sflag:s4], $0x80  }
0x258: {  	[sflag:s4] =	ssyncset.done $0x0  }
0x259: {  	s3 =	sadd.s32 $0xFFFFFFFF, s3;
	[sflag:s4] =	ssyncadd.s32 $0xFFFFFF80  }
0x25a: {  	_ =	sfence.sel $0x180000  }
0x25b: {  	[bflag:$0x0] =	sbarrier.arrive $0xFFFF  }
0x25c: {  	p0 =	sne.s32 s1, $0x0;
	_ =	strace $0x90000047  }
0x25d: {  	s0 =	sadd.s32 @!p0 $0x100000, s0;
	[bflag:$0x2] =	sbarrier.arrive $0xFFFF  }
0x25e: {  	[sflag:s0] =	ssyncadd.tile.s32 @!p0 $0x1;
	_ =	shalt  }
.Lfunc_end2:
_tile_overlayer_lowered:
.L_overlay_start_2:
0x25f: {  	(tag) =	ssettag $0x2  }
0x260: {  	s0 =	rddreg [dreg:$0x0];
	s2 =	stileid.u32  }
0x261: {  	s1 =	rddreg [dreg:$0x1];
	p0 =	sne.s32 s2, $0x0  }
0x262: {  	s3 =	rddreg [dreg:$0x2];
	[bflag:$0x3] =	sbarrier.arrive $0xFFFF;
	s2 =	simm.s32 @!p0 $0x1C02  }
0x263: {  	[timem:s3], [sflag:s2] =	dma.local @!p0 [hbm:s0], s1  }
0x264: {  	s0 =	simm.s32 @!p0 $0x2  }
0x265: {  	_ =	swait.ge @!p0 [sflag:s0], s1  }
0x266: {  	s1 =	ssub.s32 @!p0 $0x0, s1;
	[sflag:s0] =	ssyncset.done @!p0 $0x0  }
0x267: {  	[sflag:s0] =	ssyncadd.s32 @!p0 s1  }
0x268: {  	[bflag:$0x3] =	sbarrier.arrive $0xFFFF  }
0x269: {  	_ =	shalt  }

</sc_bundles>
